<compile_context>
chip_gen: v7x
topology: tpu7x:2x2x1
jax: 0.10.2.dev20260603
libtpu: 0.0.44.dev20260713+nightly
codegen_flags: <defaults>
</compile_context>

<pallas_src>
import functools

import jax
import jax.numpy as jnp
from jax import lax
from jax.experimental import pallas as pl
from jax.experimental.pallas import tpu as pltpu
from jax.experimental.pallas import tpu_sc as plsc

H_HEADS = 4
C_HEAD = 32
FDIM = H_HEADS * C_HEAD
AUG = 144
ALW = 16
NC = 2
NS = 16
LANES = 16
CHUNK = 96


def _prep_body(s_nodes, blk, hist_ref, stat_ref, w8_ref, w120_ref, ps_ref,
               pd_ref, haug_ref, albar_ref):
    n = pl.program_id(1)
    hist = hist_ref[0, 0]
    stat = stat_ref[0]
    h = (jnp.dot(hist, w8_ref[...], preferred_element_type=jnp.float32)
         + jnp.dot(stat, w120_ref[...], preferred_element_type=jnp.float32))
    rows = n * blk + lax.broadcasted_iota(jnp.int32, (blk, 1), 0)
    h = jnp.where(rows < s_nodes, h, 0.0)
    als = jnp.dot(h, ps_ref[...], preferred_element_type=jnp.float32)
    ald = jnp.dot(h, pd_ref[...], preferred_element_type=jnp.float32)
    haug_ref[0] = jnp.concatenate(
        [h, als, jnp.zeros((blk, AUG - FDIM - H_HEADS), jnp.float32)],
        axis=-1)
    albar_ref[0] = jnp.concatenate(
        [als, ald, jnp.zeros((blk, ALW - 2 * H_HEADS), jnp.float32)], axis=-1)


def _edge_body(pn, nchunks, edges_pt, g_per_core,
               haug_hbm, albar_hbm, idx_hbm, zeros_hbm, out_hbm,
               sd_c0, sd_c1, srcg0, srcg1, dstg0, dstg1,
               dst_s0, dst_s1, rows_v0, rows_v1, ad_v0, ad_v1,
               ex_v, acc_sh, gsem0, gsem1, ssem0, ssem1, isem0, isem1):
    sd_c = (sd_c0, sd_c1)
    srcg = (srcg0, srcg1)
    dstg = (dstg0, dstg1)
    dst_s = (dst_s0, dst_s1)
    rows_v = (rows_v0, rows_v1)
    ad_v = (ad_v0, ad_v1)
    gsem = (gsem0, gsem1)
    ssem = (ssem0, ssem1)
    isem = (isem0, isem1)
    c = lax.axis_index("c")
    s = lax.axis_index("s")
    rows_pt = pn // NS
    lane = lax.broadcasted_iota(jnp.int32, (LANES,), 0)
    row_sub = lane >> 2
    col_s = lane & 3
    col_d = col_s + H_HEADS
    zf = jnp.zeros((LANES,), jnp.float32)
    slope = jnp.full((LANES,), 0.2, jnp.float32)

    @pl.loop(0, g_per_core)
    def _graph(gi):
        g = c * g_per_core + gi
        base = g * pn
        pltpu.sync_copy(zeros_hbm.at[pl.ds(s * rows_pt, rows_pt)],
                        acc_sh.at[pl.ds(s * rows_pt, rows_pt)])
        plsc.subcore_barrier()

        def issue_idx(b, ci):
            pltpu.async_copy(idx_hbm.at[s, :, pl.ds(ci * CHUNK, CHUNK)],
                             sd_c[b], isem[b])

        def wait_idx(b):
            pltpu.make_async_copy(idx_hbm.at[s, :, pl.ds(0, CHUNK)],
                                  sd_c[b], isem[b]).wait()

        def issue_gathers(b):
            @pl.loop(0, CHUNK // LANES)
            def _ix(q):
                sv = sd_c[b][0, pl.ds(q * LANES, LANES)]
                dv = sd_c[b][1, pl.ds(q * LANES, LANES)]
                srcg[b][pl.ds(q * LANES, LANES)] = sv + base
                dstg[b][pl.ds(q * LANES, LANES)] = dv + base

            pltpu.async_copy(haug_hbm.at[srcg[b]], rows_v[b], gsem[b])
            pltpu.async_copy(albar_hbm.at[dstg[b]], ad_v[b], gsem[b])

        def wait_gathers(b):
            pltpu.make_async_copy(haug_hbm.at[srcg[b]], rows_v[b],
                                  gsem[b]).wait()
            pltpu.make_async_copy(albar_hbm.at[dstg[b]], ad_v[b],
                                  gsem[b]).wait()

        def compute(b):
            @pl.loop(0, CHUNK // 4)
            def _ex(q):
                r = q * 4 + row_sub
                e = (plsc.load_gather(rows_v[b], [r, FDIM + col_s])
                     + plsc.load_gather(ad_v[b], [r, col_d]))
                e = jnp.where(e >= zf, e, slope * e)
                ex_v[pl.ds(q * LANES, LANES)] = jnp.exp(e)

            @pl.loop(0, CHUNK // 4)
            def _mul(q):
                exq = ex_v[pl.ds(q * LANES, LANES)]
                for j in range(4):
                    ei = q * 4 + j
                    for hh in range(H_HEADS):
                        exs = exq[j * H_HEADS + hh]
                        for k2 in range(2):
                            kk = hh * 2 + k2
                            rows_v[b][ei, pl.ds(kk * LANES, LANES)] = (
                                rows_v[b][ei, pl.ds(kk * LANES, LANES)]
                                * exs)
                    exrow = jnp.where(
                        lane < H_HEADS,
                        plsc.load_gather(
                            ex_v, [q * LANES + j * H_HEADS
                                   + (lane % H_HEADS)]),
                        0.0)
                    rows_v[b][ei, pl.ds(FDIM, LANES)] = exrow

        def issue_scatter(b):
            @pl.loop(0, CHUNK // LANES)
            def _cp(q):
                dst_s[b][pl.ds(q * LANES, LANES)] = (
                    sd_c[b][1, pl.ds(q * LANES, LANES)])

            pltpu.async_copy(rows_v[b], acc_sh.at[dst_s[b]], ssem[b],
                             add=True)

        def wait_scatter(b):
            pltpu.make_async_copy(rows_v[b], acc_sh.at[dst_s[b]],
                                  ssem[b]).wait()

        issue_idx(0, 0)
        wait_idx(0)
        issue_gathers(0)
        issue_idx(1, 1)

        @pl.loop(0, nchunks // 2)
        def _pair(cp):
            for b in range(2):
                ci = cp * 2 + b
                nb = 1 - b

                @pl.when(ci >= 1)
                def _drain():
                    wait_scatter(nb)

                @pl.when(ci + 1 < nchunks)
                def _prefetch():
                    wait_idx(nb)
                    issue_gathers(nb)

                wait_gathers(b)
                compute(b)
                issue_scatter(b)

                @pl.when(ci + 2 < nchunks)
                def _pref_idx():
                    issue_idx(b, ci + 2)

        wait_scatter(1)
        plsc.subcore_barrier()
        pltpu.sync_copy(acc_sh.at[pl.ds(s * rows_pt, rows_pt)],
                        out_hbm.at[g, pl.ds(s * rows_pt, rows_pt)])


def _rnn_body(blk, nd_ref, bgat_ref, r_ref, wih_ref, whh_ref, bih_ref,
              bhh_ref, wfc_ref, bfc_ref, out_ref):
    t_steps = nd_ref.shape[1]
    hl = whh_ref.shape[1] // 4
    h = jnp.zeros((blk, hl), jnp.float32)
    c = jnp.zeros((blk, hl), jnp.float32)
    for t in range(t_steps):
        num = nd_ref[0, t, :, 0:FDIM]
        den = nd_ref[0, t, :, FDIM:FDIM + H_HEADS]
        den = den + (den == 0.0).astype(jnp.float32)
        x = num * jnp.dot(1.0 / den, r_ref[...],
                          preferred_element_type=jnp.float32) + bgat_ref[...]
        g = (jnp.dot(x, wih_ref[...], preferred_element_type=jnp.float32)
             + jnp.dot(h, whh_ref[...], preferred_element_type=jnp.float32)
             + bih_ref[...] + bhh_ref[...])
        gi = jax.nn.sigmoid(g[:, 0:hl])
        gf = jax.nn.sigmoid(g[:, hl:2 * hl])
        gg = jnp.tanh(g[:, 2 * hl:3 * hl])
        go = jax.nn.sigmoid(g[:, 3 * hl:4 * hl])
        c = gf * c + gi * gg
        h = go * jnp.tanh(c)
    out_ref[0] = jax.nn.relu(
        jnp.dot(h, wfc_ref[...], preferred_element_type=jnp.float32)
        + bfc_ref[...])


def kernel(hist_demand_seq, static_attr, edge_index_shared, W_gat, a_src,
           a_dst, b_gat, W_ih, W_hh, b_ih, b_hh, W_fc, b_fc):
    B, T, S, Dh = hist_demand_seq.shape
    G = B * T
    PN = -(-(S + 1) // 512) * 512
    rows_pt = PN // NS
    E = edge_index_shared.shape[1]
    ETOT = E + S
    EPAD = -(-ETOT // (NS * CHUNK * 2)) * (NS * CHUNK * 2)
    edges_pt = EPAD // NS
    nchunks = edges_pt // CHUNK
    g_per_core = G // NC

    loops = jnp.arange(S, dtype=edge_index_shared.dtype)
    pad = jnp.full((EPAD - ETOT,), S, edge_index_shared.dtype)
    src = jnp.concatenate([edge_index_shared[0], loops, pad])
    dst = jnp.concatenate([edge_index_shared[1], loops, pad])
    idx_packed = jnp.stack(
        [src.reshape(NS, edges_pt), dst.reshape(NS, edges_pt)], axis=1)
    eye = jnp.eye(H_HEADS, dtype=jnp.float32)
    p_src = (a_src[:, :, None] * eye[:, None, :]).reshape(FDIM, H_HEADS)
    p_dst = (a_dst[:, :, None] * eye[:, None, :]).reshape(FDIM, H_HEADS)
    r_mat = jnp.kron(eye, jnp.ones((1, C_HEAD), jnp.float32))
    w8 = W_gat[:Dh]
    w120 = W_gat[Dh:]
    hist_p = jnp.pad(hist_demand_seq, ((0, 0), (0, 0), (0, PN - S), (0, 0)))
    stat_p = jnp.pad(static_attr, ((0, 0), (0, PN - S), (0, 0)))
    wih_t = W_ih.T
    whh_t = W_hh.T
    wfc_t = W_fc.T
    zeros_hbm = jnp.zeros((PN, AUG), jnp.float32)

    BLKA = 512
    prep = pl.pallas_call(
        functools.partial(_prep_body, S, BLKA),
        grid=(G, PN // BLKA),
        in_specs=[
            pl.BlockSpec((1, 1, BLKA, Dh), lambda g, n: (g // T, g % T, n, 0)),
            pl.BlockSpec((1, BLKA, static_attr.shape[-1]),
                         lambda g, n: (g // T, n, 0)),
            pl.BlockSpec((Dh, FDIM), lambda g, n: (0, 0)),
            pl.BlockSpec((W_gat.shape[0] - Dh, FDIM), lambda g, n: (0, 0)),
            pl.BlockSpec((FDIM, H_HEADS), lambda g, n: (0, 0)),
            pl.BlockSpec((FDIM, H_HEADS), lambda g, n: (0, 0)),
        ],
        out_specs=[
            pl.BlockSpec((1, BLKA, AUG), lambda g, n: (g, n, 0)),
            pl.BlockSpec((1, BLKA, ALW), lambda g, n: (g, n, 0)),
        ],
        out_shape=[
            jax.ShapeDtypeStruct((G, PN, AUG), jnp.float32),
            jax.ShapeDtypeStruct((G, PN, ALW), jnp.float32),
        ],
    )
    haug, albar = prep(hist_p, stat_p, w8, w120, p_src, p_dst)
    haug_flat = haug.reshape(G * PN, AUG)
    albar_flat = albar.reshape(G * PN, ALW)

    mesh = plsc.VectorSubcoreMesh(core_axis_name="c", subcore_axis_name="s",
                                  num_cores=NC, num_subcores=NS)
    edge_call = pl.kernel(
        functools.partial(_edge_body, PN, nchunks, edges_pt, g_per_core),
        out_type=jax.ShapeDtypeStruct((G, PN, AUG), jnp.float32),
        mesh=mesh,
        compiler_params=pltpu.CompilerParams(use_tc_tiling_on_sc=False,
                                             needs_layout_passes=False),
        scratch_types=(
            [pltpu.VMEM((2, CHUNK), jnp.int32) for _ in range(2)]
            + [pltpu.VMEM((CHUNK,), jnp.int32) for _ in range(6)]
            + [pltpu.VMEM((CHUNK, AUG), jnp.float32) for _ in range(2)]
            + [pltpu.VMEM((CHUNK, ALW), jnp.float32) for _ in range(2)]
            + [pltpu.VMEM((CHUNK * H_HEADS,), jnp.float32),
               pltpu.VMEM_SHARED((PN, AUG), jnp.float32)]
            + [pltpu.SemaphoreType.DMA for _ in range(6)]
        ),
    )
    nd = edge_call(haug_flat, albar_flat, idx_packed, zeros_hbm)

    BLKB = 512
    Hl = W_hh.shape[1]
    rnn = pl.pallas_call(
        functools.partial(_rnn_body, BLKB),
        grid=(B, PN // BLKB),
        in_specs=[
            pl.BlockSpec((1, T, BLKB, AUG), lambda b, n: (b, 0, n, 0)),
            pl.BlockSpec((1, FDIM), lambda b, n: (0, 0)),
            pl.BlockSpec((H_HEADS, FDIM), lambda b, n: (0, 0)),
            pl.BlockSpec((FDIM, 4 * Hl), lambda b, n: (0, 0)),
            pl.BlockSpec((Hl, 4 * Hl), lambda b, n: (0, 0)),
            pl.BlockSpec((1, 4 * Hl), lambda b, n: (0, 0)),
            pl.BlockSpec((1, 4 * Hl), lambda b, n: (0, 0)),
            pl.BlockSpec((Hl, W_fc.shape[0]), lambda b, n: (0, 0)),
            pl.BlockSpec((1, W_fc.shape[0]), lambda b, n: (0, 0)),
        ],
        out_specs=pl.BlockSpec((1, BLKB, W_fc.shape[0]),
                               lambda b, n: (b, n, 0)),
        out_shape=jax.ShapeDtypeStruct((B, PN, W_fc.shape[0]), jnp.float32),
    )
    out = rnn(nd.reshape(B, T, PN, AUG), b_gat.reshape(1, FDIM), r_mat,
              wih_t, whh_t, b_ih.reshape(1, 4 * Hl), b_hh.reshape(1, 4 * Hl),
              wfc_t, b_fc.reshape(1, W_fc.shape[0]))
    return out[:, :S, :]

# --- scband reference (transcript-rebuilt; emitter-appended) ---
"""Pipeline reference for scband-stga-47545287967260 (READ-ONLY COPY).

The authoritative reference and input builder live on the scoring server;
editing this copy changes nothing except your own understanding.
"""

import jax, jax.numpy as jnp
import numpy as np

H_HEADS = 4
C_HEAD = 32


def _gat(x, src, dst, n, W, a_src, a_dst, b):
    h = (x @ W).reshape(n, H_HEADS, C_HEAD)
    al_s = (h * a_src[None]).sum(-1)
    al_d = (h * a_dst[None]).sum(-1)
    e = jax.nn.leaky_relu(al_s[src] + al_d[dst], negative_slope=0.2)
    m = jax.ops.segment_max(e, dst, num_segments=n)
    ex = jnp.exp(e - m[dst])
    den = jax.ops.segment_sum(ex, dst, num_segments=n)
    alpha = ex / (den[dst] + 1e-16)
    out = jax.ops.segment_sum(h[src] * alpha[:, :, None], dst, num_segments=n)
    return out.reshape(n, H_HEADS * C_HEAD) + b


def _lstm_last(x, W_ih, W_hh, b_ih, b_hh):
    Bn, T, D = x.shape
    Hd = W_hh.shape[1]
    xg = x @ W_ih.T + b_ih
    def step(carry, xt):
        hprev, cprev = carry
        g = xt + hprev @ W_hh.T + b_hh
        i, f, gg, o = jnp.split(g, 4, axis=-1)
        c = jax.nn.sigmoid(f) * cprev + jax.nn.sigmoid(i) * jnp.tanh(gg)
        hnew = jax.nn.sigmoid(o) * jnp.tanh(c)
        return (hnew, c), None
    init = (jnp.zeros((Bn, Hd), dtype=x.dtype), jnp.zeros((Bn, Hd), dtype=x.dtype))
    (hT, _), _ = jax.lax.scan(step, init, jnp.swapaxes(xg, 0, 1))
    return hT


def setup_inputs(seed: int = 0):
    key = jax.random.key(seed)
    ks = jax.random.split(key, 12)
    B, T, S = 2, 8, 10000
    D_hd, D_st = 8, 120
    Din = D_hd + D_st
    F = H_HEADS * C_HEAD
    Hl, Dout = 64, 4
    E = 160000
    inp = {}
    inp["hist_demand_seq"] = jax.random.normal(ks[0], (B, T, S, D_hd), dtype=jnp.float32)
    inp["static_attr"] = jax.random.normal(ks[1], (B, S, D_st), dtype=jnp.float32)
    inp["edge_index_shared"] = jax.random.randint(ks[2], (2, E), 0, S, dtype=jnp.int32)
    inp["W_gat"] = jax.random.normal(ks[3], (Din, F), dtype=jnp.float32) * 0.08
    inp["a_src"] = jax.random.normal(ks[4], (H_HEADS, C_HEAD), dtype=jnp.float32) * 0.08
    inp["a_dst"] = jax.random.normal(ks[5], (H_HEADS, C_HEAD), dtype=jnp.float32) * 0.08
    inp["b_gat"] = jnp.zeros((F,), dtype=jnp.float32)
    inp["W_ih"] = jax.random.normal(ks[6], (4 * Hl, F), dtype=jnp.float32) * 0.05
    inp["W_hh"] = jax.random.normal(ks[7], (4 * Hl, Hl), dtype=jnp.float32) * 0.05
    inp["b_ih"] = jnp.zeros((4 * Hl,), dtype=jnp.float32)
    inp["b_hh"] = jnp.zeros((4 * Hl,), dtype=jnp.float32)
    inp["W_fc"] = jax.random.normal(ks[8], (Dout, Hl), dtype=jnp.float32) * 0.08
    inp["b_fc"] = jnp.zeros((Dout,), dtype=jnp.float32)
    return inp


def reference(hist_demand_seq, static_attr, edge_index_shared, W_gat, a_src, a_dst, b_gat, W_ih, W_hh, b_ih, b_hh, W_fc, b_fc):
    B, T, S, Dh = hist_demand_seq.shape
    loops = jnp.arange(S, dtype=edge_index_shared.dtype)
    src = jnp.concatenate([edge_index_shared[0], loops])
    dst = jnp.concatenate([edge_index_shared[1], loops])
    feats = jnp.concatenate([hist_demand_seq, jnp.broadcast_to(static_attr[:, None], (B, T, S, static_attr.shape[-1]))], axis=-1)
    flat = feats.reshape(B * T, S, feats.shape[-1])
    gat_fn = lambda xf: _gat(xf, src, dst, S, W_gat, a_src, a_dst, b_gat)
    gat_out = jax.vmap(gat_fn)(flat)
    F = gat_out.shape[-1]
    gat_seq = gat_out.reshape(B, T, S, F)
    lstm_in = jnp.transpose(gat_seq, (0, 2, 1, 3)).reshape(B * S, T, F)
    hT = _lstm_last(lstm_in, W_ih, W_hh, b_ih, b_hh)
    h = hT.reshape(B, S, hT.shape[-1])
    return jax.nn.relu(h @ W_fc.T + b_fc)

if __name__ == "__main__":
    import jax
    _d = setup_inputs()
    print(jax.jit(kernel)(*tuple(_d.values())))

</pallas_src>

<mosaic_0001>
#map = affine_map<(d0, d1) -> (0, 0)>
#map1 = affine_map<(d0, d1) -> (0, 0, 0)>
module attributes {stable_mosaic.version = 14 : i64} {
  func.func @_edge_body(%arg0: i32, %arg1: i32, %arg2: memref<163840x144xf32, #tpu.memory_space<hbm>>, %arg3: memref<163840x16xf32, #tpu.memory_space<hbm>>, %arg4: memref<16x2x10752xi32, #tpu.memory_space<hbm>>, %arg5: memref<10240x144xf32, #tpu.memory_space<hbm>>, %arg6: memref<16x10240x144xf32, #tpu.memory_space<hbm>>, %arg7: memref<2x96xi32, #tpu.memory_space<vmem>>, %arg8: memref<2x96xi32, #tpu.memory_space<vmem>>, %arg9: memref<96xi32, #tpu.memory_space<vmem>>, %arg10: memref<96xi32, #tpu.memory_space<vmem>>, %arg11: memref<96xi32, #tpu.memory_space<vmem>>, %arg12: memref<96xi32, #tpu.memory_space<vmem>>, %arg13: memref<96xi32, #tpu.memory_space<vmem>>, %arg14: memref<96xi32, #tpu.memory_space<vmem>>, %arg15: memref<96x144xf32, #tpu.memory_space<vmem>>, %arg16: memref<96x144xf32, #tpu.memory_space<vmem>>, %arg17: memref<96x16xf32, #tpu.memory_space<vmem>>, %arg18: memref<96x16xf32, #tpu.memory_space<vmem>>, %arg19: memref<384xf32, #tpu.memory_space<vmem>>, %arg20: memref<10240x144xf32, #tpu.memory_space<vmem_shared>>, %arg21: memref<!tpu.dma_semaphore, #tpu.memory_space<semaphore_mem>>, %arg22: memref<!tpu.dma_semaphore, #tpu.memory_space<semaphore_mem>>, %arg23: memref<!tpu.dma_semaphore, #tpu.memory_space<semaphore_mem>>, %arg24: memref<!tpu.dma_semaphore, #tpu.memory_space<semaphore_mem>>, %arg25: memref<!tpu.dma_semaphore, #tpu.memory_space<semaphore_mem>>, %arg26: memref<!tpu.dma_semaphore, #tpu.memory_space<semaphore_mem>>) attributes {dimension_semantics = [#tpu.dimension_semantics<core_parallel>, #tpu.dimension_semantics<subcore_parallel>], iteration_bounds = array<i64: 2, 16>, scalar_prefetch = 0 : i64, scratch_operands = 20 : i64, tpu.core_type = #tpu.core_type<sc_vector_subcore>, window_params = [{transform_indices = #map}, {transform_indices = #map}, {transform_indices = #map1}, {transform_indices = #map}, {transform_indices = #map1}]} {
    %iota3A = tpu.iota {dimensions = array<i32: 0>} : vector<16xi32>
    %shift_right_arithmetic3A = arith.constant 2 : i32
    %shift_right_arithmetic3A_0 = vector.broadcast %shift_right_arithmetic3A : i32 to vector<16xi32>
    %shift_right_arithmetic3A_1 = arith.shrsi %iota3A, %shift_right_arithmetic3A_0 : vector<16xi32>
    %and3A = arith.constant 3 : i32
    %and3A_2 = vector.broadcast %and3A : i32 to vector<16xi32>
    %and3A_3 = arith.andi %iota3A, %and3A_2 : vector<16xi32>
    %add3A = arith.constant 4 : i32
    %add3A_4 = vector.broadcast %add3A : i32 to vector<16xi32>
    %add3A_5 = arith.addi %and3A_3, %add3A_4 : vector<16xi32>
    %broadcast_in_dim3A = arith.constant 0.000000e+00 : f32
    %broadcast_in_dim3A_6 = vector.broadcast %broadcast_in_dim3A : f32 to vector<16xf32>
    %broadcast_in_dim3A_7 = arith.constant 2.000000e-01 : f32
    %broadcast_in_dim3A_8 = vector.broadcast %broadcast_in_dim3A_7 : f32 to vector<16xf32>
    %scan3A = arith.constant 0 : i32
    %scan3A_9 = arith.constant 8 : i32
    %scan3A_10 = arith.addi %scan3A, %scan3A_9 : i32
    %scan3A_11 = arith.constant 1 : i32
    scf.for %scan3A_13 = %scan3A to %scan3A_10 step %scan3A_11  : i32 {
      %mul3A = arith.constant 1 : i32
      %mul3A_14 = arith.muli %scan3A_13, %mul3A : i32
      %add3A_15 = arith.constant 0 : i32
      %add3A_16 = arith.addi %add3A_15, %mul3A_14 : i32
      %mul3A_17 = arith.constant 8 : i32
      %mul3A_18 = arith.muli %arg0, %mul3A_17 : i32
      %add3A_19 = arith.addi %mul3A_18, %add3A_16 : i32
      %mul3A_20 = arith.constant 10240 : i32
      %mul3A_21 = arith.muli %add3A_19, %mul3A_20 : i32
      %mul3A_22 = arith.constant 640 : i32
      %mul3A_23 = arith.muli %arg1, %mul3A_22 : i32
      %mul3A_24 = arith.constant 640 : i32
      %mul3A_25 = arith.muli %arg1, %mul3A_24 : i32
      "tpu.region"() ({
        %run_scoped3A = tpu.sem_alloc : memref<!tpu.dma_semaphore, #tpu.memory_space<semaphore_mem>>
        %dma_start3A_72 = arith.constant 0 : i32
        %dma_start3A_73 = tpu.memref_slice %arg20[%mul3A_25, %dma_start3A_72] : memref<10240x144xf32, #tpu.memory_space<vmem_shared>> -> memref<640x144xf32, #tpu.memory_space<vmem_shared>>
        %dma_start3A_74 = arith.constant 0 : i32
        %dma_start3A_75 = tpu.memref_slice %arg5[%mul3A_23, %dma_start3A_74] : memref<10240x144xf32, #tpu.memory_space<hbm>> -> memref<640x144xf32, #tpu.memory_space<hbm>>
        tpu.enqueue_dma source(%dma_start3A_75 : memref<640x144xf32, #tpu.memory_space<hbm>>) target(%dma_start3A_73 : memref<640x144xf32, #tpu.memory_space<vmem_shared>>) target_semaphore(%run_scoped3A : memref<!tpu.dma_semaphore, #tpu.memory_space<semaphore_mem>>)
        %dma_wait3A_76 = arith.constant 0 : i32
        %dma_wait3A_77 = tpu.memref_slice %arg20[%mul3A_25, %dma_wait3A_76] : memref<10240x144xf32, #tpu.memory_space<vmem_shared>> -> memref<640x144xf32, #tpu.memory_space<vmem_shared>>
        %dma_wait3A_78 = arith.constant 0 : i32
        %dma_wait3A_79 = tpu.memref_slice %arg5[%mul3A_23, %dma_wait3A_78] : memref<10240x144xf32, #tpu.memory_space<hbm>> -> memref<640x144xf32, #tpu.memory_space<hbm>>
        tpu.wait_dma2 semaphore(%run_scoped3A : memref<!tpu.dma_semaphore, #tpu.memory_space<semaphore_mem>>) src(%dma_wait3A_79 : memref<640x144xf32, #tpu.memory_space<hbm>>) dst(%dma_wait3A_77 : memref<640x144xf32, #tpu.memory_space<vmem_shared>>)
        tpu.yield
      }) : () -> ()
      %barrier3A = arith.constant 0 : index
      tpu.barrier barrier_id(%barrier3A)
      %dma_start3A = arith.constant 0 : i32
      %dma_start3A_26 = arith.constant 0 : i32
      %dma_start3A_27 = tpu.memref_slice %arg4[%arg1, %dma_start3A, %dma_start3A_26] : memref<16x2x10752xi32, #tpu.memory_space<hbm>> -> memref<1x2x96xi32, #tpu.memory_space<hbm>>
      %dma_start3A_28 = tpu.memref_squeeze %dma_start3A_27 : memref<1x2x96xi32, #tpu.memory_space<hbm>> -> memref<2x96xi32, #tpu.memory_space<hbm>>
      %dma_start3A_29 = arith.constant 0 : i32
      %dma_start3A_30 = arith.constant 0 : i32
      %dma_start3A_31 = tpu.memref_slice %arg4[%arg1, %dma_start3A_29, %dma_start3A_30] : memref<16x2x10752xi32, #tpu.memory_space<hbm>> -> memref<1x2x96xi32, #tpu.memory_space<hbm>>
      %dma_start3A_32 = tpu.memref_squeeze %dma_start3A_31 : memref<1x2x96xi32, #tpu.memory_space<hbm>> -> memref<2x96xi32, #tpu.memory_space<hbm>>
      tpu.enqueue_dma source(%dma_start3A_32 : memref<2x96xi32, #tpu.memory_space<hbm>>) target(%arg7 : memref<2x96xi32, #tpu.memory_space<vmem>>) target_semaphore(%arg25 : memref<!tpu.dma_semaphore, #tpu.memory_space<semaphore_mem>>)
      %dma_wait3A = arith.constant 0 : i32
      %dma_wait3A_33 = arith.constant 0 : i32
      %dma_wait3A_34 = tpu.memref_slice %arg4[%arg1, %dma_wait3A, %dma_wait3A_33] : memref<16x2x10752xi32, #tpu.memory_space<hbm>> -> memref<1x2x96xi32, #tpu.memory_space<hbm>>
      %dma_wait3A_35 = tpu.memref_squeeze %dma_wait3A_34 : memref<1x2x96xi32, #tpu.memory_space<hbm>> -> memref<2x96xi32, #tpu.memory_space<hbm>>
      %dma_wait3A_36 = arith.constant 0 : i32
      %dma_wait3A_37 = arith.constant 0 : i32
      %dma_wait3A_38 = tpu.memref_slice %arg4[%arg1, %dma_wait3A_36, %dma_wait3A_37] : memref<16x2x10752xi32, #tpu.memory_space<hbm>> -> memref<1x2x96xi32, #tpu.memory_space<hbm>>
      %dma_wait3A_39 = tpu.memref_squeeze %dma_wait3A_38 : memref<1x2x96xi32, #tpu.memory_space<hbm>> -> memref<2x96xi32, #tpu.memory_space<hbm>>
      tpu.wait_dma2 semaphore(%arg25 : memref<!tpu.dma_semaphore, #tpu.memory_space<semaphore_mem>>) src(%dma_wait3A_39 : memref<2x96xi32, #tpu.memory_space<hbm>>) dst(%arg7 : memref<2x96xi32, #tpu.memory_space<vmem>>)
      %scan3A_40 = arith.constant 0 : i32
      %scan3A_41 = arith.constant 6 : i32
      %scan3A_42 = arith.addi %scan3A_40, %scan3A_41 : i32
      %scan3A_43 = arith.constant 1 : i32
      scf.for %scan3A_72 = %scan3A_40 to %scan3A_42 step %scan3A_43  : i32 {
        %mul3A_73 = arith.constant 1 : i32
        %mul3A_74 = arith.muli %scan3A_72, %mul3A_73 : i32
        %add3A_75 = arith.constant 0 : i32
        %add3A_76 = arith.addi %add3A_75, %mul3A_74 : i32
        %mul3A_77 = arith.constant 16 : i32
        %mul3A_78 = arith.muli %add3A_76, %mul3A_77 : i32
        %get3A = arith.constant 0 : i32
        %get3A_79 = arith.index_cast %get3A : i32 to index
        %get3A_80 = arith.index_cast %mul3A_78 : i32 to index
        %get3A_81 = tpu.vector_load %arg7[%get3A_79, %get3A_80] {strides = array<i32>} : memref<2x96xi32, #tpu.memory_space<vmem>>, vector<16xi32>,
        %mul3A_82 = arith.constant 16 : i32
        %mul3A_83 = arith.muli %add3A_76, %mul3A_82 : i32
        %get3A_84 = arith.constant 1 : i32
        %get3A_85 = arith.index_cast %get3A_84 : i32 to index
        %get3A_86 = arith.index_cast %mul3A_83 : i32 to index
        %get3A_87 = tpu.vector_load %arg7[%get3A_85, %get3A_86] {strides = array<i32>} : memref<2x96xi32, #tpu.memory_space<vmem>>, vector<16xi32>,
        %add3A_88 = vector.broadcast %mul3A_21 : i32 to vector<16xi32>
        %add3A_89 = arith.addi %get3A_81, %add3A_88 : vector<16xi32>
        %mul3A_90 = arith.constant 16 : i32
        %mul3A_91 = arith.muli %add3A_76, %mul3A_90 : i32
        %swap3A = arith.index_cast %mul3A_91 : i32 to index
        %swap3A_92 = tpu.vector_load %arg9[%swap3A] {strides = array<i32>} : memref<96xi32, #tpu.memory_space<vmem>>, vector<16xi32>,
        tpu.vector_store %arg9[%swap3A], %add3A_89 {strides = array<i32>} : memref<96xi32, #tpu.memory_space<vmem>>, vector<16xi32>,
        %add3A_93 = vector.broadcast %mul3A_21 : i32 to vector<16xi32>
        %add3A_94 = arith.addi %get3A_87, %add3A_93 : vector<16xi32>
        %mul3A_95 = arith.constant 16 : i32
        %mul3A_96 = arith.muli %add3A_76, %mul3A_95 : i32
        %swap3A_97 = arith.index_cast %mul3A_96 : i32 to index
        %swap3A_98 = tpu.vector_load %arg11[%swap3A_97] {strides = array<i32>} : memref<96xi32, #tpu.memory_space<vmem>>, vector<16xi32>,
        tpu.vector_store %arg11[%swap3A_97], %add3A_94 {strides = array<i32>} : memref<96xi32, #tpu.memory_space<vmem>>, vector<16xi32>,
      }
      %scan3A_44 = arith.constant 6 : i32
      %dma_start3A_45 = arith.constant 0 : i32
      %dma_start3A_46 = arith.constant 0 : i32
      %dma_start3A_47 = tpu.memref_slice %arg2[%dma_start3A_45, %dma_start3A_46] : memref<163840x144xf32, #tpu.memory_space<hbm>> -> memref<163840x144xf32, #tpu.memory_space<hbm>>
      tpu.enqueue_indirect_dma source(%dma_start3A_47 : memref<163840x144xf32, #tpu.memory_space<hbm>>) target(%arg15 : memref<96x144xf32, #tpu.memory_space<vmem>>) offsets(%arg9 : memref<96xi32, #tpu.memory_space<vmem>>) semaphore(%arg21 : memref<!tpu.dma_semaphore, #tpu.memory_space<semaphore_mem>>)
      %dma_start3A_48 = arith.constant 0 : i32
      %dma_start3A_49 = arith.constant 0 : i32
      %dma_start3A_50 = tpu.memref_slice %arg3[%dma_start3A_48, %dma_start3A_49] : memref<163840x16xf32, #tpu.memory_space<hbm>> -> memref<163840x16xf32, #tpu.memory_space<hbm>>
      tpu.enqueue_indirect_dma source(%dma_start3A_50 : memref<163840x16xf32, #tpu.memory_space<hbm>>) target(%arg17 : memref<96x16xf32, #tpu.memory_space<vmem>>) offsets(%arg11 : memref<96xi32, #tpu.memory_space<vmem>>) semaphore(%arg21 : memref<!tpu.dma_semaphore, #tpu.memory_space<semaphore_mem>>)
      %dma_start3A_51 = arith.constant 0 : i32
      %dma_start3A_52 = arith.constant 96 : i32
      %dma_start3A_53 = tpu.memref_slice %arg4[%arg1, %dma_start3A_51, %dma_start3A_52] : memref<16x2x10752xi32, #tpu.memory_space<hbm>> -> memref<1x2x96xi32, #tpu.memory_space<hbm>>
      %dma_start3A_54 = tpu.memref_squeeze %dma_start3A_53 : memref<1x2x96xi32, #tpu.memory_space<hbm>> -> memref<2x96xi32, #tpu.memory_space<hbm>>
      %dma_start3A_55 = arith.constant 0 : i32
      %dma_start3A_56 = arith.constant 96 : i32
      %dma_start3A_57 = tpu.memref_slice %arg4[%arg1, %dma_start3A_55, %dma_start3A_56] : memref<16x2x10752xi32, #tpu.memory_space<hbm>> -> memref<1x2x96xi32, #tpu.memory_space<hbm>>
      %dma_start3A_58 = tpu.memref_squeeze %dma_start3A_57 : memref<1x2x96xi32, #tpu.memory_space<hbm>> -> memref<2x96xi32, #tpu.memory_space<hbm>>
      tpu.enqueue_dma source(%dma_start3A_58 : memref<2x96xi32, #tpu.memory_space<hbm>>) target(%arg8 : memref<2x96xi32, #tpu.memory_space<vmem>>) target_semaphore(%arg26 : memref<!tpu.dma_semaphore, #tpu.memory_space<semaphore_mem>>)
      %scan3A_59 = arith.constant 0 : i32
      %scan3A_60 = arith.constant 56 : i32
      %scan3A_61 = arith.addi %scan3A_59, %scan3A_60 : i32
      %scan3A_62 = arith.constant 1 : i32
      scf.for %scan3A_72 = %scan3A_59 to %scan3A_61 step %scan3A_62  : i32 {
        %mul3A_73 = arith.constant 1 : i32
        %mul3A_74 = arith.muli %scan3A_72, %mul3A_73 : i32
        %add3A_75 = arith.constant 0 : i32
        %add3A_76 = arith.addi %add3A_75, %mul3A_74 : i32
        %mul3A_77 = arith.constant 2 : i32
        %mul3A_78 = arith.muli %add3A_76, %mul3A_77 : i32
        %add3A_79 = arith.constant 0 : i32
        %add3A_80 = arith.addi %mul3A_78, %add3A_79 : i32
        %ge3A = arith.constant 1 : i32
        %ge3A_81 = arith.cmpi sge, %add3A_80, %ge3A : i32
        %convert_element_type3A = arith.extui %ge3A_81 : i1 to i32
        %cond3A = arith.constant 0 : i32
        %cond3A_82 = arith.cmpi ne, %convert_element_type3A, %cond3A : i32
        scf.if %cond3A_82 {
          %dma_wait3A_167 = arith.constant 0 : i32
          %dma_wait3A_168 = arith.constant 0 : i32
          %dma_wait3A_169 = tpu.memref_slice %arg20[%dma_wait3A_167, %dma_wait3A_168] : memref<10240x144xf32, #tpu.memory_space<vmem_shared>> -> memref<10240x144xf32, #tpu.memory_space<vmem_shared>>
          tpu.wait_indirect_dma semaphore(%arg24 : memref<!tpu.dma_semaphore, #tpu.memory_space<semaphore_mem>>) src(%arg16 : memref<96x144xf32, #tpu.memory_space<vmem>>) dst(%dma_wait3A_169 : memref<10240x144xf32, #tpu.memory_space<vmem_shared>>)
        } else {
        }
        %add3A_83 = arith.constant 1 : i32
        %add3A_84 = arith.addi %add3A_80, %add3A_83 : i32
        %lt3A = arith.constant 112 : i32
        %lt3A_85 = arith.cmpi slt, %add3A_84, %lt3A : i32
        %convert_element_type3A_86 = arith.extui %lt3A_85 : i1 to i32
        %cond3A_87 = arith.constant 0 : i32
        %cond3A_88 = arith.cmpi ne, %convert_element_type3A_86, %cond3A_87 : i32
        scf.if %cond3A_88 {
          %dma_wait3A_167 = arith.constant 0 : i32
          %dma_wait3A_168 = arith.constant 0 : i32
          %dma_wait3A_169 = tpu.memref_slice %arg4[%arg1, %dma_wait3A_167, %dma_wait3A_168] : memref<16x2x10752xi32, #tpu.memory_space<hbm>> -> memref<1x2x96xi32, #tpu.memory_space<hbm>>
          %dma_wait3A_170 = tpu.memref_squeeze %dma_wait3A_169 : memref<1x2x96xi32, #tpu.memory_space<hbm>> -> memref<2x96xi32, #tpu.memory_space<hbm>>
          %dma_wait3A_171 = arith.constant 0 : i32
          %dma_wait3A_172 = arith.constant 0 : i32
          %dma_wait3A_173 = tpu.memref_slice %arg4[%arg1, %dma_wait3A_171, %dma_wait3A_172] : memref<16x2x10752xi32, #tpu.memory_space<hbm>> -> memref<1x2x96xi32, #tpu.memory_space<hbm>>
          %dma_wait3A_174 = tpu.memref_squeeze %dma_wait3A_173 : memref<1x2x96xi32, #tpu.memory_space<hbm>> -> memref<2x96xi32, #tpu.memory_space<hbm>>
          tpu.wait_dma2 semaphore(%arg26 : memref<!tpu.dma_semaphore, #tpu.memory_space<semaphore_mem>>) src(%dma_wait3A_174 : memref<2x96xi32, #tpu.memory_space<hbm>>) dst(%arg8 : memref<2x96xi32, #tpu.memory_space<vmem>>)
          %scan3A_175 = arith.constant 0 : i32
          %scan3A_176 = arith.constant 6 : i32
          %scan3A_177 = arith.addi %scan3A_175, %scan3A_176 : i32
          %scan3A_178 = arith.constant 1 : i32
          scf.for %scan3A_186 = %scan3A_175 to %scan3A_177 step %scan3A_178  : i32 {
            %mul3A_187 = arith.constant 1 : i32
            %mul3A_188 = arith.muli %scan3A_186, %mul3A_187 : i32
            %add3A_189 = arith.constant 0 : i32
            %add3A_190 = arith.addi %add3A_189, %mul3A_188 : i32
            %mul3A_191 = arith.constant 16 : i32
            %mul3A_192 = arith.muli %add3A_190, %mul3A_191 : i32
            %get3A = arith.constant 0 : i32
            %get3A_193 = arith.index_cast %get3A : i32 to index
            %get3A_194 = arith.index_cast %mul3A_192 : i32 to index
            %get3A_195 = tpu.vector_load %arg8[%get3A_193, %get3A_194] {strides = array<i32>} : memref<2x96xi32, #tpu.memory_space<vmem>>, vector<16xi32>,
            %mul3A_196 = arith.constant 16 : i32
            %mul3A_197 = arith.muli %add3A_190, %mul3A_196 : i32
            %get3A_198 = arith.constant 1 : i32
            %get3A_199 = arith.index_cast %get3A_198 : i32 to index
            %get3A_200 = arith.index_cast %mul3A_197 : i32 to index
            %get3A_201 = tpu.vector_load %arg8[%get3A_199, %get3A_200] {strides = array<i32>} : memref<2x96xi32, #tpu.memory_space<vmem>>, vector<16xi32>,
            %add3A_202 = vector.broadcast %mul3A_21 : i32 to vector<16xi32>
            %add3A_203 = arith.addi %get3A_195, %add3A_202 : vector<16xi32>
            %mul3A_204 = arith.constant 16 : i32
            %mul3A_205 = arith.muli %add3A_190, %mul3A_204 : i32
            %swap3A = arith.index_cast %mul3A_205 : i32 to index
            %swap3A_206 = tpu.vector_load %arg10[%swap3A] {strides = array<i32>} : memref<96xi32, #tpu.memory_space<vmem>>, vector<16xi32>,
            tpu.vector_store %arg10[%swap3A], %add3A_203 {strides = array<i32>} : memref<96xi32, #tpu.memory_space<vmem>>, vector<16xi32>,
            %add3A_207 = vector.broadcast %mul3A_21 : i32 to vector<16xi32>
            %add3A_208 = arith.addi %get3A_201, %add3A_207 : vector<16xi32>
            %mul3A_209 = arith.constant 16 : i32
            %mul3A_210 = arith.muli %add3A_190, %mul3A_209 : i32
            %swap3A_211 = arith.index_cast %mul3A_210 : i32 to index
            %swap3A_212 = tpu.vector_load %arg12[%swap3A_211] {strides = array<i32>} : memref<96xi32, #tpu.memory_space<vmem>>, vector<16xi32>,
            tpu.vector_store %arg12[%swap3A_211], %add3A_208 {strides = array<i32>} : memref<96xi32, #tpu.memory_space<vmem>>, vector<16xi32>,
          }
          %scan3A_179 = arith.constant 6 : i32
          %dma_start3A_180 = arith.constant 0 : i32
          %dma_start3A_181 = arith.constant 0 : i32
          %dma_start3A_182 = tpu.memref_slice %arg2[%dma_start3A_180, %dma_start3A_181] : memref<163840x144xf32, #tpu.memory_space<hbm>> -> memref<163840x144xf32, #tpu.memory_space<hbm>>
          tpu.enqueue_indirect_dma source(%dma_start3A_182 : memref<163840x144xf32, #tpu.memory_space<hbm>>) target(%arg16 : memref<96x144xf32, #tpu.memory_space<vmem>>) offsets(%arg10 : memref<96xi32, #tpu.memory_space<vmem>>) semaphore(%arg22 : memref<!tpu.dma_semaphore, #tpu.memory_space<semaphore_mem>>)
          %dma_start3A_183 = arith.constant 0 : i32
          %dma_start3A_184 = arith.constant 0 : i32
          %dma_start3A_185 = tpu.memref_slice %arg3[%dma_start3A_183, %dma_start3A_184] : memref<163840x16xf32, #tpu.memory_space<hbm>> -> memref<163840x16xf32, #tpu.memory_space<hbm>>
          tpu.enqueue_indirect_dma source(%dma_start3A_185 : memref<163840x16xf32, #tpu.memory_space<hbm>>) target(%arg18 : memref<96x16xf32, #tpu.memory_space<vmem>>) offsets(%arg12 : memref<96xi32, #tpu.memory_space<vmem>>) semaphore(%arg22 : memref<!tpu.dma_semaphore, #tpu.memory_space<semaphore_mem>>)
        } else {
        }
        %dma_wait3A_89 = arith.constant 0 : i32
        %dma_wait3A_90 = arith.constant 0 : i32
        %dma_wait3A_91 = tpu.memref_slice %arg2[%dma_wait3A_89, %dma_wait3A_90] : memref<163840x144xf32, #tpu.memory_space<hbm>> -> memref<163840x144xf32, #tpu.memory_space<hbm>>
        tpu.wait_indirect_dma semaphore(%arg21 : memref<!tpu.dma_semaphore, #tpu.memory_space<semaphore_mem>>) src(%dma_wait3A_91 : memref<163840x144xf32, #tpu.memory_space<hbm>>) dst(%arg15 : memref<96x144xf32, #tpu.memory_space<vmem>>)
        %dma_wait3A_92 = arith.constant 0 : i32
        %dma_wait3A_93 = arith.constant 0 : i32
        %dma_wait3A_94 = tpu.memref_slice %arg3[%dma_wait3A_92, %dma_wait3A_93] : memref<163840x16xf32, #tpu.memory_space<hbm>> -> memref<163840x16xf32, #tpu.memory_space<hbm>>
        tpu.wait_indirect_dma semaphore(%arg21 : memref<!tpu.dma_semaphore, #tpu.memory_space<semaphore_mem>>) src(%dma_wait3A_94 : memref<163840x16xf32, #tpu.memory_space<hbm>>) dst(%arg17 : memref<96x16xf32, #tpu.memory_space<vmem>>)
        %scan3A_95 = arith.constant 0 : i32
        %scan3A_96 = arith.constant 24 : i32
        %scan3A_97 = arith.addi %scan3A_95, %scan3A_96 : i32
        %scan3A_98 = arith.constant 1 : i32
        scf.for %scan3A_167 = %scan3A_95 to %scan3A_97 step %scan3A_98  : i32 {
          %mul3A_168 = arith.constant 1 : i32
          %mul3A_169 = arith.muli %scan3A_167, %mul3A_168 : i32
          %add3A_170 = arith.constant 0 : i32
          %add3A_171 = arith.addi %add3A_170, %mul3A_169 : i32
          %mul3A_172 = arith.constant 4 : i32
          %mul3A_173 = arith.muli %add3A_171, %mul3A_172 : i32
          %add3A_174 = vector.broadcast %mul3A_173 : i32 to vector<16xi32>
          %add3A_175 = arith.addi %add3A_174, %shift_right_arithmetic3A_1 : vector<16xi32>
          %add3A_176 = arith.constant 128 : i32
          %add3A_177 = vector.broadcast %add3A_176 : i32 to vector<16xi32>
          %add3A_178 = arith.addi %add3A_177, %and3A_3 : vector<16xi32>
          %gather3A = tpu.vector_load_idx %arg15[%add3A_175, %add3A_178] : memref<96x144xf32, #tpu.memory_space<vmem>>[vector<16xi32>, vector<16xi32>], vector<16xf32>,
          %gather3A_179 = tpu.vector_load_idx %arg17[%add3A_175, %add3A_5] : memref<96x16xf32, #tpu.memory_space<vmem>>[vector<16xi32>, vector<16xi32>], vector<16xf32>,
          %add3A_180 = arith.addf %gather3A, %gather3A_179 : vector<16xf32>
          %ge3A_181 = arith.cmpf oge, %add3A_180, %broadcast_in_dim3A_6 : vector<16xf32>
          %mul3A_182 = arith.mulf %broadcast_in_dim3A_8, %add3A_180 : vector<16xf32>
          %select_n3A = arith.select %ge3A_181, %add3A_180, %mul3A_182 : vector<16xi1>, vector<16xf32>
          %exp3A = math.exp %select_n3A : vector<16xf32>
          %mul3A_183 = arith.constant 16 : i32
          %mul3A_184 = arith.muli %add3A_171, %mul3A_183 : i32
          %swap3A = arith.index_cast %mul3A_184 : i32 to index
          %swap3A_185 = tpu.vector_load %arg19[%swap3A] {strides = array<i32>} : memref<384xf32, #tpu.memory_space<vmem>>, vector<16xf32>,
          tpu.vector_store %arg19[%swap3A], %exp3A {strides = array<i32>} : memref<384xf32, #tpu.memory_space<vmem>>, vector<16xf32>,
        }
        %scan3A_99 = arith.constant 24 : i32
        %scan3A_100 = arith.constant 0 : i32
        %scan3A_101 = arith.constant 24 : i32
        %scan3A_102 = arith.addi %scan3A_100, %scan3A_101 : i32
        %scan3A_103 = arith.constant 1 : i32
        scf.for %scan3A_167 = %scan3A_100 to %scan3A_102 step %scan3A_103  : i32 {
          %mul3A_168 = arith.constant 1 : i32
          %mul3A_169 = arith.muli %scan3A_167, %mul3A_168 : i32
          %add3A_170 = arith.constant 0 : i32
          %add3A_171 = arith.addi %add3A_170, %mul3A_169 : i32
          %mul3A_172 = arith.constant 16 : i32
          %mul3A_173 = arith.muli %add3A_171, %mul3A_172 : i32
          %get3A = arith.index_cast %mul3A_173 : i32 to index
          %get3A_174 = tpu.vector_load %arg19[%get3A] {strides = array<i32>} : memref<384xf32, #tpu.memory_space<vmem>>, vector<16xf32>,
          %mul3A_175 = arith.constant 4 : i32
          %mul3A_176 = arith.muli %add3A_171, %mul3A_175 : i32
          %add3A_177 = arith.constant 0 : i32
          %add3A_178 = arith.addi %mul3A_176, %add3A_177 : i32
          %slice3A = vector.extract_strided_slice %get3A_174 {offsets = [0], sizes = [1], strides = [1]} : vector<16xf32> to vector<1xf32>
          %squeeze3A = vector.extract %slice3A[0] : f32 from vector<1xf32>
          %get3A_179 = arith.index_cast %add3A_178 : i32 to index
          %get3A_180 = arith.constant 0 : index
          %get3A_181 = tpu.vector_load %arg15[%get3A_179, %get3A_180] {strides = array<i32>} : memref<96x144xf32, #tpu.memory_space<vmem>>, vector<16xf32>,
          %mul3A_182 = vector.broadcast %squeeze3A : f32 to vector<16xf32>
          %mul3A_183 = arith.mulf %get3A_181, %mul3A_182 : vector<16xf32>
          %swap3A = arith.index_cast %add3A_178 : i32 to index
          %swap3A_184 = arith.constant 0 : index
          %swap3A_185 = tpu.vector_load %arg15[%swap3A, %swap3A_184] {strides = array<i32>} : memref<96x144xf32, #tpu.memory_space<vmem>>, vector<16xf32>,
          tpu.vector_store %arg15[%swap3A, %swap3A_184], %mul3A_183 {strides = array<i32>} : memref<96x144xf32, #tpu.memory_space<vmem>>, vector<16xf32>,
          %get3A_186 = arith.index_cast %add3A_178 : i32 to index
          %get3A_187 = arith.constant 16 : index
          %get3A_188 = tpu.vector_load %arg15[%get3A_186, %get3A_187] {strides = array<i32>} : memref<96x144xf32, #tpu.memory_space<vmem>>, vector<16xf32>,
          %mul3A_189 = vector.broadcast %squeeze3A : f32 to vector<16xf32>
          %mul3A_190 = arith.mulf %get3A_188, %mul3A_189 : vector<16xf32>
          %swap3A_191 = arith.index_cast %add3A_178 : i32 to index
          %swap3A_192 = arith.constant 16 : index
          %swap3A_193 = tpu.vector_load %arg15[%swap3A_191, %swap3A_192] {strides = array<i32>} : memref<96x144xf32, #tpu.memory_space<vmem>>, vector<16xf32>,
          tpu.vector_store %arg15[%swap3A_191, %swap3A_192], %mul3A_190 {strides = array<i32>} : memref<96x144xf32, #tpu.memory_space<vmem>>, vector<16xf32>,
          %slice3A_194 = vector.extract_strided_slice %get3A_174 {offsets = [1], sizes = [1], strides = [1]} : vector<16xf32> to vector<1xf32>
          %squeeze3A_195 = vector.extract %slice3A_194[0] : f32 from vector<1xf32>
          %get3A_196 = arith.index_cast %add3A_178 : i32 to index
          %get3A_197 = arith.constant 32 : index
          %get3A_198 = tpu.vector_load %arg15[%get3A_196, %get3A_197] {strides = array<i32>} : memref<96x144xf32, #tpu.memory_space<vmem>>, vector<16xf32>,
          %mul3A_199 = vector.broadcast %squeeze3A_195 : f32 to vector<16xf32>
          %mul3A_200 = arith.mulf %get3A_198, %mul3A_199 : vector<16xf32>
          %swap3A_201 = arith.index_cast %add3A_178 : i32 to index
          %swap3A_202 = arith.constant 32 : index
          %swap3A_203 = tpu.vector_load %arg15[%swap3A_201, %swap3A_202] {strides = array<i32>} : memref<96x144xf32, #tpu.memory_space<vmem>>, vector<16xf32>,
          tpu.vector_store %arg15[%swap3A_201, %swap3A_202], %mul3A_200 {strides = array<i32>} : memref<96x144xf32, #tpu.memory_space<vmem>>, vector<16xf32>,
          %get3A_204 = arith.index_cast %add3A_178 : i32 to index
          %get3A_205 = arith.constant 48 : index
          %get3A_206 = tpu.vector_load %arg15[%get3A_204, %get3A_205] {strides = array<i32>} : memref<96x144xf32, #tpu.memory_space<vmem>>, vector<16xf32>,
          %mul3A_207 = vector.broadcast %squeeze3A_195 : f32 to vector<16xf32>
          %mul3A_208 = arith.mulf %get3A_206, %mul3A_207 : vector<16xf32>
          %swap3A_209 = arith.index_cast %add3A_178 : i32 to index
          %swap3A_210 = arith.constant 48 : index
          %swap3A_211 = tpu.vector_load %arg15[%swap3A_209, %swap3A_210] {strides = array<i32>} : memref<96x144xf32, #tpu.memory_space<vmem>>, vector<16xf32>,
          tpu.vector_store %arg15[%swap3A_209, %swap3A_210], %mul3A_208 {strides = array<i32>} : memref<96x144xf32, #tpu.memory_space<vmem>>, vector<16xf32>,
          %slice3A_212 = vector.extract_strided_slice %get3A_174 {offsets = [2], sizes = [1], strides = [1]} : vector<16xf32> to vector<1xf32>
          %squeeze3A_213 = vector.extract %slice3A_212[0] : f32 from vector<1xf32>
          %get3A_214 = arith.index_cast %add3A_178 : i32 to index
          %get3A_215 = arith.constant 64 : index
          %get3A_216 = tpu.vector_load %arg15[%get3A_214, %get3A_215] {strides = array<i32>} : memref<96x144xf32, #tpu.memory_space<vmem>>, vector<16xf32>,
          %mul3A_217 = vector.broadcast %squeeze3A_213 : f32 to vector<16xf32>
          %mul3A_218 = arith.mulf %get3A_216, %mul3A_217 : vector<16xf32>
          %swap3A_219 = arith.index_cast %add3A_178 : i32 to index
          %swap3A_220 = arith.constant 64 : index
          %swap3A_221 = tpu.vector_load %arg15[%swap3A_219, %swap3A_220] {strides = array<i32>} : memref<96x144xf32, #tpu.memory_space<vmem>>, vector<16xf32>,
          tpu.vector_store %arg15[%swap3A_219, %swap3A_220], %mul3A_218 {strides = array<i32>} : memref<96x144xf32, #tpu.memory_space<vmem>>, vector<16xf32>,
          %get3A_222 = arith.index_cast %add3A_178 : i32 to index
          %get3A_223 = arith.constant 80 : index
          %get3A_224 = tpu.vector_load %arg15[%get3A_222, %get3A_223] {strides = array<i32>} : memref<96x144xf32, #tpu.memory_space<vmem>>, vector<16xf32>,
          %mul3A_225 = vector.broadcast %squeeze3A_213 : f32 to vector<16xf32>
          %mul3A_226 = arith.mulf %get3A_224, %mul3A_225 : vector<16xf32>
          %swap3A_227 = arith.index_cast %add3A_178 : i32 to index
          %swap3A_228 = arith.constant 80 : index
          %swap3A_229 = tpu.vector_load %arg15[%swap3A_227, %swap3A_228] {strides = array<i32>} : memref<96x144xf32, #tpu.memory_space<vmem>>, vector<16xf32>,
          tpu.vector_store %arg15[%swap3A_227, %swap3A_228], %mul3A_226 {strides = array<i32>} : memref<96x144xf32, #tpu.memory_space<vmem>>, vector<16xf32>,
          %slice3A_230 = vector.extract_strided_slice %get3A_174 {offsets = [3], sizes = [1], strides = [1]} : vector<16xf32> to vector<1xf32>
          %squeeze3A_231 = vector.extract %slice3A_230[0] : f32 from vector<1xf32>
          %get3A_232 = arith.index_cast %add3A_178 : i32 to index
          %get3A_233 = arith.constant 96 : index
          %get3A_234 = tpu.vector_load %arg15[%get3A_232, %get3A_233] {strides = array<i32>} : memref<96x144xf32, #tpu.memory_space<vmem>>, vector<16xf32>,
          %mul3A_235 = vector.broadcast %squeeze3A_231 : f32 to vector<16xf32>
          %mul3A_236 = arith.mulf %get3A_234, %mul3A_235 : vector<16xf32>
          %swap3A_237 = arith.index_cast %add3A_178 : i32 to index
          %swap3A_238 = arith.constant 96 : index
          %swap3A_239 = tpu.vector_load %arg15[%swap3A_237, %swap3A_238] {strides = array<i32>} : memref<96x144xf32, #tpu.memory_space<vmem>>, vector<16xf32>,
          tpu.vector_store %arg15[%swap3A_237, %swap3A_238], %mul3A_236 {strides = array<i32>} : memref<96x144xf32, #tpu.memory_space<vmem>>, vector<16xf32>,
          %get3A_240 = arith.index_cast %add3A_178 : i32 to index
          %get3A_241 = arith.constant 112 : index
          %get3A_242 = tpu.vector_load %arg15[%get3A_240, %get3A_241] {strides = array<i32>} : memref<96x144xf32, #tpu.memory_space<vmem>>, vector<16xf32>,
          %mul3A_243 = vector.broadcast %squeeze3A_231 : f32 to vector<16xf32>
          %mul3A_244 = arith.mulf %get3A_242, %mul3A_243 : vector<16xf32>
          %swap3A_245 = arith.index_cast %add3A_178 : i32 to index
          %swap3A_246 = arith.constant 112 : index
          %swap3A_247 = tpu.vector_load %arg15[%swap3A_245, %swap3A_246] {strides = array<i32>} : memref<96x144xf32, #tpu.memory_space<vmem>>, vector<16xf32>,
          tpu.vector_store %arg15[%swap3A_245, %swap3A_246], %mul3A_244 {strides = array<i32>} : memref<96x144xf32, #tpu.memory_space<vmem>>, vector<16xf32>,
          %lt3A_248 = arith.constant 4 : i32
          %lt3A_249 = vector.broadcast %lt3A_248 : i32 to vector<16xi32>
          %lt3A_250 = arith.cmpi slt, %iota3A, %lt3A_249 : vector<16xi32>
          %mul3A_251 = arith.constant 16 : i32
          %mul3A_252 = arith.muli %add3A_171, %mul3A_251 : i32
          %add3A_253 = arith.constant 0 : i32
          %add3A_254 = arith.addi %mul3A_252, %add3A_253 : i32
          %jit3A = arith.constant 4 : i32
          %eq3A = arith.constant 0 : i32
          %eq3A_255 = arith.cmpi eq, %jit3A, %eq3A : i32
          %jit3A_256 = arith.constant 1 : i32
          %select_n3A = arith.select %eq3A_255, %jit3A_256, %jit3A : i32
          %rem3A = vector.broadcast %select_n3A : i32 to vector<16xi32>
          %rem3A_257 = arith.remsi %iota3A, %rem3A : vector<16xi32>
          %ne3A = arith.constant 0 : i32
          %ne3A_258 = vector.broadcast %ne3A : i32 to vector<16xi32>
          %ne3A_259 = arith.cmpi ne, %rem3A_257, %ne3A_258 : vector<16xi32>
          %lt3A_260 = arith.constant 0 : i32
          %lt3A_261 = vector.broadcast %lt3A_260 : i32 to vector<16xi32>
          %lt3A_262 = arith.cmpi slt, %rem3A_257, %lt3A_261 : vector<16xi32>
          %lt3A_263 = arith.constant 0 : i32
          %lt3A_264 = arith.cmpi slt, %select_n3A, %lt3A_263 : i32
          %ne3A_265 = vector.broadcast %lt3A_264 : i1 to vector<16xi1>
          %ne3A_266 = vector.broadcast %ne3A_265 : vector<16xi1> to vector<16xi1>
          %ne3A_267 = arith.xori %lt3A_262, %ne3A_266 : vector<16xi1>
          %and3A_268 = arith.andi %ne3A_267, %ne3A_259 : vector<16xi1>
          %add3A_269 = vector.broadcast %select_n3A : i32 to vector<16xi32>
          %add3A_270 = arith.addi %rem3A_257, %add3A_269 : vector<16xi32>
          %select_n3A_271 = arith.select %and3A_268, %add3A_270, %rem3A_257 : vector<16xi1>, vector<16xi32>
          %add3A_272 = vector.broadcast %add3A_254 : i32 to vector<16xi32>
          %add3A_273 = arith.addi %add3A_272, %select_n3A_271 : vector<16xi32>
          %gather3A = tpu.vector_load_idx %arg19[%add3A_273] : memref<384xf32, #tpu.memory_space<vmem>>[vector<16xi32>], vector<16xf32>,
          %jit3A_274 = arith.constant 0.000000e+00 : f32
          %broadcast_in_dim3A_275 = vector.broadcast %jit3A_274 : f32 to vector<16xf32>
          %select_n3A_276 = arith.select %lt3A_250, %gather3A, %broadcast_in_dim3A_275 : vector<16xi1>, vector<16xf32>
          %swap3A_277 = arith.index_cast %add3A_178 : i32 to index
          %swap3A_278 = arith.constant 128 : index
          %swap3A_279 = tpu.vector_load %arg15[%swap3A_277, %swap3A_278] {strides = array<i32>} : memref<96x144xf32, #tpu.memory_space<vmem>>, vector<16xf32>,
          tpu.vector_store %arg15[%swap3A_277, %swap3A_278], %select_n3A_276 {strides = array<i32>} : memref<96x144xf32, #tpu.memory_space<vmem>>, vector<16xf32>,
          %mul3A_280 = arith.constant 4 : i32
          %mul3A_281 = arith.muli %add3A_171, %mul3A_280 : i32
          %add3A_282 = arith.constant 1 : i32
          %add3A_283 = arith.addi %mul3A_281, %add3A_282 : i32
          %slice3A_284 = vector.extract_strided_slice %get3A_174 {offsets = [4], sizes = [1], strides = [1]} : vector<16xf32> to vector<1xf32>
          %squeeze3A_285 = vector.extract %slice3A_284[0] : f32 from vector<1xf32>
          %get3A_286 = arith.index_cast %add3A_283 : i32 to index
          %get3A_287 = arith.constant 0 : index
          %get3A_288 = tpu.vector_load %arg15[%get3A_286, %get3A_287] {strides = array<i32>} : memref<96x144xf32, #tpu.memory_space<vmem>>, vector<16xf32>,
          %mul3A_289 = vector.broadcast %squeeze3A_285 : f32 to vector<16xf32>
          %mul3A_290 = arith.mulf %get3A_288, %mul3A_289 : vector<16xf32>
          %swap3A_291 = arith.index_cast %add3A_283 : i32 to index
          %swap3A_292 = arith.constant 0 : index
          %swap3A_293 = tpu.vector_load %arg15[%swap3A_291, %swap3A_292] {strides = array<i32>} : memref<96x144xf32, #tpu.memory_space<vmem>>, vector<16xf32>,
          tpu.vector_store %arg15[%swap3A_291, %swap3A_292], %mul3A_290 {strides = array<i32>} : memref<96x144xf32, #tpu.memory_space<vmem>>, vector<16xf32>,
          %get3A_294 = arith.index_cast %add3A_283 : i32 to index
          %get3A_295 = arith.constant 16 : index
          %get3A_296 = tpu.vector_load %arg15[%get3A_294, %get3A_295] {strides = array<i32>} : memref<96x144xf32, #tpu.memory_space<vmem>>, vector<16xf32>,
          %mul3A_297 = vector.broadcast %squeeze3A_285 : f32 to vector<16xf32>
          %mul3A_298 = arith.mulf %get3A_296, %mul3A_297 : vector<16xf32>
          %swap3A_299 = arith.index_cast %add3A_283 : i32 to index
          %swap3A_300 = arith.constant 16 : index
          %swap3A_301 = tpu.vector_load %arg15[%swap3A_299, %swap3A_300] {strides = array<i32>} : memref<96x144xf32, #tpu.memory_space<vmem>>, vector<16xf32>,
          tpu.vector_store %arg15[%swap3A_299, %swap3A_300], %mul3A_298 {strides = array<i32>} : memref<96x144xf32, #tpu.memory_space<vmem>>, vector<16xf32>,
          %slice3A_302 = vector.extract_strided_slice %get3A_174 {offsets = [5], sizes = [1], strides = [1]} : vector<16xf32> to vector<1xf32>
          %squeeze3A_303 = vector.extract %slice3A_302[0] : f32 from vector<1xf32>
          %get3A_304 = arith.index_cast %add3A_283 : i32 to index
          %get3A_305 = arith.constant 32 : index
          %get3A_306 = tpu.vector_load %arg15[%get3A_304, %get3A_305] {strides = array<i32>} : memref<96x144xf32, #tpu.memory_space<vmem>>, vector<16xf32>,
          %mul3A_307 = vector.broadcast %squeeze3A_303 : f32 to vector<16xf32>
          %mul3A_308 = arith.mulf %get3A_306, %mul3A_307 : vector<16xf32>
          %swap3A_309 = arith.index_cast %add3A_283 : i32 to index
          %swap3A_310 = arith.constant 32 : index
          %swap3A_311 = tpu.vector_load %arg15[%swap3A_309, %swap3A_310] {strides = array<i32>} : memref<96x144xf32, #tpu.memory_space<vmem>>, vector<16xf32>,
          tpu.vector_store %arg15[%swap3A_309, %swap3A_310], %mul3A_308 {strides = array<i32>} : memref<96x144xf32, #tpu.memory_space<vmem>>, vector<16xf32>,
          %get3A_312 = arith.index_cast %add3A_283 : i32 to index
          %get3A_313 = arith.constant 48 : index
          %get3A_314 = tpu.vector_load %arg15[%get3A_312, %get3A_313] {strides = array<i32>} : memref<96x144xf32, #tpu.memory_space<vmem>>, vector<16xf32>,
          %mul3A_315 = vector.broadcast %squeeze3A_303 : f32 to vector<16xf32>
          %mul3A_316 = arith.mulf %get3A_314, %mul3A_315 : vector<16xf32>
          %swap3A_317 = arith.index_cast %add3A_283 : i32 to index
          %swap3A_318 = arith.constant 48 : index
          %swap3A_319 = tpu.vector_load %arg15[%swap3A_317, %swap3A_318] {strides = array<i32>} : memref<96x144xf32, #tpu.memory_space<vmem>>, vector<16xf32>,
          tpu.vector_store %arg15[%swap3A_317, %swap3A_318], %mul3A_316 {strides = array<i32>} : memref<96x144xf32, #tpu.memory_space<vmem>>, vector<16xf32>,
          %slice3A_320 = vector.extract_strided_slice %get3A_174 {offsets = [6], sizes = [1], strides = [1]} : vector<16xf32> to vector<1xf32>
          %squeeze3A_321 = vector.extract %slice3A_320[0] : f32 from vector<1xf32>
          %get3A_322 = arith.index_cast %add3A_283 : i32 to index
          %get3A_323 = arith.constant 64 : index
          %get3A_324 = tpu.vector_load %arg15[%get3A_322, %get3A_323] {strides = array<i32>} : memref<96x144xf32, #tpu.memory_space<vmem>>, vector<16xf32>,
          %mul3A_325 = vector.broadcast %squeeze3A_321 : f32 to vector<16xf32>
          %mul3A_326 = arith.mulf %get3A_324, %mul3A_325 : vector<16xf32>
          %swap3A_327 = arith.index_cast %add3A_283 : i32 to index
          %swap3A_328 = arith.constant 64 : index
          %swap3A_329 = tpu.vector_load %arg15[%swap3A_327, %swap3A_328] {strides = array<i32>} : memref<96x144xf32, #tpu.memory_space<vmem>>, vector<16xf32>,
          tpu.vector_store %arg15[%swap3A_327, %swap3A_328], %mul3A_326 {strides = array<i32>} : memref<96x144xf32, #tpu.memory_space<vmem>>, vector<16xf32>,
          %get3A_330 = arith.index_cast %add3A_283 : i32 to index
          %get3A_331 = arith.constant 80 : index
          %get3A_332 = tpu.vector_load %arg15[%get3A_330, %get3A_331] {strides = array<i32>} : memref<96x144xf32, #tpu.memory_space<vmem>>, vector<16xf32>,
          %mul3A_333 = vector.broadcast %squeeze3A_321 : f32 to vector<16xf32>
          %mul3A_334 = arith.mulf %get3A_332, %mul3A_333 : vector<16xf32>
          %swap3A_335 = arith.index_cast %add3A_283 : i32 to index
          %swap3A_336 = arith.constant 80 : index
          %swap3A_337 = tpu.vector_load %arg15[%swap3A_335, %swap3A_336] {strides = array<i32>} : memref<96x144xf32, #tpu.memory_space<vmem>>, vector<16xf32>,
          tpu.vector_store %arg15[%swap3A_335, %swap3A_336], %mul3A_334 {strides = array<i32>} : memref<96x144xf32, #tpu.memory_space<vmem>>, vector<16xf32>,
          %slice3A_338 = vector.extract_strided_slice %get3A_174 {offsets = [7], sizes = [1], strides = [1]} : vector<16xf32> to vector<1xf32>
          %squeeze3A_339 = vector.extract %slice3A_338[0] : f32 from vector<1xf32>
          %get3A_340 = arith.index_cast %add3A_283 : i32 to index
          %get3A_341 = arith.constant 96 : index
          %get3A_342 = tpu.vector_load %arg15[%get3A_340, %get3A_341] {strides = array<i32>} : memref<96x144xf32, #tpu.memory_space<vmem>>, vector<16xf32>,
          %mul3A_343 = vector.broadcast %squeeze3A_339 : f32 to vector<16xf32>
          %mul3A_344 = arith.mulf %get3A_342, %mul3A_343 : vector<16xf32>
          %swap3A_345 = arith.index_cast %add3A_283 : i32 to index
          %swap3A_346 = arith.constant 96 : index
          %swap3A_347 = tpu.vector_load %arg15[%swap3A_345, %swap3A_346] {strides = array<i32>} : memref<96x144xf32, #tpu.memory_space<vmem>>, vector<16xf32>,
          tpu.vector_store %arg15[%swap3A_345, %swap3A_346], %mul3A_344 {strides = array<i32>} : memref<96x144xf32, #tpu.memory_space<vmem>>, vector<16xf32>,
          %get3A_348 = arith.index_cast %add3A_283 : i32 to index
          %get3A_349 = arith.constant 112 : index
          %get3A_350 = tpu.vector_load %arg15[%get3A_348, %get3A_349] {strides = array<i32>} : memref<96x144xf32, #tpu.memory_space<vmem>>, vector<16xf32>,
          %mul3A_351 = vector.broadcast %squeeze3A_339 : f32 to vector<16xf32>
          %mul3A_352 = arith.mulf %get3A_350, %mul3A_351 : vector<16xf32>
          %swap3A_353 = arith.index_cast %add3A_283 : i32 to index
          %swap3A_354 = arith.constant 112 : index
          %swap3A_355 = tpu.vector_load %arg15[%swap3A_353, %swap3A_354] {strides = array<i32>} : memref<96x144xf32, #tpu.memory_space<vmem>>, vector<16xf32>,
          tpu.vector_store %arg15[%swap3A_353, %swap3A_354], %mul3A_352 {strides = array<i32>} : memref<96x144xf32, #tpu.memory_space<vmem>>, vector<16xf32>,
          %lt3A_356 = arith.constant 4 : i32
          %lt3A_357 = vector.broadcast %lt3A_356 : i32 to vector<16xi32>
          %lt3A_358 = arith.cmpi slt, %iota3A, %lt3A_357 : vector<16xi32>
          %mul3A_359 = arith.constant 16 : i32
          %mul3A_360 = arith.muli %add3A_171, %mul3A_359 : i32
          %add3A_361 = arith.constant 4 : i32
          %add3A_362 = arith.addi %mul3A_360, %add3A_361 : i32
          %jit3A_363 = arith.constant 4 : i32
          %eq3A_364 = arith.constant 0 : i32
          %eq3A_365 = arith.cmpi eq, %jit3A_363, %eq3A_364 : i32
          %jit3A_366 = arith.constant 1 : i32
          %select_n3A_367 = arith.select %eq3A_365, %jit3A_366, %jit3A_363 : i32
          %rem3A_368 = vector.broadcast %select_n3A_367 : i32 to vector<16xi32>
          %rem3A_369 = arith.remsi %iota3A, %rem3A_368 : vector<16xi32>
          %ne3A_370 = arith.constant 0 : i32
          %ne3A_371 = vector.broadcast %ne3A_370 : i32 to vector<16xi32>
          %ne3A_372 = arith.cmpi ne, %rem3A_369, %ne3A_371 : vector<16xi32>
          %lt3A_373 = arith.constant 0 : i32
          %lt3A_374 = vector.broadcast %lt3A_373 : i32 to vector<16xi32>
          %lt3A_375 = arith.cmpi slt, %rem3A_369, %lt3A_374 : vector<16xi32>
          %lt3A_376 = arith.constant 0 : i32
          %lt3A_377 = arith.cmpi slt, %select_n3A_367, %lt3A_376 : i32
          %ne3A_378 = vector.broadcast %lt3A_377 : i1 to vector<16xi1>
          %ne3A_379 = vector.broadcast %ne3A_378 : vector<16xi1> to vector<16xi1>
          %ne3A_380 = arith.xori %lt3A_375, %ne3A_379 : vector<16xi1>
          %and3A_381 = arith.andi %ne3A_380, %ne3A_372 : vector<16xi1>
          %add3A_382 = vector.broadcast %select_n3A_367 : i32 to vector<16xi32>
          %add3A_383 = arith.addi %rem3A_369, %add3A_382 : vector<16xi32>
          %select_n3A_384 = arith.select %and3A_381, %add3A_383, %rem3A_369 : vector<16xi1>, vector<16xi32>
          %add3A_385 = vector.broadcast %add3A_362 : i32 to vector<16xi32>
          %add3A_386 = arith.addi %add3A_385, %select_n3A_384 : vector<16xi32>
          %gather3A_387 = tpu.vector_load_idx %arg19[%add3A_386] : memref<384xf32, #tpu.memory_space<vmem>>[vector<16xi32>], vector<16xf32>,
          %jit3A_388 = arith.constant 0.000000e+00 : f32
          %broadcast_in_dim3A_389 = vector.broadcast %jit3A_388 : f32 to vector<16xf32>
          %select_n3A_390 = arith.select %lt3A_358, %gather3A_387, %broadcast_in_dim3A_389 : vector<16xi1>, vector<16xf32>
          %swap3A_391 = arith.index_cast %add3A_283 : i32 to index
          %swap3A_392 = arith.constant 128 : index
          %swap3A_393 = tpu.vector_load %arg15[%swap3A_391, %swap3A_392] {strides = array<i32>} : memref<96x144xf32, #tpu.memory_space<vmem>>, vector<16xf32>,
          tpu.vector_store %arg15[%swap3A_391, %swap3A_392], %select_n3A_390 {strides = array<i32>} : memref<96x144xf32, #tpu.memory_space<vmem>>, vector<16xf32>,
          %mul3A_394 = arith.constant 4 : i32
          %mul3A_395 = arith.muli %add3A_171, %mul3A_394 : i32
          %add3A_396 = arith.constant 2 : i32
          %add3A_397 = arith.addi %mul3A_395, %add3A_396 : i32
          %slice3A_398 = vector.extract_strided_slice %get3A_174 {offsets = [8], sizes = [1], strides = [1]} : vector<16xf32> to vector<1xf32>
          %squeeze3A_399 = vector.extract %slice3A_398[0] : f32 from vector<1xf32>
          %get3A_400 = arith.index_cast %add3A_397 : i32 to index
          %get3A_401 = arith.constant 0 : index
          %get3A_402 = tpu.vector_load %arg15[%get3A_400, %get3A_401] {strides = array<i32>} : memref<96x144xf32, #tpu.memory_space<vmem>>, vector<16xf32>,
          %mul3A_403 = vector.broadcast %squeeze3A_399 : f32 to vector<16xf32>
          %mul3A_404 = arith.mulf %get3A_402, %mul3A_403 : vector<16xf32>
          %swap3A_405 = arith.index_cast %add3A_397 : i32 to index
          %swap3A_406 = arith.constant 0 : index
          %swap3A_407 = tpu.vector_load %arg15[%swap3A_405, %swap3A_406] {strides = array<i32>} : memref<96x144xf32, #tpu.memory_space<vmem>>, vector<16xf32>,
          tpu.vector_store %arg15[%swap3A_405, %swap3A_406], %mul3A_404 {strides = array<i32>} : memref<96x144xf32, #tpu.memory_space<vmem>>, vector<16xf32>,
          %get3A_408 = arith.index_cast %add3A_397 : i32 to index
          %get3A_409 = arith.constant 16 : index
          %get3A_410 = tpu.vector_load %arg15[%get3A_408, %get3A_409] {strides = array<i32>} : memref<96x144xf32, #tpu.memory_space<vmem>>, vector<16xf32>,
          %mul3A_411 = vector.broadcast %squeeze3A_399 : f32 to vector<16xf32>
          %mul3A_412 = arith.mulf %get3A_410, %mul3A_411 : vector<16xf32>
          %swap3A_413 = arith.index_cast %add3A_397 : i32 to index
          %swap3A_414 = arith.constant 16 : index
          %swap3A_415 = tpu.vector_load %arg15[%swap3A_413, %swap3A_414] {strides = array<i32>} : memref<96x144xf32, #tpu.memory_space<vmem>>, vector<16xf32>,
          tpu.vector_store %arg15[%swap3A_413, %swap3A_414], %mul3A_412 {strides = array<i32>} : memref<96x144xf32, #tpu.memory_space<vmem>>, vector<16xf32>,
          %slice3A_416 = vector.extract_strided_slice %get3A_174 {offsets = [9], sizes = [1], strides = [1]} : vector<16xf32> to vector<1xf32>
          %squeeze3A_417 = vector.extract %slice3A_416[0] : f32 from vector<1xf32>
          %get3A_418 = arith.index_cast %add3A_397 : i32 to index
          %get3A_419 = arith.constant 32 : index
          %get3A_420 = tpu.vector_load %arg15[%get3A_418, %get3A_419] {strides = array<i32>} : memref<96x144xf32, #tpu.memory_space<vmem>>, vector<16xf32>,
          %mul3A_421 = vector.broadcast %squeeze3A_417 : f32 to vector<16xf32>
          %mul3A_422 = arith.mulf %get3A_420, %mul3A_421 : vector<16xf32>
          %swap3A_423 = arith.index_cast %add3A_397 : i32 to index
          %swap3A_424 = arith.constant 32 : index
          %swap3A_425 = tpu.vector_load %arg15[%swap3A_423, %swap3A_424] {strides = array<i32>} : memref<96x144xf32, #tpu.memory_space<vmem>>, vector<16xf32>,
          tpu.vector_store %arg15[%swap3A_423, %swap3A_424], %mul3A_422 {strides = array<i32>} : memref<96x144xf32, #tpu.memory_space<vmem>>, vector<16xf32>,
          %get3A_426 = arith.index_cast %add3A_397 : i32 to index
          %get3A_427 = arith.constant 48 : index
          %get3A_428 = tpu.vector_load %arg15[%get3A_426, %get3A_427] {strides = array<i32>} : memref<96x144xf32, #tpu.memory_space<vmem>>, vector<16xf32>,
          %mul3A_429 = vector.broadcast %squeeze3A_417 : f32 to vector<16xf32>
          %mul3A_430 = arith.mulf %get3A_428, %mul3A_429 : vector<16xf32>
          %swap3A_431 = arith.index_cast %add3A_397 : i32 to index
          %swap3A_432 = arith.constant 48 : index
          %swap3A_433 = tpu.vector_load %arg15[%swap3A_431, %swap3A_432] {strides = array<i32>} : memref<96x144xf32, #tpu.memory_space<vmem>>, vector<16xf32>,
          tpu.vector_store %arg15[%swap3A_431, %swap3A_432], %mul3A_430 {strides = array<i32>} : memref<96x144xf32, #tpu.memory_space<vmem>>, vector<16xf32>,
          %slice3A_434 = vector.extract_strided_slice %get3A_174 {offsets = [10], sizes = [1], strides = [1]} : vector<16xf32> to vector<1xf32>
          %squeeze3A_435 = vector.extract %slice3A_434[0] : f32 from vector<1xf32>
          %get3A_436 = arith.index_cast %add3A_397 : i32 to index
          %get3A_437 = arith.constant 64 : index
          %get3A_438 = tpu.vector_load %arg15[%get3A_436, %get3A_437] {strides = array<i32>} : memref<96x144xf32, #tpu.memory_space<vmem>>, vector<16xf32>,
          %mul3A_439 = vector.broadcast %squeeze3A_435 : f32 to vector<16xf32>
          %mul3A_440 = arith.mulf %get3A_438, %mul3A_439 : vector<16xf32>
          %swap3A_441 = arith.index_cast %add3A_397 : i32 to index
          %swap3A_442 = arith.constant 64 : index
          %swap3A_443 = tpu.vector_load %arg15[%swap3A_441, %swap3A_442] {strides = array<i32>} : memref<96x144xf32, #tpu.memory_space<vmem>>, vector<16xf32>,
          tpu.vector_store %arg15[%swap3A_441, %swap3A_442], %mul3A_440 {strides = array<i32>} : memref<96x144xf32, #tpu.memory_space<vmem>>, vector<16xf32>,
          %get3A_444 = arith.index_cast %add3A_397 : i32 to index
          %get3A_445 = arith.constant 80 : index
          %get3A_446 = tpu.vector_load %arg15[%get3A_444, %get3A_445] {strides = array<i32>} : memref<96x144xf32, #tpu.memory_space<vmem>>, vector<16xf32>,
          %mul3A_447 = vector.broadcast %squeeze3A_435 : f32 to vector<16xf32>
          %mul3A_448 = arith.mulf %get3A_446, %mul3A_447 : vector<16xf32>
          %swap3A_449 = arith.index_cast %add3A_397 : i32 to index
          %swap3A_450 = arith.constant 80 : index
          %swap3A_451 = tpu.vector_load %arg15[%swap3A_449, %swap3A_450] {strides = array<i32>} : memref<96x144xf32, #tpu.memory_space<vmem>>, vector<16xf32>,
          tpu.vector_store %arg15[%swap3A_449, %swap3A_450], %mul3A_448 {strides = array<i32>} : memref<96x144xf32, #tpu.memory_space<vmem>>, vector<16xf32>,
          %slice3A_452 = vector.extract_strided_slice %get3A_174 {offsets = [11], sizes = [1], strides = [1]} : vector<16xf32> to vector<1xf32>
          %squeeze3A_453 = vector.extract %slice3A_452[0] : f32 from vector<1xf32>
          %get3A_454 = arith.index_cast %add3A_397 : i32 to index
          %get3A_455 = arith.constant 96 : index
          %get3A_456 = tpu.vector_load %arg15[%get3A_454, %get3A_455] {strides = array<i32>} : memref<96x144xf32, #tpu.memory_space<vmem>>, vector<16xf32>,
          %mul3A_457 = vector.broadcast %squeeze3A_453 : f32 to vector<16xf32>
          %mul3A_458 = arith.mulf %get3A_456, %mul3A_457 : vector<16xf32>
          %swap3A_459 = arith.index_cast %add3A_397 : i32 to index
          %swap3A_460 = arith.constant 96 : index
          %swap3A_461 = tpu.vector_load %arg15[%swap3A_459, %swap3A_460] {strides = array<i32>} : memref<96x144xf32, #tpu.memory_space<vmem>>, vector<16xf32>,
          tpu.vector_store %arg15[%swap3A_459, %swap3A_460], %mul3A_458 {strides = array<i32>} : memref<96x144xf32, #tpu.memory_space<vmem>>, vector<16xf32>,
          %get3A_462 = arith.index_cast %add3A_397 : i32 to index
          %get3A_463 = arith.constant 112 : index
          %get3A_464 = tpu.vector_load %arg15[%get3A_462, %get3A_463] {strides = array<i32>} : memref<96x144xf32, #tpu.memory_space<vmem>>, vector<16xf32>,
          %mul3A_465 = vector.broadcast %squeeze3A_453 : f32 to vector<16xf32>
          %mul3A_466 = arith.mulf %get3A_464, %mul3A_465 : vector<16xf32>
          %swap3A_467 = arith.index_cast %add3A_397 : i32 to index
          %swap3A_468 = arith.constant 112 : index
          %swap3A_469 = tpu.vector_load %arg15[%swap3A_467, %swap3A_468] {strides = array<i32>} : memref<96x144xf32, #tpu.memory_space<vmem>>, vector<16xf32>,
          tpu.vector_store %arg15[%swap3A_467, %swap3A_468], %mul3A_466 {strides = array<i32>} : memref<96x144xf32, #tpu.memory_space<vmem>>, vector<16xf32>,
          %lt3A_470 = arith.constant 4 : i32
          %lt3A_471 = vector.broadcast %lt3A_470 : i32 to vector<16xi32>
          %lt3A_472 = arith.cmpi slt, %iota3A, %lt3A_471 : vector<16xi32>
          %mul3A_473 = arith.constant 16 : i32
          %mul3A_474 = arith.muli %add3A_171, %mul3A_473 : i32
          %add3A_475 = arith.constant 8 : i32
          %add3A_476 = arith.addi %mul3A_474, %add3A_475 : i32
          %jit3A_477 = arith.constant 4 : i32
          %eq3A_478 = arith.constant 0 : i32
          %eq3A_479 = arith.cmpi eq, %jit3A_477, %eq3A_478 : i32
          %jit3A_480 = arith.constant 1 : i32
          %select_n3A_481 = arith.select %eq3A_479, %jit3A_480, %jit3A_477 : i32
          %rem3A_482 = vector.broadcast %select_n3A_481 : i32 to vector<16xi32>
          %rem3A_483 = arith.remsi %iota3A, %rem3A_482 : vector<16xi32>
          %ne3A_484 = arith.constant 0 : i32
          %ne3A_485 = vector.broadcast %ne3A_484 : i32 to vector<16xi32>
          %ne3A_486 = arith.cmpi ne, %rem3A_483, %ne3A_485 : vector<16xi32>
          %lt3A_487 = arith.constant 0 : i32
          %lt3A_488 = vector.broadcast %lt3A_487 : i32 to vector<16xi32>
          %lt3A_489 = arith.cmpi slt, %rem3A_483, %lt3A_488 : vector<16xi32>
          %lt3A_490 = arith.constant 0 : i32
          %lt3A_491 = arith.cmpi slt, %select_n3A_481, %lt3A_490 : i32
          %ne3A_492 = vector.broadcast %lt3A_491 : i1 to vector<16xi1>
          %ne3A_493 = vector.broadcast %ne3A_492 : vector<16xi1> to vector<16xi1>
          %ne3A_494 = arith.xori %lt3A_489, %ne3A_493 : vector<16xi1>
          %and3A_495 = arith.andi %ne3A_494, %ne3A_486 : vector<16xi1>
          %add3A_496 = vector.broadcast %select_n3A_481 : i32 to vector<16xi32>
          %add3A_497 = arith.addi %rem3A_483, %add3A_496 : vector<16xi32>
          %select_n3A_498 = arith.select %and3A_495, %add3A_497, %rem3A_483 : vector<16xi1>, vector<16xi32>
          %add3A_499 = vector.broadcast %add3A_476 : i32 to vector<16xi32>
          %add3A_500 = arith.addi %add3A_499, %select_n3A_498 : vector<16xi32>
          %gather3A_501 = tpu.vector_load_idx %arg19[%add3A_500] : memref<384xf32, #tpu.memory_space<vmem>>[vector<16xi32>], vector<16xf32>,
          %jit3A_502 = arith.constant 0.000000e+00 : f32
          %broadcast_in_dim3A_503 = vector.broadcast %jit3A_502 : f32 to vector<16xf32>
          %select_n3A_504 = arith.select %lt3A_472, %gather3A_501, %broadcast_in_dim3A_503 : vector<16xi1>, vector<16xf32>
          %swap3A_505 = arith.index_cast %add3A_397 : i32 to index
          %swap3A_506 = arith.constant 128 : index
          %swap3A_507 = tpu.vector_load %arg15[%swap3A_505, %swap3A_506] {strides = array<i32>} : memref<96x144xf32, #tpu.memory_space<vmem>>, vector<16xf32>,
          tpu.vector_store %arg15[%swap3A_505, %swap3A_506], %select_n3A_504 {strides = array<i32>} : memref<96x144xf32, #tpu.memory_space<vmem>>, vector<16xf32>,
          %mul3A_508 = arith.constant 4 : i32
          %mul3A_509 = arith.muli %add3A_171, %mul3A_508 : i32
          %add3A_510 = arith.constant 3 : i32
          %add3A_511 = arith.addi %mul3A_509, %add3A_510 : i32
          %slice3A_512 = vector.extract_strided_slice %get3A_174 {offsets = [12], sizes = [1], strides = [1]} : vector<16xf32> to vector<1xf32>
          %squeeze3A_513 = vector.extract %slice3A_512[0] : f32 from vector<1xf32>
          %get3A_514 = arith.index_cast %add3A_511 : i32 to index
          %get3A_515 = arith.constant 0 : index
          %get3A_516 = tpu.vector_load %arg15[%get3A_514, %get3A_515] {strides = array<i32>} : memref<96x144xf32, #tpu.memory_space<vmem>>, vector<16xf32>,
          %mul3A_517 = vector.broadcast %squeeze3A_513 : f32 to vector<16xf32>
          %mul3A_518 = arith.mulf %get3A_516, %mul3A_517 : vector<16xf32>
          %swap3A_519 = arith.index_cast %add3A_511 : i32 to index
          %swap3A_520 = arith.constant 0 : index
          %swap3A_521 = tpu.vector_load %arg15[%swap3A_519, %swap3A_520] {strides = array<i32>} : memref<96x144xf32, #tpu.memory_space<vmem>>, vector<16xf32>,
          tpu.vector_store %arg15[%swap3A_519, %swap3A_520], %mul3A_518 {strides = array<i32>} : memref<96x144xf32, #tpu.memory_space<vmem>>, vector<16xf32>,
          %get3A_522 = arith.index_cast %add3A_511 : i32 to index
          %get3A_523 = arith.constant 16 : index
          %get3A_524 = tpu.vector_load %arg15[%get3A_522, %get3A_523] {strides = array<i32>} : memref<96x144xf32, #tpu.memory_space<vmem>>, vector<16xf32>,
          %mul3A_525 = vector.broadcast %squeeze3A_513 : f32 to vector<16xf32>
          %mul3A_526 = arith.mulf %get3A_524, %mul3A_525 : vector<16xf32>
          %swap3A_527 = arith.index_cast %add3A_511 : i32 to index
          %swap3A_528 = arith.constant 16 : index
          %swap3A_529 = tpu.vector_load %arg15[%swap3A_527, %swap3A_528] {strides = array<i32>} : memref<96x144xf32, #tpu.memory_space<vmem>>, vector<16xf32>,
          tpu.vector_store %arg15[%swap3A_527, %swap3A_528], %mul3A_526 {strides = array<i32>} : memref<96x144xf32, #tpu.memory_space<vmem>>, vector<16xf32>,
          %slice3A_530 = vector.extract_strided_slice %get3A_174 {offsets = [13], sizes = [1], strides = [1]} : vector<16xf32> to vector<1xf32>
          %squeeze3A_531 = vector.extract %slice3A_530[0] : f32 from vector<1xf32>
          %get3A_532 = arith.index_cast %add3A_511 : i32 to index
          %get3A_533 = arith.constant 32 : index
          %get3A_534 = tpu.vector_load %arg15[%get3A_532, %get3A_533] {strides = array<i32>} : memref<96x144xf32, #tpu.memory_space<vmem>>, vector<16xf32>,
          %mul3A_535 = vector.broadcast %squeeze3A_531 : f32 to vector<16xf32>
          %mul3A_536 = arith.mulf %get3A_534, %mul3A_535 : vector<16xf32>
          %swap3A_537 = arith.index_cast %add3A_511 : i32 to index
          %swap3A_538 = arith.constant 32 : index
          %swap3A_539 = tpu.vector_load %arg15[%swap3A_537, %swap3A_538] {strides = array<i32>} : memref<96x144xf32, #tpu.memory_space<vmem>>, vector<16xf32>,
          tpu.vector_store %arg15[%swap3A_537, %swap3A_538], %mul3A_536 {strides = array<i32>} : memref<96x144xf32, #tpu.memory_space<vmem>>, vector<16xf32>,
          %get3A_540 = arith.index_cast %add3A_511 : i32 to index
          %get3A_541 = arith.constant 48 : index
          %get3A_542 = tpu.vector_load %arg15[%get3A_540, %get3A_541] {strides = array<i32>} : memref<96x144xf32, #tpu.memory_space<vmem>>, vector<16xf32>,
          %mul3A_543 = vector.broadcast %squeeze3A_531 : f32 to vector<16xf32>
          %mul3A_544 = arith.mulf %get3A_542, %mul3A_543 : vector<16xf32>
          %swap3A_545 = arith.index_cast %add3A_511 : i32 to index
          %swap3A_546 = arith.constant 48 : index
          %swap3A_547 = tpu.vector_load %arg15[%swap3A_545, %swap3A_546] {strides = array<i32>} : memref<96x144xf32, #tpu.memory_space<vmem>>, vector<16xf32>,
          tpu.vector_store %arg15[%swap3A_545, %swap3A_546], %mul3A_544 {strides = array<i32>} : memref<96x144xf32, #tpu.memory_space<vmem>>, vector<16xf32>,
          %slice3A_548 = vector.extract_strided_slice %get3A_174 {offsets = [14], sizes = [1], strides = [1]} : vector<16xf32> to vector<1xf32>
          %squeeze3A_549 = vector.extract %slice3A_548[0] : f32 from vector<1xf32>
          %get3A_550 = arith.index_cast %add3A_511 : i32 to index
          %get3A_551 = arith.constant 64 : index
          %get3A_552 = tpu.vector_load %arg15[%get3A_550, %get3A_551] {strides = array<i32>} : memref<96x144xf32, #tpu.memory_space<vmem>>, vector<16xf32>,
          %mul3A_553 = vector.broadcast %squeeze3A_549 : f32 to vector<16xf32>
          %mul3A_554 = arith.mulf %get3A_552, %mul3A_553 : vector<16xf32>
          %swap3A_555 = arith.index_cast %add3A_511 : i32 to index
          %swap3A_556 = arith.constant 64 : index
          %swap3A_557 = tpu.vector_load %arg15[%swap3A_555, %swap3A_556] {strides = array<i32>} : memref<96x144xf32, #tpu.memory_space<vmem>>, vector<16xf32>,
          tpu.vector_store %arg15[%swap3A_555, %swap3A_556], %mul3A_554 {strides = array<i32>} : memref<96x144xf32, #tpu.memory_space<vmem>>, vector<16xf32>,
          %get3A_558 = arith.index_cast %add3A_511 : i32 to index
          %get3A_559 = arith.constant 80 : index
          %get3A_560 = tpu.vector_load %arg15[%get3A_558, %get3A_559] {strides = array<i32>} : memref<96x144xf32, #tpu.memory_space<vmem>>, vector<16xf32>,
          %mul3A_561 = vector.broadcast %squeeze3A_549 : f32 to vector<16xf32>
          %mul3A_562 = arith.mulf %get3A_560, %mul3A_561 : vector<16xf32>
          %swap3A_563 = arith.index_cast %add3A_511 : i32 to index
          %swap3A_564 = arith.constant 80 : index
          %swap3A_565 = tpu.vector_load %arg15[%swap3A_563, %swap3A_564] {strides = array<i32>} : memref<96x144xf32, #tpu.memory_space<vmem>>, vector<16xf32>,
          tpu.vector_store %arg15[%swap3A_563, %swap3A_564], %mul3A_562 {strides = array<i32>} : memref<96x144xf32, #tpu.memory_space<vmem>>, vector<16xf32>,
          %slice3A_566 = vector.extract_strided_slice %get3A_174 {offsets = [15], sizes = [1], strides = [1]} : vector<16xf32> to vector<1xf32>
          %squeeze3A_567 = vector.extract %slice3A_566[0] : f32 from vector<1xf32>
          %get3A_568 = arith.index_cast %add3A_511 : i32 to index
          %get3A_569 = arith.constant 96 : index
          %get3A_570 = tpu.vector_load %arg15[%get3A_568, %get3A_569] {strides = array<i32>} : memref<96x144xf32, #tpu.memory_space<vmem>>, vector<16xf32>,
          %mul3A_571 = vector.broadcast %squeeze3A_567 : f32 to vector<16xf32>
          %mul3A_572 = arith.mulf %get3A_570, %mul3A_571 : vector<16xf32>
          %swap3A_573 = arith.index_cast %add3A_511 : i32 to index
          %swap3A_574 = arith.constant 96 : index
          %swap3A_575 = tpu.vector_load %arg15[%swap3A_573, %swap3A_574] {strides = array<i32>} : memref<96x144xf32, #tpu.memory_space<vmem>>, vector<16xf32>,
          tpu.vector_store %arg15[%swap3A_573, %swap3A_574], %mul3A_572 {strides = array<i32>} : memref<96x144xf32, #tpu.memory_space<vmem>>, vector<16xf32>,
          %get3A_576 = arith.index_cast %add3A_511 : i32 to index
          %get3A_577 = arith.constant 112 : index
          %get3A_578 = tpu.vector_load %arg15[%get3A_576, %get3A_577] {strides = array<i32>} : memref<96x144xf32, #tpu.memory_space<vmem>>, vector<16xf32>,
          %mul3A_579 = vector.broadcast %squeeze3A_567 : f32 to vector<16xf32>
          %mul3A_580 = arith.mulf %get3A_578, %mul3A_579 : vector<16xf32>
          %swap3A_581 = arith.index_cast %add3A_511 : i32 to index
          %swap3A_582 = arith.constant 112 : index
          %swap3A_583 = tpu.vector_load %arg15[%swap3A_581, %swap3A_582] {strides = array<i32>} : memref<96x144xf32, #tpu.memory_space<vmem>>, vector<16xf32>,
          tpu.vector_store %arg15[%swap3A_581, %swap3A_582], %mul3A_580 {strides = array<i32>} : memref<96x144xf32, #tpu.memory_space<vmem>>, vector<16xf32>,
          %lt3A_584 = arith.constant 4 : i32
          %lt3A_585 = vector.broadcast %lt3A_584 : i32 to vector<16xi32>
          %lt3A_586 = arith.cmpi slt, %iota3A, %lt3A_585 : vector<16xi32>
          %mul3A_587 = arith.constant 16 : i32
          %mul3A_588 = arith.muli %add3A_171, %mul3A_587 : i32
          %add3A_589 = arith.constant 12 : i32
          %add3A_590 = arith.addi %mul3A_588, %add3A_589 : i32
          %jit3A_591 = arith.constant 4 : i32
          %eq3A_592 = arith.constant 0 : i32
          %eq3A_593 = arith.cmpi eq, %jit3A_591, %eq3A_592 : i32
          %jit3A_594 = arith.constant 1 : i32
          %select_n3A_595 = arith.select %eq3A_593, %jit3A_594, %jit3A_591 : i32
          %rem3A_596 = vector.broadcast %select_n3A_595 : i32 to vector<16xi32>
          %rem3A_597 = arith.remsi %iota3A, %rem3A_596 : vector<16xi32>
          %ne3A_598 = arith.constant 0 : i32
          %ne3A_599 = vector.broadcast %ne3A_598 : i32 to vector<16xi32>
          %ne3A_600 = arith.cmpi ne, %rem3A_597, %ne3A_599 : vector<16xi32>
          %lt3A_601 = arith.constant 0 : i32
          %lt3A_602 = vector.broadcast %lt3A_601 : i32 to vector<16xi32>
          %lt3A_603 = arith.cmpi slt, %rem3A_597, %lt3A_602 : vector<16xi32>
          %lt3A_604 = arith.constant 0 : i32
          %lt3A_605 = arith.cmpi slt, %select_n3A_595, %lt3A_604 : i32
          %ne3A_606 = vector.broadcast %lt3A_605 : i1 to vector<16xi1>
          %ne3A_607 = vector.broadcast %ne3A_606 : vector<16xi1> to vector<16xi1>
          %ne3A_608 = arith.xori %lt3A_603, %ne3A_607 : vector<16xi1>
          %and3A_609 = arith.andi %ne3A_608, %ne3A_600 : vector<16xi1>
          %add3A_610 = vector.broadcast %select_n3A_595 : i32 to vector<16xi32>
          %add3A_611 = arith.addi %rem3A_597, %add3A_610 : vector<16xi32>
          %select_n3A_612 = arith.select %and3A_609, %add3A_611, %rem3A_597 : vector<16xi1>, vector<16xi32>
          %add3A_613 = vector.broadcast %add3A_590 : i32 to vector<16xi32>
          %add3A_614 = arith.addi %add3A_613, %select_n3A_612 : vector<16xi32>
          %gather3A_615 = tpu.vector_load_idx %arg19[%add3A_614] : memref<384xf32, #tpu.memory_space<vmem>>[vector<16xi32>], vector<16xf32>,
          %jit3A_616 = arith.constant 0.000000e+00 : f32
          %broadcast_in_dim3A_617 = vector.broadcast %jit3A_616 : f32 to vector<16xf32>
          %select_n3A_618 = arith.select %lt3A_586, %gather3A_615, %broadcast_in_dim3A_617 : vector<16xi1>, vector<16xf32>
          %swap3A_619 = arith.index_cast %add3A_511 : i32 to index
          %swap3A_620 = arith.constant 128 : index
          %swap3A_621 = tpu.vector_load %arg15[%swap3A_619, %swap3A_620] {strides = array<i32>} : memref<96x144xf32, #tpu.memory_space<vmem>>, vector<16xf32>,
          tpu.vector_store %arg15[%swap3A_619, %swap3A_620], %select_n3A_618 {strides = array<i32>} : memref<96x144xf32, #tpu.memory_space<vmem>>, vector<16xf32>,
        }
        %scan3A_104 = arith.constant 24 : i32
        %scan3A_105 = arith.constant 0 : i32
        %scan3A_106 = arith.constant 6 : i32
        %scan3A_107 = arith.addi %scan3A_105, %scan3A_106 : i32
        %scan3A_108 = arith.constant 1 : i32
        scf.for %scan3A_167 = %scan3A_105 to %scan3A_107 step %scan3A_108  : i32 {
          %mul3A_168 = arith.constant 1 : i32
          %mul3A_169 = arith.muli %scan3A_167, %mul3A_168 : i32
          %add3A_170 = arith.constant 0 : i32
          %add3A_171 = arith.addi %add3A_170, %mul3A_169 : i32
          %mul3A_172 = arith.constant 16 : i32
          %mul3A_173 = arith.muli %add3A_171, %mul3A_172 : i32
          %get3A = arith.constant 1 : i32
          %get3A_174 = arith.index_cast %get3A : i32 to index
          %get3A_175 = arith.index_cast %mul3A_173 : i32 to index
          %get3A_176 = tpu.vector_load %arg7[%get3A_174, %get3A_175] {strides = array<i32>} : memref<2x96xi32, #tpu.memory_space<vmem>>, vector<16xi32>,
          %mul3A_177 = arith.constant 16 : i32
          %mul3A_178 = arith.muli %add3A_171, %mul3A_177 : i32
          %swap3A = arith.index_cast %mul3A_178 : i32 to index
          %swap3A_179 = tpu.vector_load %arg13[%swap3A] {strides = array<i32>} : memref<96xi32, #tpu.memory_space<vmem>>, vector<16xi32>,
          tpu.vector_store %arg13[%swap3A], %get3A_176 {strides = array<i32>} : memref<96xi32, #tpu.memory_space<vmem>>, vector<16xi32>,
        }
        %scan3A_109 = arith.constant 6 : i32
        %dma_start3A_110 = arith.constant 0 : i32
        %dma_start3A_111 = arith.constant 0 : i32
        %dma_start3A_112 = tpu.memref_slice %arg20[%dma_start3A_110, %dma_start3A_111] : memref<10240x144xf32, #tpu.memory_space<vmem_shared>> -> memref<10240x144xf32, #tpu.memory_space<vmem_shared>>
        tpu.enqueue_indirect_dma source(%arg15 : memref<96x144xf32, #tpu.memory_space<vmem>>) target(%dma_start3A_112 : memref<10240x144xf32, #tpu.memory_space<vmem_shared>>) offsets(%arg13 : memref<96xi32, #tpu.memory_space<vmem>>) semaphore(%arg23 : memref<!tpu.dma_semaphore, #tpu.memory_space<semaphore_mem>>) {add = true}
        %add3A_113 = arith.constant 2 : i32
        %add3A_114 = arith.addi %add3A_80, %add3A_113 : i32
        %lt3A_115 = arith.constant 112 : i32
        %lt3A_116 = arith.cmpi slt, %add3A_114, %lt3A_115 : i32
        %convert_element_type3A_117 = arith.extui %lt3A_116 : i1 to i32
        %cond3A_118 = arith.constant 0 : i32
        %cond3A_119 = arith.cmpi ne, %convert_element_type3A_117, %cond3A_118 : i32
        scf.if %cond3A_119 {
          %add3A_167 = arith.constant 2 : i32
          %add3A_168 = arith.addi %add3A_80, %add3A_167 : i32
          %mul3A_169 = arith.constant 96 : i32
          %mul3A_170 = arith.muli %add3A_168, %mul3A_169 : i32
          %dma_start3A_171 = arith.constant 0 : i32
          %dma_start3A_172 = tpu.memref_slice %arg4[%arg1, %dma_start3A_171, %mul3A_170] : memref<16x2x10752xi32, #tpu.memory_space<hbm>> -> memref<1x2x96xi32, #tpu.memory_space<hbm>>
          %dma_start3A_173 = tpu.memref_squeeze %dma_start3A_172 : memref<1x2x96xi32, #tpu.memory_space<hbm>> -> memref<2x96xi32, #tpu.memory_space<hbm>>
          %dma_start3A_174 = arith.constant 0 : i32
          %dma_start3A_175 = tpu.memref_slice %arg4[%arg1, %dma_start3A_174, %mul3A_170] : memref<16x2x10752xi32, #tpu.memory_space<hbm>> -> memref<1x2x96xi32, #tpu.memory_space<hbm>>
          %dma_start3A_176 = tpu.memref_squeeze %dma_start3A_175 : memref<1x2x96xi32, #tpu.memory_space<hbm>> -> memref<2x96xi32, #tpu.memory_space<hbm>>
          tpu.enqueue_dma source(%dma_start3A_176 : memref<2x96xi32, #tpu.memory_space<hbm>>) target(%arg7 : memref<2x96xi32, #tpu.memory_space<vmem>>) target_semaphore(%arg25 : memref<!tpu.dma_semaphore, #tpu.memory_space<semaphore_mem>>)
        } else {
        }
        %mul3A_120 = arith.constant 2 : i32
        %mul3A_121 = arith.muli %add3A_76, %mul3A_120 : i32
        %add3A_122 = arith.constant 1 : i32
        %add3A_123 = arith.addi %mul3A_121, %add3A_122 : i32
        %ge3A_124 = arith.constant 1 : i32
        %ge3A_125 = arith.cmpi sge, %add3A_123, %ge3A_124 : i32
        %convert_element_type3A_126 = arith.extui %ge3A_125 : i1 to i32
        %cond3A_127 = arith.constant 0 : i32
        %cond3A_128 = arith.cmpi ne, %convert_element_type3A_126, %cond3A_127 : i32
        scf.if %cond3A_128 {
          %dma_wait3A_167 = arith.constant 0 : i32
          %dma_wait3A_168 = arith.constant 0 : i32
          %dma_wait3A_169 = tpu.memref_slice %arg20[%dma_wait3A_167, %dma_wait3A_168] : memref<10240x144xf32, #tpu.memory_space<vmem_shared>> -> memref<10240x144xf32, #tpu.memory_space<vmem_shared>>
          tpu.wait_indirect_dma semaphore(%arg23 : memref<!tpu.dma_semaphore, #tpu.memory_space<semaphore_mem>>) src(%arg15 : memref<96x144xf32, #tpu.memory_space<vmem>>) dst(%dma_wait3A_169 : memref<10240x144xf32, #tpu.memory_space<vmem_shared>>)
        } else {
        }
        %add3A_129 = arith.constant 1 : i32
        %add3A_130 = arith.addi %add3A_123, %add3A_129 : i32
        %lt3A_131 = arith.constant 112 : i32
        %lt3A_132 = arith.cmpi slt, %add3A_130, %lt3A_131 : i32
        %convert_element_type3A_133 = arith.extui %lt3A_132 : i1 to i32
        %cond3A_134 = arith.constant 0 : i32
        %cond3A_135 = arith.cmpi ne, %convert_element_type3A_133, %cond3A_134 : i32
        scf.if %cond3A_135 {
          %dma_wait3A_167 = arith.constant 0 : i32
          %dma_wait3A_168 = arith.constant 0 : i32
          %dma_wait3A_169 = tpu.memref_slice %arg4[%arg1, %dma_wait3A_167, %dma_wait3A_168] : memref<16x2x10752xi32, #tpu.memory_space<hbm>> -> memref<1x2x96xi32, #tpu.memory_space<hbm>>
          %dma_wait3A_170 = tpu.memref_squeeze %dma_wait3A_169 : memref<1x2x96xi32, #tpu.memory_space<hbm>> -> memref<2x96xi32, #tpu.memory_space<hbm>>
          %dma_wait3A_171 = arith.constant 0 : i32
          %dma_wait3A_172 = arith.constant 0 : i32
          %dma_wait3A_173 = tpu.memref_slice %arg4[%arg1, %dma_wait3A_171, %dma_wait3A_172] : memref<16x2x10752xi32, #tpu.memory_space<hbm>> -> memref<1x2x96xi32, #tpu.memory_space<hbm>>
          %dma_wait3A_174 = tpu.memref_squeeze %dma_wait3A_173 : memref<1x2x96xi32, #tpu.memory_space<hbm>> -> memref<2x96xi32, #tpu.memory_space<hbm>>
          tpu.wait_dma2 semaphore(%arg25 : memref<!tpu.dma_semaphore, #tpu.memory_space<semaphore_mem>>) src(%dma_wait3A_174 : memref<2x96xi32, #tpu.memory_space<hbm>>) dst(%arg7 : memref<2x96xi32, #tpu.memory_space<vmem>>)
          %scan3A_175 = arith.constant 0 : i32
          %scan3A_176 = arith.constant 6 : i32
          %scan3A_177 = arith.addi %scan3A_175, %scan3A_176 : i32
          %scan3A_178 = arith.constant 1 : i32
          scf.for %scan3A_186 = %scan3A_175 to %scan3A_177 step %scan3A_178  : i32 {
            %mul3A_187 = arith.constant 1 : i32
            %mul3A_188 = arith.muli %scan3A_186, %mul3A_187 : i32
            %add3A_189 = arith.constant 0 : i32
            %add3A_190 = arith.addi %add3A_189, %mul3A_188 : i32
            %mul3A_191 = arith.constant 16 : i32
            %mul3A_192 = arith.muli %add3A_190, %mul3A_191 : i32
            %get3A = arith.constant 0 : i32
            %get3A_193 = arith.index_cast %get3A : i32 to index
            %get3A_194 = arith.index_cast %mul3A_192 : i32 to index
            %get3A_195 = tpu.vector_load %arg7[%get3A_193, %get3A_194] {strides = array<i32>} : memref<2x96xi32, #tpu.memory_space<vmem>>, vector<16xi32>,
            %mul3A_196 = arith.constant 16 : i32
            %mul3A_197 = arith.muli %add3A_190, %mul3A_196 : i32
            %get3A_198 = arith.constant 1 : i32
            %get3A_199 = arith.index_cast %get3A_198 : i32 to index
            %get3A_200 = arith.index_cast %mul3A_197 : i32 to index
            %get3A_201 = tpu.vector_load %arg7[%get3A_199, %get3A_200] {strides = array<i32>} : memref<2x96xi32, #tpu.memory_space<vmem>>, vector<16xi32>,
            %add3A_202 = vector.broadcast %mul3A_21 : i32 to vector<16xi32>
            %add3A_203 = arith.addi %get3A_195, %add3A_202 : vector<16xi32>
            %mul3A_204 = arith.constant 16 : i32
            %mul3A_205 = arith.muli %add3A_190, %mul3A_204 : i32
            %swap3A = arith.index_cast %mul3A_205 : i32 to index
            %swap3A_206 = tpu.vector_load %arg9[%swap3A] {strides = array<i32>} : memref<96xi32, #tpu.memory_space<vmem>>, vector<16xi32>,
            tpu.vector_store %arg9[%swap3A], %add3A_203 {strides = array<i32>} : memref<96xi32, #tpu.memory_space<vmem>>, vector<16xi32>,
            %add3A_207 = vector.broadcast %mul3A_21 : i32 to vector<16xi32>
            %add3A_208 = arith.addi %get3A_201, %add3A_207 : vector<16xi32>
            %mul3A_209 = arith.constant 16 : i32
            %mul3A_210 = arith.muli %add3A_190, %mul3A_209 : i32
            %swap3A_211 = arith.index_cast %mul3A_210 : i32 to index
            %swap3A_212 = tpu.vector_load %arg11[%swap3A_211] {strides = array<i32>} : memref<96xi32, #tpu.memory_space<vmem>>, vector<16xi32>,
            tpu.vector_store %arg11[%swap3A_211], %add3A_208 {strides = array<i32>} : memref<96xi32, #tpu.memory_space<vmem>>, vector<16xi32>,
          }
          %scan3A_179 = arith.constant 6 : i32
          %dma_start3A_180 = arith.constant 0 : i32
          %dma_start3A_181 = arith.constant 0 : i32
          %dma_start3A_182 = tpu.memref_slice %arg2[%dma_start3A_180, %dma_start3A_181] : memref<163840x144xf32, #tpu.memory_space<hbm>> -> memref<163840x144xf32, #tpu.memory_space<hbm>>
          tpu.enqueue_indirect_dma source(%dma_start3A_182 : memref<163840x144xf32, #tpu.memory_space<hbm>>) target(%arg15 : memref<96x144xf32, #tpu.memory_space<vmem>>) offsets(%arg9 : memref<96xi32, #tpu.memory_space<vmem>>) semaphore(%arg21 : memref<!tpu.dma_semaphore, #tpu.memory_space<semaphore_mem>>)
          %dma_start3A_183 = arith.constant 0 : i32
          %dma_start3A_184 = arith.constant 0 : i32
          %dma_start3A_185 = tpu.memref_slice %arg3[%dma_start3A_183, %dma_start3A_184] : memref<163840x16xf32, #tpu.memory_space<hbm>> -> memref<163840x16xf32, #tpu.memory_space<hbm>>
          tpu.enqueue_indirect_dma source(%dma_start3A_185 : memref<163840x16xf32, #tpu.memory_space<hbm>>) target(%arg17 : memref<96x16xf32, #tpu.memory_space<vmem>>) offsets(%arg11 : memref<96xi32, #tpu.memory_space<vmem>>) semaphore(%arg21 : memref<!tpu.dma_semaphore, #tpu.memory_space<semaphore_mem>>)
        } else {
        }
        %dma_wait3A_136 = arith.constant 0 : i32
        %dma_wait3A_137 = arith.constant 0 : i32
        %dma_wait3A_138 = tpu.memref_slice %arg2[%dma_wait3A_136, %dma_wait3A_137] : memref<163840x144xf32, #tpu.memory_space<hbm>> -> memref<163840x144xf32, #tpu.memory_space<hbm>>
        tpu.wait_indirect_dma semaphore(%arg22 : memref<!tpu.dma_semaphore, #tpu.memory_space<semaphore_mem>>) src(%dma_wait3A_138 : memref<163840x144xf32, #tpu.memory_space<hbm>>) dst(%arg16 : memref<96x144xf32, #tpu.memory_space<vmem>>)
        %dma_wait3A_139 = arith.constant 0 : i32
        %dma_wait3A_140 = arith.constant 0 : i32
        %dma_wait3A_141 = tpu.memref_slice %arg3[%dma_wait3A_139, %dma_wait3A_140] : memref<163840x16xf32, #tpu.memory_space<hbm>> -> memref<163840x16xf32, #tpu.memory_space<hbm>>
        tpu.wait_indirect_dma semaphore(%arg22 : memref<!tpu.dma_semaphore, #tpu.memory_space<semaphore_mem>>) src(%dma_wait3A_141 : memref<163840x16xf32, #tpu.memory_space<hbm>>) dst(%arg18 : memref<96x16xf32, #tpu.memory_space<vmem>>)
        %scan3A_142 = arith.constant 0 : i32
        %scan3A_143 = arith.constant 24 : i32
        %scan3A_144 = arith.addi %scan3A_142, %scan3A_143 : i32
        %scan3A_145 = arith.constant 1 : i32
        scf.for %scan3A_167 = %scan3A_142 to %scan3A_144 step %scan3A_145  : i32 {
          %mul3A_168 = arith.constant 1 : i32
          %mul3A_169 = arith.muli %scan3A_167, %mul3A_168 : i32
          %add3A_170 = arith.constant 0 : i32
          %add3A_171 = arith.addi %add3A_170, %mul3A_169 : i32
          %mul3A_172 = arith.constant 4 : i32
          %mul3A_173 = arith.muli %add3A_171, %mul3A_172 : i32
          %add3A_174 = vector.broadcast %mul3A_173 : i32 to vector<16xi32>
          %add3A_175 = arith.addi %add3A_174, %shift_right_arithmetic3A_1 : vector<16xi32>
          %add3A_176 = arith.constant 128 : i32
          %add3A_177 = vector.broadcast %add3A_176 : i32 to vector<16xi32>
          %add3A_178 = arith.addi %add3A_177, %and3A_3 : vector<16xi32>
          %gather3A = tpu.vector_load_idx %arg16[%add3A_175, %add3A_178] : memref<96x144xf32, #tpu.memory_space<vmem>>[vector<16xi32>, vector<16xi32>], vector<16xf32>,
          %gather3A_179 = tpu.vector_load_idx %arg18[%add3A_175, %add3A_5] : memref<96x16xf32, #tpu.memory_space<vmem>>[vector<16xi32>, vector<16xi32>], vector<16xf32>,
          %add3A_180 = arith.addf %gather3A, %gather3A_179 : vector<16xf32>
          %ge3A_181 = arith.cmpf oge, %add3A_180, %broadcast_in_dim3A_6 : vector<16xf32>
          %mul3A_182 = arith.mulf %broadcast_in_dim3A_8, %add3A_180 : vector<16xf32>
          %select_n3A = arith.select %ge3A_181, %add3A_180, %mul3A_182 : vector<16xi1>, vector<16xf32>
          %exp3A = math.exp %select_n3A : vector<16xf32>
          %mul3A_183 = arith.constant 16 : i32
          %mul3A_184 = arith.muli %add3A_171, %mul3A_183 : i32
          %swap3A = arith.index_cast %mul3A_184 : i32 to index
          %swap3A_185 = tpu.vector_load %arg19[%swap3A] {strides = array<i32>} : memref<384xf32, #tpu.memory_space<vmem>>, vector<16xf32>,
          tpu.vector_store %arg19[%swap3A], %exp3A {strides = array<i32>} : memref<384xf32, #tpu.memory_space<vmem>>, vector<16xf32>,
        }
        %scan3A_146 = arith.constant 24 : i32
        %scan3A_147 = arith.constant 0 : i32
        %scan3A_148 = arith.constant 24 : i32
        %scan3A_149 = arith.addi %scan3A_147, %scan3A_148 : i32
        %scan3A_150 = arith.constant 1 : i32
        scf.for %scan3A_167 = %scan3A_147 to %scan3A_149 step %scan3A_150  : i32 {
          %mul3A_168 = arith.constant 1 : i32
          %mul3A_169 = arith.muli %scan3A_167, %mul3A_168 : i32
          %add3A_170 = arith.constant 0 : i32
          %add3A_171 = arith.addi %add3A_170, %mul3A_169 : i32
          %mul3A_172 = arith.constant 16 : i32
          %mul3A_173 = arith.muli %add3A_171, %mul3A_172 : i32
          %get3A = arith.index_cast %mul3A_173 : i32 to index
          %get3A_174 = tpu.vector_load %arg19[%get3A] {strides = array<i32>} : memref<384xf32, #tpu.memory_space<vmem>>, vector<16xf32>,
          %mul3A_175 = arith.constant 4 : i32
          %mul3A_176 = arith.muli %add3A_171, %mul3A_175 : i32
          %add3A_177 = arith.constant 0 : i32
          %add3A_178 = arith.addi %mul3A_176, %add3A_177 : i32
          %slice3A = vector.extract_strided_slice %get3A_174 {offsets = [0], sizes = [1], strides = [1]} : vector<16xf32> to vector<1xf32>
          %squeeze3A = vector.extract %slice3A[0] : f32 from vector<1xf32>
          %get3A_179 = arith.index_cast %add3A_178 : i32 to index
          %get3A_180 = arith.constant 0 : index
          %get3A_181 = tpu.vector_load %arg16[%get3A_179, %get3A_180] {strides = array<i32>} : memref<96x144xf32, #tpu.memory_space<vmem>>, vector<16xf32>,
          %mul3A_182 = vector.broadcast %squeeze3A : f32 to vector<16xf32>
          %mul3A_183 = arith.mulf %get3A_181, %mul3A_182 : vector<16xf32>
          %swap3A = arith.index_cast %add3A_178 : i32 to index
          %swap3A_184 = arith.constant 0 : index
          %swap3A_185 = tpu.vector_load %arg16[%swap3A, %swap3A_184] {strides = array<i32>} : memref<96x144xf32, #tpu.memory_space<vmem>>, vector<16xf32>,
          tpu.vector_store %arg16[%swap3A, %swap3A_184], %mul3A_183 {strides = array<i32>} : memref<96x144xf32, #tpu.memory_space<vmem>>, vector<16xf32>,
          %get3A_186 = arith.index_cast %add3A_178 : i32 to index
          %get3A_187 = arith.constant 16 : index
          %get3A_188 = tpu.vector_load %arg16[%get3A_186, %get3A_187] {strides = array<i32>} : memref<96x144xf32, #tpu.memory_space<vmem>>, vector<16xf32>,
          %mul3A_189 = vector.broadcast %squeeze3A : f32 to vector<16xf32>
          %mul3A_190 = arith.mulf %get3A_188, %mul3A_189 : vector<16xf32>
          %swap3A_191 = arith.index_cast %add3A_178 : i32 to index
          %swap3A_192 = arith.constant 16 : index
          %swap3A_193 = tpu.vector_load %arg16[%swap3A_191, %swap3A_192] {strides = array<i32>} : memref<96x144xf32, #tpu.memory_space<vmem>>, vector<16xf32>,
          tpu.vector_store %arg16[%swap3A_191, %swap3A_192], %mul3A_190 {strides = array<i32>} : memref<96x144xf32, #tpu.memory_space<vmem>>, vector<16xf32>,
          %slice3A_194 = vector.extract_strided_slice %get3A_174 {offsets = [1], sizes = [1], strides = [1]} : vector<16xf32> to vector<1xf32>
          %squeeze3A_195 = vector.extract %slice3A_194[0] : f32 from vector<1xf32>
          %get3A_196 = arith.index_cast %add3A_178 : i32 to index
          %get3A_197 = arith.constant 32 : index
          %get3A_198 = tpu.vector_load %arg16[%get3A_196, %get3A_197] {strides = array<i32>} : memref<96x144xf32, #tpu.memory_space<vmem>>, vector<16xf32>,
          %mul3A_199 = vector.broadcast %squeeze3A_195 : f32 to vector<16xf32>
          %mul3A_200 = arith.mulf %get3A_198, %mul3A_199 : vector<16xf32>
          %swap3A_201 = arith.index_cast %add3A_178 : i32 to index
          %swap3A_202 = arith.constant 32 : index
          %swap3A_203 = tpu.vector_load %arg16[%swap3A_201, %swap3A_202] {strides = array<i32>} : memref<96x144xf32, #tpu.memory_space<vmem>>, vector<16xf32>,
          tpu.vector_store %arg16[%swap3A_201, %swap3A_202], %mul3A_200 {strides = array<i32>} : memref<96x144xf32, #tpu.memory_space<vmem>>, vector<16xf32>,
          %get3A_204 = arith.index_cast %add3A_178 : i32 to index
          %get3A_205 = arith.constant 48 : index
          %get3A_206 = tpu.vector_load %arg16[%get3A_204, %get3A_205] {strides = array<i32>} : memref<96x144xf32, #tpu.memory_space<vmem>>, vector<16xf32>,
          %mul3A_207 = vector.broadcast %squeeze3A_195 : f32 to vector<16xf32>
          %mul3A_208 = arith.mulf %get3A_206, %mul3A_207 : vector<16xf32>
          %swap3A_209 = arith.index_cast %add3A_178 : i32 to index
          %swap3A_210 = arith.constant 48 : index
          %swap3A_211 = tpu.vector_load %arg16[%swap3A_209, %swap3A_210] {strides = array<i32>} : memref<96x144xf32, #tpu.memory_space<vmem>>, vector<16xf32>,
          tpu.vector_store %arg16[%swap3A_209, %swap3A_210], %mul3A_208 {strides = array<i32>} : memref<96x144xf32, #tpu.memory_space<vmem>>, vector<16xf32>,
          %slice3A_212 = vector.extract_strided_slice %get3A_174 {offsets = [2], sizes = [1], strides = [1]} : vector<16xf32> to vector<1xf32>
          %squeeze3A_213 = vector.extract %slice3A_212[0] : f32 from vector<1xf32>
          %get3A_214 = arith.index_cast %add3A_178 : i32 to index
          %get3A_215 = arith.constant 64 : index
          %get3A_216 = tpu.vector_load %arg16[%get3A_214, %get3A_215] {strides = array<i32>} : memref<96x144xf32, #tpu.memory_space<vmem>>, vector<16xf32>,
          %mul3A_217 = vector.broadcast %squeeze3A_213 : f32 to vector<16xf32>
          %mul3A_218 = arith.mulf %get3A_216, %mul3A_217 : vector<16xf32>
          %swap3A_219 = arith.index_cast %add3A_178 : i32 to index
          %swap3A_220 = arith.constant 64 : index
          %swap3A_221 = tpu.vector_load %arg16[%swap3A_219, %swap3A_220] {strides = array<i32>} : memref<96x144xf32, #tpu.memory_space<vmem>>, vector<16xf32>,
          tpu.vector_store %arg16[%swap3A_219, %swap3A_220], %mul3A_218 {strides = array<i32>} : memref<96x144xf32, #tpu.memory_space<vmem>>, vector<16xf32>,
          %get3A_222 = arith.index_cast %add3A_178 : i32 to index
          %get3A_223 = arith.constant 80 : index
          %get3A_224 = tpu.vector_load %arg16[%get3A_222, %get3A_223] {strides = array<i32>} : memref<96x144xf32, #tpu.memory_space<vmem>>, vector<16xf32>,
          %mul3A_225 = vector.broadcast %squeeze3A_213 : f32 to vector<16xf32>
          %mul3A_226 = arith.mulf %get3A_224, %mul3A_225 : vector<16xf32>
          %swap3A_227 = arith.index_cast %add3A_178 : i32 to index
          %swap3A_228 = arith.constant 80 : index
          %swap3A_229 = tpu.vector_load %arg16[%swap3A_227, %swap3A_228] {strides = array<i32>} : memref<96x144xf32, #tpu.memory_space<vmem>>, vector<16xf32>,
          tpu.vector_store %arg16[%swap3A_227, %swap3A_228], %mul3A_226 {strides = array<i32>} : memref<96x144xf32, #tpu.memory_space<vmem>>, vector<16xf32>,
          %slice3A_230 = vector.extract_strided_slice %get3A_174 {offsets = [3], sizes = [1], strides = [1]} : vector<16xf32> to vector<1xf32>
          %squeeze3A_231 = vector.extract %slice3A_230[0] : f32 from vector<1xf32>
          %get3A_232 = arith.index_cast %add3A_178 : i32 to index
          %get3A_233 = arith.constant 96 : index
          %get3A_234 = tpu.vector_load %arg16[%get3A_232, %get3A_233] {strides = array<i32>} : memref<96x144xf32, #tpu.memory_space<vmem>>, vector<16xf32>,
          %mul3A_235 = vector.broadcast %squeeze3A_231 : f32 to vector<16xf32>
          %mul3A_236 = arith.mulf %get3A_234, %mul3A_235 : vector<16xf32>
          %swap3A_237 = arith.index_cast %add3A_178 : i32 to index
          %swap3A_238 = arith.constant 96 : index
          %swap3A_239 = tpu.vector_load %arg16[%swap3A_237, %swap3A_238] {strides = array<i32>} : memref<96x144xf32, #tpu.memory_space<vmem>>, vector<16xf32>,
          tpu.vector_store %arg16[%swap3A_237, %swap3A_238], %mul3A_236 {strides = array<i32>} : memref<96x144xf32, #tpu.memory_space<vmem>>, vector<16xf32>,
          %get3A_240 = arith.index_cast %add3A_178 : i32 to index
          %get3A_241 = arith.constant 112 : index
          %get3A_242 = tpu.vector_load %arg16[%get3A_240, %get3A_241] {strides = array<i32>} : memref<96x144xf32, #tpu.memory_space<vmem>>, vector<16xf32>,
          %mul3A_243 = vector.broadcast %squeeze3A_231 : f32 to vector<16xf32>
          %mul3A_244 = arith.mulf %get3A_242, %mul3A_243 : vector<16xf32>
          %swap3A_245 = arith.index_cast %add3A_178 : i32 to index
          %swap3A_246 = arith.constant 112 : index
          %swap3A_247 = tpu.vector_load %arg16[%swap3A_245, %swap3A_246] {strides = array<i32>} : memref<96x144xf32, #tpu.memory_space<vmem>>, vector<16xf32>,
          tpu.vector_store %arg16[%swap3A_245, %swap3A_246], %mul3A_244 {strides = array<i32>} : memref<96x144xf32, #tpu.memory_space<vmem>>, vector<16xf32>,
          %lt3A_248 = arith.constant 4 : i32
          %lt3A_249 = vector.broadcast %lt3A_248 : i32 to vector<16xi32>
          %lt3A_250 = arith.cmpi slt, %iota3A, %lt3A_249 : vector<16xi32>
          %mul3A_251 = arith.constant 16 : i32
          %mul3A_252 = arith.muli %add3A_171, %mul3A_251 : i32
          %add3A_253 = arith.constant 0 : i32
          %add3A_254 = arith.addi %mul3A_252, %add3A_253 : i32
          %jit3A = arith.constant 4 : i32
          %eq3A = arith.constant 0 : i32
          %eq3A_255 = arith.cmpi eq, %jit3A, %eq3A : i32
          %jit3A_256 = arith.constant 1 : i32
          %select_n3A = arith.select %eq3A_255, %jit3A_256, %jit3A : i32
          %rem3A = vector.broadcast %select_n3A : i32 to vector<16xi32>
          %rem3A_257 = arith.remsi %iota3A, %rem3A : vector<16xi32>
          %ne3A = arith.constant 0 : i32
          %ne3A_258 = vector.broadcast %ne3A : i32 to vector<16xi32>
          %ne3A_259 = arith.cmpi ne, %rem3A_257, %ne3A_258 : vector<16xi32>
          %lt3A_260 = arith.constant 0 : i32
          %lt3A_261 = vector.broadcast %lt3A_260 : i32 to vector<16xi32>
          %lt3A_262 = arith.cmpi slt, %rem3A_257, %lt3A_261 : vector<16xi32>
          %lt3A_263 = arith.constant 0 : i32
          %lt3A_264 = arith.cmpi slt, %select_n3A, %lt3A_263 : i32
          %ne3A_265 = vector.broadcast %lt3A_264 : i1 to vector<16xi1>
          %ne3A_266 = vector.broadcast %ne3A_265 : vector<16xi1> to vector<16xi1>
          %ne3A_267 = arith.xori %lt3A_262, %ne3A_266 : vector<16xi1>
          %and3A_268 = arith.andi %ne3A_267, %ne3A_259 : vector<16xi1>
          %add3A_269 = vector.broadcast %select_n3A : i32 to vector<16xi32>
          %add3A_270 = arith.addi %rem3A_257, %add3A_269 : vector<16xi32>
          %select_n3A_271 = arith.select %and3A_268, %add3A_270, %rem3A_257 : vector<16xi1>, vector<16xi32>
          %add3A_272 = vector.broadcast %add3A_254 : i32 to vector<16xi32>
          %add3A_273 = arith.addi %add3A_272, %select_n3A_271 : vector<16xi32>
          %gather3A = tpu.vector_load_idx %arg19[%add3A_273] : memref<384xf32, #tpu.memory_space<vmem>>[vector<16xi32>], vector<16xf32>,
          %jit3A_274 = arith.constant 0.000000e+00 : f32
          %broadcast_in_dim3A_275 = vector.broadcast %jit3A_274 : f32 to vector<16xf32>
          %select_n3A_276 = arith.select %lt3A_250, %gather3A, %broadcast_in_dim3A_275 : vector<16xi1>, vector<16xf32>
          %swap3A_277 = arith.index_cast %add3A_178 : i32 to index
          %swap3A_278 = arith.constant 128 : index
          %swap3A_279 = tpu.vector_load %arg16[%swap3A_277, %swap3A_278] {strides = array<i32>} : memref<96x144xf32, #tpu.memory_space<vmem>>, vector<16xf32>,
          tpu.vector_store %arg16[%swap3A_277, %swap3A_278], %select_n3A_276 {strides = array<i32>} : memref<96x144xf32, #tpu.memory_space<vmem>>, vector<16xf32>,
          %mul3A_280 = arith.constant 4 : i32
          %mul3A_281 = arith.muli %add3A_171, %mul3A_280 : i32
          %add3A_282 = arith.constant 1 : i32
          %add3A_283 = arith.addi %mul3A_281, %add3A_282 : i32
          %slice3A_284 = vector.extract_strided_slice %get3A_174 {offsets = [4], sizes = [1], strides = [1]} : vector<16xf32> to vector<1xf32>
          %squeeze3A_285 = vector.extract %slice3A_284[0] : f32 from vector<1xf32>
          %get3A_286 = arith.index_cast %add3A_283 : i32 to index
          %get3A_287 = arith.constant 0 : index
          %get3A_288 = tpu.vector_load %arg16[%get3A_286, %get3A_287] {strides = array<i32>} : memref<96x144xf32, #tpu.memory_space<vmem>>, vector<16xf32>,
          %mul3A_289 = vector.broadcast %squeeze3A_285 : f32 to vector<16xf32>
          %mul3A_290 = arith.mulf %get3A_288, %mul3A_289 : vector<16xf32>
          %swap3A_291 = arith.index_cast %add3A_283 : i32 to index
          %swap3A_292 = arith.constant 0 : index
          %swap3A_293 = tpu.vector_load %arg16[%swap3A_291, %swap3A_292] {strides = array<i32>} : memref<96x144xf32, #tpu.memory_space<vmem>>, vector<16xf32>,
          tpu.vector_store %arg16[%swap3A_291, %swap3A_292], %mul3A_290 {strides = array<i32>} : memref<96x144xf32, #tpu.memory_space<vmem>>, vector<16xf32>,
          %get3A_294 = arith.index_cast %add3A_283 : i32 to index
          %get3A_295 = arith.constant 16 : index
          %get3A_296 = tpu.vector_load %arg16[%get3A_294, %get3A_295] {strides = array<i32>} : memref<96x144xf32, #tpu.memory_space<vmem>>, vector<16xf32>,
          %mul3A_297 = vector.broadcast %squeeze3A_285 : f32 to vector<16xf32>
          %mul3A_298 = arith.mulf %get3A_296, %mul3A_297 : vector<16xf32>
          %swap3A_299 = arith.index_cast %add3A_283 : i32 to index
          %swap3A_300 = arith.constant 16 : index
          %swap3A_301 = tpu.vector_load %arg16[%swap3A_299, %swap3A_300] {strides = array<i32>} : memref<96x144xf32, #tpu.memory_space<vmem>>, vector<16xf32>,
          tpu.vector_store %arg16[%swap3A_299, %swap3A_300], %mul3A_298 {strides = array<i32>} : memref<96x144xf32, #tpu.memory_space<vmem>>, vector<16xf32>,
          %slice3A_302 = vector.extract_strided_slice %get3A_174 {offsets = [5], sizes = [1], strides = [1]} : vector<16xf32> to vector<1xf32>
          %squeeze3A_303 = vector.extract %slice3A_302[0] : f32 from vector<1xf32>
          %get3A_304 = arith.index_cast %add3A_283 : i32 to index
          %get3A_305 = arith.constant 32 : index
          %get3A_306 = tpu.vector_load %arg16[%get3A_304, %get3A_305] {strides = array<i32>} : memref<96x144xf32, #tpu.memory_space<vmem>>, vector<16xf32>,
          %mul3A_307 = vector.broadcast %squeeze3A_303 : f32 to vector<16xf32>
          %mul3A_308 = arith.mulf %get3A_306, %mul3A_307 : vector<16xf32>
          %swap3A_309 = arith.index_cast %add3A_283 : i32 to index
          %swap3A_310 = arith.constant 32 : index
          %swap3A_311 = tpu.vector_load %arg16[%swap3A_309, %swap3A_310] {strides = array<i32>} : memref<96x144xf32, #tpu.memory_space<vmem>>, vector<16xf32>,
          tpu.vector_store %arg16[%swap3A_309, %swap3A_310], %mul3A_308 {strides = array<i32>} : memref<96x144xf32, #tpu.memory_space<vmem>>, vector<16xf32>,
          %get3A_312 = arith.index_cast %add3A_283 : i32 to index
          %get3A_313 = arith.constant 48 : index
          %get3A_314 = tpu.vector_load %arg16[%get3A_312, %get3A_313] {strides = array<i32>} : memref<96x144xf32, #tpu.memory_space<vmem>>, vector<16xf32>,
          %mul3A_315 = vector.broadcast %squeeze3A_303 : f32 to vector<16xf32>
          %mul3A_316 = arith.mulf %get3A_314, %mul3A_315 : vector<16xf32>
          %swap3A_317 = arith.index_cast %add3A_283 : i32 to index
          %swap3A_318 = arith.constant 48 : index
          %swap3A_319 = tpu.vector_load %arg16[%swap3A_317, %swap3A_318] {strides = array<i32>} : memref<96x144xf32, #tpu.memory_space<vmem>>, vector<16xf32>,
          tpu.vector_store %arg16[%swap3A_317, %swap3A_318], %mul3A_316 {strides = array<i32>} : memref<96x144xf32, #tpu.memory_space<vmem>>, vector<16xf32>,
          %slice3A_320 = vector.extract_strided_slice %get3A_174 {offsets = [6], sizes = [1], strides = [1]} : vector<16xf32> to vector<1xf32>
          %squeeze3A_321 = vector.extract %slice3A_320[0] : f32 from vector<1xf32>
          %get3A_322 = arith.index_cast %add3A_283 : i32 to index
          %get3A_323 = arith.constant 64 : index
          %get3A_324 = tpu.vector_load %arg16[%get3A_322, %get3A_323] {strides = array<i32>} : memref<96x144xf32, #tpu.memory_space<vmem>>, vector<16xf32>,
          %mul3A_325 = vector.broadcast %squeeze3A_321 : f32 to vector<16xf32>
          %mul3A_326 = arith.mulf %get3A_324, %mul3A_325 : vector<16xf32>
          %swap3A_327 = arith.index_cast %add3A_283 : i32 to index
          %swap3A_328 = arith.constant 64 : index
          %swap3A_329 = tpu.vector_load %arg16[%swap3A_327, %swap3A_328] {strides = array<i32>} : memref<96x144xf32, #tpu.memory_space<vmem>>, vector<16xf32>,
          tpu.vector_store %arg16[%swap3A_327, %swap3A_328], %mul3A_326 {strides = array<i32>} : memref<96x144xf32, #tpu.memory_space<vmem>>, vector<16xf32>,
          %get3A_330 = arith.index_cast %add3A_283 : i32 to index
          %get3A_331 = arith.constant 80 : index
          %get3A_332 = tpu.vector_load %arg16[%get3A_330, %get3A_331] {strides = array<i32>} : memref<96x144xf32, #tpu.memory_space<vmem>>, vector<16xf32>,
          %mul3A_333 = vector.broadcast %squeeze3A_321 : f32 to vector<16xf32>
          %mul3A_334 = arith.mulf %get3A_332, %mul3A_333 : vector<16xf32>
          %swap3A_335 = arith.index_cast %add3A_283 : i32 to index
          %swap3A_336 = arith.constant 80 : index
          %swap3A_337 = tpu.vector_load %arg16[%swap3A_335, %swap3A_336] {strides = array<i32>} : memref<96x144xf32, #tpu.memory_space<vmem>>, vector<16xf32>,
          tpu.vector_store %arg16[%swap3A_335, %swap3A_336], %mul3A_334 {strides = array<i32>} : memref<96x144xf32, #tpu.memory_space<vmem>>, vector<16xf32>,
          %slice3A_338 = vector.extract_strided_slice %get3A_174 {offsets = [7], sizes = [1], strides = [1]} : vector<16xf32> to vector<1xf32>
          %squeeze3A_339 = vector.extract %slice3A_338[0] : f32 from vector<1xf32>
          %get3A_340 = arith.index_cast %add3A_283 : i32 to index
          %get3A_341 = arith.constant 96 : index
          %get3A_342 = tpu.vector_load %arg16[%get3A_340, %get3A_341] {strides = array<i32>} : memref<96x144xf32, #tpu.memory_space<vmem>>, vector<16xf32>,
          %mul3A_343 = vector.broadcast %squeeze3A_339 : f32 to vector<16xf32>
          %mul3A_344 = arith.mulf %get3A_342, %mul3A_343 : vector<16xf32>
          %swap3A_345 = arith.index_cast %add3A_283 : i32 to index
          %swap3A_346 = arith.constant 96 : index
          %swap3A_347 = tpu.vector_load %arg16[%swap3A_345, %swap3A_346] {strides = array<i32>} : memref<96x144xf32, #tpu.memory_space<vmem>>, vector<16xf32>,
          tpu.vector_store %arg16[%swap3A_345, %swap3A_346], %mul3A_344 {strides = array<i32>} : memref<96x144xf32, #tpu.memory_space<vmem>>, vector<16xf32>,
          %get3A_348 = arith.index_cast %add3A_283 : i32 to index
          %get3A_349 = arith.constant 112 : index
          %get3A_350 = tpu.vector_load %arg16[%get3A_348, %get3A_349] {strides = array<i32>} : memref<96x144xf32, #tpu.memory_space<vmem>>, vector<16xf32>,
          %mul3A_351 = vector.broadcast %squeeze3A_339 : f32 to vector<16xf32>
          %mul3A_352 = arith.mulf %get3A_350, %mul3A_351 : vector<16xf32>
          %swap3A_353 = arith.index_cast %add3A_283 : i32 to index
          %swap3A_354 = arith.constant 112 : index
          %swap3A_355 = tpu.vector_load %arg16[%swap3A_353, %swap3A_354] {strides = array<i32>} : memref<96x144xf32, #tpu.memory_space<vmem>>, vector<16xf32>,
          tpu.vector_store %arg16[%swap3A_353, %swap3A_354], %mul3A_352 {strides = array<i32>} : memref<96x144xf32, #tpu.memory_space<vmem>>, vector<16xf32>,
          %lt3A_356 = arith.constant 4 : i32
          %lt3A_357 = vector.broadcast %lt3A_356 : i32 to vector<16xi32>
          %lt3A_358 = arith.cmpi slt, %iota3A, %lt3A_357 : vector<16xi32>
          %mul3A_359 = arith.constant 16 : i32
          %mul3A_360 = arith.muli %add3A_171, %mul3A_359 : i32
          %add3A_361 = arith.constant 4 : i32
          %add3A_362 = arith.addi %mul3A_360, %add3A_361 : i32
          %jit3A_363 = arith.constant 4 : i32
          %eq3A_364 = arith.constant 0 : i32
          %eq3A_365 = arith.cmpi eq, %jit3A_363, %eq3A_364 : i32
          %jit3A_366 = arith.constant 1 : i32
          %select_n3A_367 = arith.select %eq3A_365, %jit3A_366, %jit3A_363 : i32
          %rem3A_368 = vector.broadcast %select_n3A_367 : i32 to vector<16xi32>
          %rem3A_369 = arith.remsi %iota3A, %rem3A_368 : vector<16xi32>
          %ne3A_370 = arith.constant 0 : i32
          %ne3A_371 = vector.broadcast %ne3A_370 : i32 to vector<16xi32>
          %ne3A_372 = arith.cmpi ne, %rem3A_369, %ne3A_371 : vector<16xi32>
          %lt3A_373 = arith.constant 0 : i32
          %lt3A_374 = vector.broadcast %lt3A_373 : i32 to vector<16xi32>
          %lt3A_375 = arith.cmpi slt, %rem3A_369, %lt3A_374 : vector<16xi32>
          %lt3A_376 = arith.constant 0 : i32
          %lt3A_377 = arith.cmpi slt, %select_n3A_367, %lt3A_376 : i32
          %ne3A_378 = vector.broadcast %lt3A_377 : i1 to vector<16xi1>
          %ne3A_379 = vector.broadcast %ne3A_378 : vector<16xi1> to vector<16xi1>
          %ne3A_380 = arith.xori %lt3A_375, %ne3A_379 : vector<16xi1>
          %and3A_381 = arith.andi %ne3A_380, %ne3A_372 : vector<16xi1>
          %add3A_382 = vector.broadcast %select_n3A_367 : i32 to vector<16xi32>
          %add3A_383 = arith.addi %rem3A_369, %add3A_382 : vector<16xi32>
          %select_n3A_384 = arith.select %and3A_381, %add3A_383, %rem3A_369 : vector<16xi1>, vector<16xi32>
          %add3A_385 = vector.broadcast %add3A_362 : i32 to vector<16xi32>
          %add3A_386 = arith.addi %add3A_385, %select_n3A_384 : vector<16xi32>
          %gather3A_387 = tpu.vector_load_idx %arg19[%add3A_386] : memref<384xf32, #tpu.memory_space<vmem>>[vector<16xi32>], vector<16xf32>,
          %jit3A_388 = arith.constant 0.000000e+00 : f32
          %broadcast_in_dim3A_389 = vector.broadcast %jit3A_388 : f32 to vector<16xf32>
          %select_n3A_390 = arith.select %lt3A_358, %gather3A_387, %broadcast_in_dim3A_389 : vector<16xi1>, vector<16xf32>
          %swap3A_391 = arith.index_cast %add3A_283 : i32 to index
          %swap3A_392 = arith.constant 128 : index
          %swap3A_393 = tpu.vector_load %arg16[%swap3A_391, %swap3A_392] {strides = array<i32>} : memref<96x144xf32, #tpu.memory_space<vmem>>, vector<16xf32>,
          tpu.vector_store %arg16[%swap3A_391, %swap3A_392], %select_n3A_390 {strides = array<i32>} : memref<96x144xf32, #tpu.memory_space<vmem>>, vector<16xf32>,
          %mul3A_394 = arith.constant 4 : i32
          %mul3A_395 = arith.muli %add3A_171, %mul3A_394 : i32
          %add3A_396 = arith.constant 2 : i32
          %add3A_397 = arith.addi %mul3A_395, %add3A_396 : i32
          %slice3A_398 = vector.extract_strided_slice %get3A_174 {offsets = [8], sizes = [1], strides = [1]} : vector<16xf32> to vector<1xf32>
          %squeeze3A_399 = vector.extract %slice3A_398[0] : f32 from vector<1xf32>
          %get3A_400 = arith.index_cast %add3A_397 : i32 to index
          %get3A_401 = arith.constant 0 : index
          %get3A_402 = tpu.vector_load %arg16[%get3A_400, %get3A_401] {strides = array<i32>} : memref<96x144xf32, #tpu.memory_space<vmem>>, vector<16xf32>,
          %mul3A_403 = vector.broadcast %squeeze3A_399 : f32 to vector<16xf32>
          %mul3A_404 = arith.mulf %get3A_402, %mul3A_403 : vector<16xf32>
          %swap3A_405 = arith.index_cast %add3A_397 : i32 to index
          %swap3A_406 = arith.constant 0 : index
          %swap3A_407 = tpu.vector_load %arg16[%swap3A_405, %swap3A_406] {strides = array<i32>} : memref<96x144xf32, #tpu.memory_space<vmem>>, vector<16xf32>,
          tpu.vector_store %arg16[%swap3A_405, %swap3A_406], %mul3A_404 {strides = array<i32>} : memref<96x144xf32, #tpu.memory_space<vmem>>, vector<16xf32>,
          %get3A_408 = arith.index_cast %add3A_397 : i32 to index
          %get3A_409 = arith.constant 16 : index
          %get3A_410 = tpu.vector_load %arg16[%get3A_408, %get3A_409] {strides = array<i32>} : memref<96x144xf32, #tpu.memory_space<vmem>>, vector<16xf32>,
          %mul3A_411 = vector.broadcast %squeeze3A_399 : f32 to vector<16xf32>
          %mul3A_412 = arith.mulf %get3A_410, %mul3A_411 : vector<16xf32>
          %swap3A_413 = arith.index_cast %add3A_397 : i32 to index
          %swap3A_414 = arith.constant 16 : index
          %swap3A_415 = tpu.vector_load %arg16[%swap3A_413, %swap3A_414] {strides = array<i32>} : memref<96x144xf32, #tpu.memory_space<vmem>>, vector<16xf32>,
          tpu.vector_store %arg16[%swap3A_413, %swap3A_414], %mul3A_412 {strides = array<i32>} : memref<96x144xf32, #tpu.memory_space<vmem>>, vector<16xf32>,
          %slice3A_416 = vector.extract_strided_slice %get3A_174 {offsets = [9], sizes = [1], strides = [1]} : vector<16xf32> to vector<1xf32>
          %squeeze3A_417 = vector.extract %slice3A_416[0] : f32 from vector<1xf32>
          %get3A_418 = arith.index_cast %add3A_397 : i32 to index
          %get3A_419 = arith.constant 32 : index
          %get3A_420 = tpu.vector_load %arg16[%get3A_418, %get3A_419] {strides = array<i32>} : memref<96x144xf32, #tpu.memory_space<vmem>>, vector<16xf32>,
          %mul3A_421 = vector.broadcast %squeeze3A_417 : f32 to vector<16xf32>
          %mul3A_422 = arith.mulf %get3A_420, %mul3A_421 : vector<16xf32>
          %swap3A_423 = arith.index_cast %add3A_397 : i32 to index
          %swap3A_424 = arith.constant 32 : index
          %swap3A_425 = tpu.vector_load %arg16[%swap3A_423, %swap3A_424] {strides = array<i32>} : memref<96x144xf32, #tpu.memory_space<vmem>>, vector<16xf32>,
          tpu.vector_store %arg16[%swap3A_423, %swap3A_424], %mul3A_422 {strides = array<i32>} : memref<96x144xf32, #tpu.memory_space<vmem>>, vector<16xf32>,
          %get3A_426 = arith.index_cast %add3A_397 : i32 to index
          %get3A_427 = arith.constant 48 : index
          %get3A_428 = tpu.vector_load %arg16[%get3A_426, %get3A_427] {strides = array<i32>} : memref<96x144xf32, #tpu.memory_space<vmem>>, vector<16xf32>,
          %mul3A_429 = vector.broadcast %squeeze3A_417 : f32 to vector<16xf32>
          %mul3A_430 = arith.mulf %get3A_428, %mul3A_429 : vector<16xf32>
          %swap3A_431 = arith.index_cast %add3A_397 : i32 to index
          %swap3A_432 = arith.constant 48 : index
          %swap3A_433 = tpu.vector_load %arg16[%swap3A_431, %swap3A_432] {strides = array<i32>} : memref<96x144xf32, #tpu.memory_space<vmem>>, vector<16xf32>,
          tpu.vector_store %arg16[%swap3A_431, %swap3A_432], %mul3A_430 {strides = array<i32>} : memref<96x144xf32, #tpu.memory_space<vmem>>, vector<16xf32>,
          %slice3A_434 = vector.extract_strided_slice %get3A_174 {offsets = [10], sizes = [1], strides = [1]} : vector<16xf32> to vector<1xf32>
          %squeeze3A_435 = vector.extract %slice3A_434[0] : f32 from vector<1xf32>
          %get3A_436 = arith.index_cast %add3A_397 : i32 to index
          %get3A_437 = arith.constant 64 : index
          %get3A_438 = tpu.vector_load %arg16[%get3A_436, %get3A_437] {strides = array<i32>} : memref<96x144xf32, #tpu.memory_space<vmem>>, vector<16xf32>,
          %mul3A_439 = vector.broadcast %squeeze3A_435 : f32 to vector<16xf32>
          %mul3A_440 = arith.mulf %get3A_438, %mul3A_439 : vector<16xf32>
          %swap3A_441 = arith.index_cast %add3A_397 : i32 to index
          %swap3A_442 = arith.constant 64 : index
          %swap3A_443 = tpu.vector_load %arg16[%swap3A_441, %swap3A_442] {strides = array<i32>} : memref<96x144xf32, #tpu.memory_space<vmem>>, vector<16xf32>,
          tpu.vector_store %arg16[%swap3A_441, %swap3A_442], %mul3A_440 {strides = array<i32>} : memref<96x144xf32, #tpu.memory_space<vmem>>, vector<16xf32>,
          %get3A_444 = arith.index_cast %add3A_397 : i32 to index
          %get3A_445 = arith.constant 80 : index
          %get3A_446 = tpu.vector_load %arg16[%get3A_444, %get3A_445] {strides = array<i32>} : memref<96x144xf32, #tpu.memory_space<vmem>>, vector<16xf32>,
          %mul3A_447 = vector.broadcast %squeeze3A_435 : f32 to vector<16xf32>
          %mul3A_448 = arith.mulf %get3A_446, %mul3A_447 : vector<16xf32>
          %swap3A_449 = arith.index_cast %add3A_397 : i32 to index
          %swap3A_450 = arith.constant 80 : index
          %swap3A_451 = tpu.vector_load %arg16[%swap3A_449, %swap3A_450] {strides = array<i32>} : memref<96x144xf32, #tpu.memory_space<vmem>>, vector<16xf32>,
          tpu.vector_store %arg16[%swap3A_449, %swap3A_450], %mul3A_448 {strides = array<i32>} : memref<96x144xf32, #tpu.memory_space<vmem>>, vector<16xf32>,
          %slice3A_452 = vector.extract_strided_slice %get3A_174 {offsets = [11], sizes = [1], strides = [1]} : vector<16xf32> to vector<1xf32>
          %squeeze3A_453 = vector.extract %slice3A_452[0] : f32 from vector<1xf32>
          %get3A_454 = arith.index_cast %add3A_397 : i32 to index
          %get3A_455 = arith.constant 96 : index
          %get3A_456 = tpu.vector_load %arg16[%get3A_454, %get3A_455] {strides = array<i32>} : memref<96x144xf32, #tpu.memory_space<vmem>>, vector<16xf32>,
          %mul3A_457 = vector.broadcast %squeeze3A_453 : f32 to vector<16xf32>
          %mul3A_458 = arith.mulf %get3A_456, %mul3A_457 : vector<16xf32>
          %swap3A_459 = arith.index_cast %add3A_397 : i32 to index
          %swap3A_460 = arith.constant 96 : index
          %swap3A_461 = tpu.vector_load %arg16[%swap3A_459, %swap3A_460] {strides = array<i32>} : memref<96x144xf32, #tpu.memory_space<vmem>>, vector<16xf32>,
          tpu.vector_store %arg16[%swap3A_459, %swap3A_460], %mul3A_458 {strides = array<i32>} : memref<96x144xf32, #tpu.memory_space<vmem>>, vector<16xf32>,
          %get3A_462 = arith.index_cast %add3A_397 : i32 to index
          %get3A_463 = arith.constant 112 : index
          %get3A_464 = tpu.vector_load %arg16[%get3A_462, %get3A_463] {strides = array<i32>} : memref<96x144xf32, #tpu.memory_space<vmem>>, vector<16xf32>,
          %mul3A_465 = vector.broadcast %squeeze3A_453 : f32 to vector<16xf32>
          %mul3A_466 = arith.mulf %get3A_464, %mul3A_465 : vector<16xf32>
          %swap3A_467 = arith.index_cast %add3A_397 : i32 to index
          %swap3A_468 = arith.constant 112 : index
          %swap3A_469 = tpu.vector_load %arg16[%swap3A_467, %swap3A_468] {strides = array<i32>} : memref<96x144xf32, #tpu.memory_space<vmem>>, vector<16xf32>,
          tpu.vector_store %arg16[%swap3A_467, %swap3A_468], %mul3A_466 {strides = array<i32>} : memref<96x144xf32, #tpu.memory_space<vmem>>, vector<16xf32>,
          %lt3A_470 = arith.constant 4 : i32
          %lt3A_471 = vector.broadcast %lt3A_470 : i32 to vector<16xi32>
          %lt3A_472 = arith.cmpi slt, %iota3A, %lt3A_471 : vector<16xi32>
          %mul3A_473 = arith.constant 16 : i32
          %mul3A_474 = arith.muli %add3A_171, %mul3A_473 : i32
          %add3A_475 = arith.constant 8 : i32
          %add3A_476 = arith.addi %mul3A_474, %add3A_475 : i32
          %jit3A_477 = arith.constant 4 : i32
          %eq3A_478 = arith.constant 0 : i32
          %eq3A_479 = arith.cmpi eq, %jit3A_477, %eq3A_478 : i32
          %jit3A_480 = arith.constant 1 : i32
          %select_n3A_481 = arith.select %eq3A_479, %jit3A_480, %jit3A_477 : i32
          %rem3A_482 = vector.broadcast %select_n3A_481 : i32 to vector<16xi32>
          %rem3A_483 = arith.remsi %iota3A, %rem3A_482 : vector<16xi32>
          %ne3A_484 = arith.constant 0 : i32
          %ne3A_485 = vector.broadcast %ne3A_484 : i32 to vector<16xi32>
          %ne3A_486 = arith.cmpi ne, %rem3A_483, %ne3A_485 : vector<16xi32>
          %lt3A_487 = arith.constant 0 : i32
          %lt3A_488 = vector.broadcast %lt3A_487 : i32 to vector<16xi32>
          %lt3A_489 = arith.cmpi slt, %rem3A_483, %lt3A_488 : vector<16xi32>
          %lt3A_490 = arith.constant 0 : i32
          %lt3A_491 = arith.cmpi slt, %select_n3A_481, %lt3A_490 : i32
          %ne3A_492 = vector.broadcast %lt3A_491 : i1 to vector<16xi1>
          %ne3A_493 = vector.broadcast %ne3A_492 : vector<16xi1> to vector<16xi1>
          %ne3A_494 = arith.xori %lt3A_489, %ne3A_493 : vector<16xi1>
          %and3A_495 = arith.andi %ne3A_494, %ne3A_486 : vector<16xi1>
          %add3A_496 = vector.broadcast %select_n3A_481 : i32 to vector<16xi32>
          %add3A_497 = arith.addi %rem3A_483, %add3A_496 : vector<16xi32>
          %select_n3A_498 = arith.select %and3A_495, %add3A_497, %rem3A_483 : vector<16xi1>, vector<16xi32>
          %add3A_499 = vector.broadcast %add3A_476 : i32 to vector<16xi32>
          %add3A_500 = arith.addi %add3A_499, %select_n3A_498 : vector<16xi32>
          %gather3A_501 = tpu.vector_load_idx %arg19[%add3A_500] : memref<384xf32, #tpu.memory_space<vmem>>[vector<16xi32>], vector<16xf32>,
          %jit3A_502 = arith.constant 0.000000e+00 : f32
          %broadcast_in_dim3A_503 = vector.broadcast %jit3A_502 : f32 to vector<16xf32>
          %select_n3A_504 = arith.select %lt3A_472, %gather3A_501, %broadcast_in_dim3A_503 : vector<16xi1>, vector<16xf32>
          %swap3A_505 = arith.index_cast %add3A_397 : i32 to index
          %swap3A_506 = arith.constant 128 : index
          %swap3A_507 = tpu.vector_load %arg16[%swap3A_505, %swap3A_506] {strides = array<i32>} : memref<96x144xf32, #tpu.memory_space<vmem>>, vector<16xf32>,
          tpu.vector_store %arg16[%swap3A_505, %swap3A_506], %select_n3A_504 {strides = array<i32>} : memref<96x144xf32, #tpu.memory_space<vmem>>, vector<16xf32>,
          %mul3A_508 = arith.constant 4 : i32
          %mul3A_509 = arith.muli %add3A_171, %mul3A_508 : i32
          %add3A_510 = arith.constant 3 : i32
          %add3A_511 = arith.addi %mul3A_509, %add3A_510 : i32
          %slice3A_512 = vector.extract_strided_slice %get3A_174 {offsets = [12], sizes = [1], strides = [1]} : vector<16xf32> to vector<1xf32>
          %squeeze3A_513 = vector.extract %slice3A_512[0] : f32 from vector<1xf32>
          %get3A_514 = arith.index_cast %add3A_511 : i32 to index
          %get3A_515 = arith.constant 0 : index
          %get3A_516 = tpu.vector_load %arg16[%get3A_514, %get3A_515] {strides = array<i32>} : memref<96x144xf32, #tpu.memory_space<vmem>>, vector<16xf32>,
          %mul3A_517 = vector.broadcast %squeeze3A_513 : f32 to vector<16xf32>
          %mul3A_518 = arith.mulf %get3A_516, %mul3A_517 : vector<16xf32>
          %swap3A_519 = arith.index_cast %add3A_511 : i32 to index
          %swap3A_520 = arith.constant 0 : index
          %swap3A_521 = tpu.vector_load %arg16[%swap3A_519, %swap3A_520] {strides = array<i32>} : memref<96x144xf32, #tpu.memory_space<vmem>>, vector<16xf32>,
          tpu.vector_store %arg16[%swap3A_519, %swap3A_520], %mul3A_518 {strides = array<i32>} : memref<96x144xf32, #tpu.memory_space<vmem>>, vector<16xf32>,
          %get3A_522 = arith.index_cast %add3A_511 : i32 to index
          %get3A_523 = arith.constant 16 : index
          %get3A_524 = tpu.vector_load %arg16[%get3A_522, %get3A_523] {strides = array<i32>} : memref<96x144xf32, #tpu.memory_space<vmem>>, vector<16xf32>,
          %mul3A_525 = vector.broadcast %squeeze3A_513 : f32 to vector<16xf32>
          %mul3A_526 = arith.mulf %get3A_524, %mul3A_525 : vector<16xf32>
          %swap3A_527 = arith.index_cast %add3A_511 : i32 to index
          %swap3A_528 = arith.constant 16 : index
          %swap3A_529 = tpu.vector_load %arg16[%swap3A_527, %swap3A_528] {strides = array<i32>} : memref<96x144xf32, #tpu.memory_space<vmem>>, vector<16xf32>,
          tpu.vector_store %arg16[%swap3A_527, %swap3A_528], %mul3A_526 {strides = array<i32>} : memref<96x144xf32, #tpu.memory_space<vmem>>, vector<16xf32>,
          %slice3A_530 = vector.extract_strided_slice %get3A_174 {offsets = [13], sizes = [1], strides = [1]} : vector<16xf32> to vector<1xf32>
          %squeeze3A_531 = vector.extract %slice3A_530[0] : f32 from vector<1xf32>
          %get3A_532 = arith.index_cast %add3A_511 : i32 to index
          %get3A_533 = arith.constant 32 : index
          %get3A_534 = tpu.vector_load %arg16[%get3A_532, %get3A_533] {strides = array<i32>} : memref<96x144xf32, #tpu.memory_space<vmem>>, vector<16xf32>,
          %mul3A_535 = vector.broadcast %squeeze3A_531 : f32 to vector<16xf32>
          %mul3A_536 = arith.mulf %get3A_534, %mul3A_535 : vector<16xf32>
          %swap3A_537 = arith.index_cast %add3A_511 : i32 to index
          %swap3A_538 = arith.constant 32 : index
          %swap3A_539 = tpu.vector_load %arg16[%swap3A_537, %swap3A_538] {strides = array<i32>} : memref<96x144xf32, #tpu.memory_space<vmem>>, vector<16xf32>,
          tpu.vector_store %arg16[%swap3A_537, %swap3A_538], %mul3A_536 {strides = array<i32>} : memref<96x144xf32, #tpu.memory_space<vmem>>, vector<16xf32>,
          %get3A_540 = arith.index_cast %add3A_511 : i32 to index
          %get3A_541 = arith.constant 48 : index
          %get3A_542 = tpu.vector_load %arg16[%get3A_540, %get3A_541] {strides = array<i32>} : memref<96x144xf32, #tpu.memory_space<vmem>>, vector<16xf32>,
          %mul3A_543 = vector.broadcast %squeeze3A_531 : f32 to vector<16xf32>
          %mul3A_544 = arith.mulf %get3A_542, %mul3A_543 : vector<16xf32>
          %swap3A_545 = arith.index_cast %add3A_511 : i32 to index
          %swap3A_546 = arith.constant 48 : index
          %swap3A_547 = tpu.vector_load %arg16[%swap3A_545, %swap3A_546] {strides = array<i32>} : memref<96x144xf32, #tpu.memory_space<vmem>>, vector<16xf32>,
          tpu.vector_store %arg16[%swap3A_545, %swap3A_546], %mul3A_544 {strides = array<i32>} : memref<96x144xf32, #tpu.memory_space<vmem>>, vector<16xf32>,
          %slice3A_548 = vector.extract_strided_slice %get3A_174 {offsets = [14], sizes = [1], strides = [1]} : vector<16xf32> to vector<1xf32>
          %squeeze3A_549 = vector.extract %slice3A_548[0] : f32 from vector<1xf32>
          %get3A_550 = arith.index_cast %add3A_511 : i32 to index
          %get3A_551 = arith.constant 64 : index
          %get3A_552 = tpu.vector_load %arg16[%get3A_550, %get3A_551] {strides = array<i32>} : memref<96x144xf32, #tpu.memory_space<vmem>>, vector<16xf32>,
          %mul3A_553 = vector.broadcast %squeeze3A_549 : f32 to vector<16xf32>
          %mul3A_554 = arith.mulf %get3A_552, %mul3A_553 : vector<16xf32>
          %swap3A_555 = arith.index_cast %add3A_511 : i32 to index
          %swap3A_556 = arith.constant 64 : index
          %swap3A_557 = tpu.vector_load %arg16[%swap3A_555, %swap3A_556] {strides = array<i32>} : memref<96x144xf32, #tpu.memory_space<vmem>>, vector<16xf32>,
          tpu.vector_store %arg16[%swap3A_555, %swap3A_556], %mul3A_554 {strides = array<i32>} : memref<96x144xf32, #tpu.memory_space<vmem>>, vector<16xf32>,
          %get3A_558 = arith.index_cast %add3A_511 : i32 to index
          %get3A_559 = arith.constant 80 : index
          %get3A_560 = tpu.vector_load %arg16[%get3A_558, %get3A_559] {strides = array<i32>} : memref<96x144xf32, #tpu.memory_space<vmem>>, vector<16xf32>,
          %mul3A_561 = vector.broadcast %squeeze3A_549 : f32 to vector<16xf32>
          %mul3A_562 = arith.mulf %get3A_560, %mul3A_561 : vector<16xf32>
          %swap3A_563 = arith.index_cast %add3A_511 : i32 to index
          %swap3A_564 = arith.constant 80 : index
          %swap3A_565 = tpu.vector_load %arg16[%swap3A_563, %swap3A_564] {strides = array<i32>} : memref<96x144xf32, #tpu.memory_space<vmem>>, vector<16xf32>,
          tpu.vector_store %arg16[%swap3A_563, %swap3A_564], %mul3A_562 {strides = array<i32>} : memref<96x144xf32, #tpu.memory_space<vmem>>, vector<16xf32>,
          %slice3A_566 = vector.extract_strided_slice %get3A_174 {offsets = [15], sizes = [1], strides = [1]} : vector<16xf32> to vector<1xf32>
          %squeeze3A_567 = vector.extract %slice3A_566[0] : f32 from vector<1xf32>
          %get3A_568 = arith.index_cast %add3A_511 : i32 to index
          %get3A_569 = arith.constant 96 : index
          %get3A_570 = tpu.vector_load %arg16[%get3A_568, %get3A_569] {strides = array<i32>} : memref<96x144xf32, #tpu.memory_space<vmem>>, vector<16xf32>,
          %mul3A_571 = vector.broadcast %squeeze3A_567 : f32 to vector<16xf32>
          %mul3A_572 = arith.mulf %get3A_570, %mul3A_571 : vector<16xf32>
          %swap3A_573 = arith.index_cast %add3A_511 : i32 to index
          %swap3A_574 = arith.constant 96 : index
          %swap3A_575 = tpu.vector_load %arg16[%swap3A_573, %swap3A_574] {strides = array<i32>} : memref<96x144xf32, #tpu.memory_space<vmem>>, vector<16xf32>,
          tpu.vector_store %arg16[%swap3A_573, %swap3A_574], %mul3A_572 {strides = array<i32>} : memref<96x144xf32, #tpu.memory_space<vmem>>, vector<16xf32>,
          %get3A_576 = arith.index_cast %add3A_511 : i32 to index
          %get3A_577 = arith.constant 112 : index
          %get3A_578 = tpu.vector_load %arg16[%get3A_576, %get3A_577] {strides = array<i32>} : memref<96x144xf32, #tpu.memory_space<vmem>>, vector<16xf32>,
          %mul3A_579 = vector.broadcast %squeeze3A_567 : f32 to vector<16xf32>
          %mul3A_580 = arith.mulf %get3A_578, %mul3A_579 : vector<16xf32>
          %swap3A_581 = arith.index_cast %add3A_511 : i32 to index
          %swap3A_582 = arith.constant 112 : index
          %swap3A_583 = tpu.vector_load %arg16[%swap3A_581, %swap3A_582] {strides = array<i32>} : memref<96x144xf32, #tpu.memory_space<vmem>>, vector<16xf32>,
          tpu.vector_store %arg16[%swap3A_581, %swap3A_582], %mul3A_580 {strides = array<i32>} : memref<96x144xf32, #tpu.memory_space<vmem>>, vector<16xf32>,
          %lt3A_584 = arith.constant 4 : i32
          %lt3A_585 = vector.broadcast %lt3A_584 : i32 to vector<16xi32>
          %lt3A_586 = arith.cmpi slt, %iota3A, %lt3A_585 : vector<16xi32>
          %mul3A_587 = arith.constant 16 : i32
          %mul3A_588 = arith.muli %add3A_171, %mul3A_587 : i32
          %add3A_589 = arith.constant 12 : i32
          %add3A_590 = arith.addi %mul3A_588, %add3A_589 : i32
          %jit3A_591 = arith.constant 4 : i32
          %eq3A_592 = arith.constant 0 : i32
          %eq3A_593 = arith.cmpi eq, %jit3A_591, %eq3A_592 : i32
          %jit3A_594 = arith.constant 1 : i32
          %select_n3A_595 = arith.select %eq3A_593, %jit3A_594, %jit3A_591 : i32
          %rem3A_596 = vector.broadcast %select_n3A_595 : i32 to vector<16xi32>
          %rem3A_597 = arith.remsi %iota3A, %rem3A_596 : vector<16xi32>
          %ne3A_598 = arith.constant 0 : i32
          %ne3A_599 = vector.broadcast %ne3A_598 : i32 to vector<16xi32>
          %ne3A_600 = arith.cmpi ne, %rem3A_597, %ne3A_599 : vector<16xi32>
          %lt3A_601 = arith.constant 0 : i32
          %lt3A_602 = vector.broadcast %lt3A_601 : i32 to vector<16xi32>
          %lt3A_603 = arith.cmpi slt, %rem3A_597, %lt3A_602 : vector<16xi32>
          %lt3A_604 = arith.constant 0 : i32
          %lt3A_605 = arith.cmpi slt, %select_n3A_595, %lt3A_604 : i32
          %ne3A_606 = vector.broadcast %lt3A_605 : i1 to vector<16xi1>
          %ne3A_607 = vector.broadcast %ne3A_606 : vector<16xi1> to vector<16xi1>
          %ne3A_608 = arith.xori %lt3A_603, %ne3A_607 : vector<16xi1>
          %and3A_609 = arith.andi %ne3A_608, %ne3A_600 : vector<16xi1>
          %add3A_610 = vector.broadcast %select_n3A_595 : i32 to vector<16xi32>
          %add3A_611 = arith.addi %rem3A_597, %add3A_610 : vector<16xi32>
          %select_n3A_612 = arith.select %and3A_609, %add3A_611, %rem3A_597 : vector<16xi1>, vector<16xi32>
          %add3A_613 = vector.broadcast %add3A_590 : i32 to vector<16xi32>
          %add3A_614 = arith.addi %add3A_613, %select_n3A_612 : vector<16xi32>
          %gather3A_615 = tpu.vector_load_idx %arg19[%add3A_614] : memref<384xf32, #tpu.memory_space<vmem>>[vector<16xi32>], vector<16xf32>,
          %jit3A_616 = arith.constant 0.000000e+00 : f32
          %broadcast_in_dim3A_617 = vector.broadcast %jit3A_616 : f32 to vector<16xf32>
          %select_n3A_618 = arith.select %lt3A_586, %gather3A_615, %broadcast_in_dim3A_617 : vector<16xi1>, vector<16xf32>
          %swap3A_619 = arith.index_cast %add3A_511 : i32 to index
          %swap3A_620 = arith.constant 128 : index
          %swap3A_621 = tpu.vector_load %arg16[%swap3A_619, %swap3A_620] {strides = array<i32>} : memref<96x144xf32, #tpu.memory_space<vmem>>, vector<16xf32>,
          tpu.vector_store %arg16[%swap3A_619, %swap3A_620], %select_n3A_618 {strides = array<i32>} : memref<96x144xf32, #tpu.memory_space<vmem>>, vector<16xf32>,
        }
        %scan3A_151 = arith.constant 24 : i32
        %scan3A_152 = arith.constant 0 : i32
        %scan3A_153 = arith.constant 6 : i32
        %scan3A_154 = arith.addi %scan3A_152, %scan3A_153 : i32
        %scan3A_155 = arith.constant 1 : i32
        scf.for %scan3A_167 = %scan3A_152 to %scan3A_154 step %scan3A_155  : i32 {
          %mul3A_168 = arith.constant 1 : i32
          %mul3A_169 = arith.muli %scan3A_167, %mul3A_168 : i32
          %add3A_170 = arith.constant 0 : i32
          %add3A_171 = arith.addi %add3A_170, %mul3A_169 : i32
          %mul3A_172 = arith.constant 16 : i32
          %mul3A_173 = arith.muli %add3A_171, %mul3A_172 : i32
          %get3A = arith.constant 1 : i32
          %get3A_174 = arith.index_cast %get3A : i32 to index
          %get3A_175 = arith.index_cast %mul3A_173 : i32 to index
          %get3A_176 = tpu.vector_load %arg8[%get3A_174, %get3A_175] {strides = array<i32>} : memref<2x96xi32, #tpu.memory_space<vmem>>, vector<16xi32>,
          %mul3A_177 = arith.constant 16 : i32
          %mul3A_178 = arith.muli %add3A_171, %mul3A_177 : i32
          %swap3A = arith.index_cast %mul3A_178 : i32 to index
          %swap3A_179 = tpu.vector_load %arg14[%swap3A] {strides = array<i32>} : memref<96xi32, #tpu.memory_space<vmem>>, vector<16xi32>,
          tpu.vector_store %arg14[%swap3A], %get3A_176 {strides = array<i32>} : memref<96xi32, #tpu.memory_space<vmem>>, vector<16xi32>,
        }
        %scan3A_156 = arith.constant 6 : i32
        %dma_start3A_157 = arith.constant 0 : i32
        %dma_start3A_158 = arith.constant 0 : i32
        %dma_start3A_159 = tpu.memref_slice %arg20[%dma_start3A_157, %dma_start3A_158] : memref<10240x144xf32, #tpu.memory_space<vmem_shared>> -> memref<10240x144xf32, #tpu.memory_space<vmem_shared>>
        tpu.enqueue_indirect_dma source(%arg16 : memref<96x144xf32, #tpu.memory_space<vmem>>) target(%dma_start3A_159 : memref<10240x144xf32, #tpu.memory_space<vmem_shared>>) offsets(%arg14 : memref<96xi32, #tpu.memory_space<vmem>>) semaphore(%arg24 : memref<!tpu.dma_semaphore, #tpu.memory_space<semaphore_mem>>) {add = true}
        %add3A_160 = arith.constant 2 : i32
        %add3A_161 = arith.addi %add3A_123, %add3A_160 : i32
        %lt3A_162 = arith.constant 112 : i32
        %lt3A_163 = arith.cmpi slt, %add3A_161, %lt3A_162 : i32
        %convert_element_type3A_164 = arith.extui %lt3A_163 : i1 to i32
        %cond3A_165 = arith.constant 0 : i32
        %cond3A_166 = arith.cmpi ne, %convert_element_type3A_164, %cond3A_165 : i32
        scf.if %cond3A_166 {
          %add3A_167 = arith.constant 2 : i32
          %add3A_168 = arith.addi %add3A_123, %add3A_167 : i32
          %mul3A_169 = arith.constant 96 : i32
          %mul3A_170 = arith.muli %add3A_168, %mul3A_169 : i32
          %dma_start3A_171 = arith.constant 0 : i32
          %dma_start3A_172 = tpu.memref_slice %arg4[%arg1, %dma_start3A_171, %mul3A_170] : memref<16x2x10752xi32, #tpu.memory_space<hbm>> -> memref<1x2x96xi32, #tpu.memory_space<hbm>>
          %dma_start3A_173 = tpu.memref_squeeze %dma_start3A_172 : memref<1x2x96xi32, #tpu.memory_space<hbm>> -> memref<2x96xi32, #tpu.memory_space<hbm>>
          %dma_start3A_174 = arith.constant 0 : i32
          %dma_start3A_175 = tpu.memref_slice %arg4[%arg1, %dma_start3A_174, %mul3A_170] : memref<16x2x10752xi32, #tpu.memory_space<hbm>> -> memref<1x2x96xi32, #tpu.memory_space<hbm>>
          %dma_start3A_176 = tpu.memref_squeeze %dma_start3A_175 : memref<1x2x96xi32, #tpu.memory_space<hbm>> -> memref<2x96xi32, #tpu.memory_space<hbm>>
          tpu.enqueue_dma source(%dma_start3A_176 : memref<2x96xi32, #tpu.memory_space<hbm>>) target(%arg8 : memref<2x96xi32, #tpu.memory_space<vmem>>) target_semaphore(%arg26 : memref<!tpu.dma_semaphore, #tpu.memory_space<semaphore_mem>>)
        } else {
        }
      }
      %scan3A_63 = arith.constant 56 : i32
      %dma_wait3A_64 = arith.constant 0 : i32
      %dma_wait3A_65 = arith.constant 0 : i32
      %dma_wait3A_66 = tpu.memref_slice %arg20[%dma_wait3A_64, %dma_wait3A_65] : memref<10240x144xf32, #tpu.memory_space<vmem_shared>> -> memref<10240x144xf32, #tpu.memory_space<vmem_shared>>
      tpu.wait_indirect_dma semaphore(%arg24 : memref<!tpu.dma_semaphore, #tpu.memory_space<semaphore_mem>>) src(%arg16 : memref<96x144xf32, #tpu.memory_space<vmem>>) dst(%dma_wait3A_66 : memref<10240x144xf32, #tpu.memory_space<vmem_shared>>)
      %barrier3A_67 = arith.constant 0 : index
      tpu.barrier barrier_id(%barrier3A_67)
      %mul3A_68 = arith.constant 640 : i32
      %mul3A_69 = arith.muli %arg1, %mul3A_68 : i32
      %mul3A_70 = arith.constant 640 : i32
      %mul3A_71 = arith.muli %arg1, %mul3A_70 : i32
      "tpu.region"() ({
        %run_scoped3A = tpu.sem_alloc : memref<!tpu.dma_semaphore, #tpu.memory_space<semaphore_mem>>
        %dma_start3A_72 = arith.constant 0 : i32
        %dma_start3A_73 = tpu.memref_slice %arg6[%add3A_19, %mul3A_71, %dma_start3A_72] : memref<16x10240x144xf32, #tpu.memory_space<hbm>> -> memref<1x640x144xf32, #tpu.memory_space<hbm>>
        %dma_start3A_74 = tpu.memref_squeeze %dma_start3A_73 : memref<1x640x144xf32, #tpu.memory_space<hbm>> -> memref<640x144xf32, #tpu.memory_space<hbm>>
        %dma_start3A_75 = arith.constant 0 : i32
        %dma_start3A_76 = tpu.memref_slice %arg20[%mul3A_69, %dma_start3A_75] : memref<10240x144xf32, #tpu.memory_space<vmem_shared>> -> memref<640x144xf32, #tpu.memory_space<vmem_shared>>
        tpu.enqueue_dma source(%dma_start3A_76 : memref<640x144xf32, #tpu.memory_space<vmem_shared>>) target(%dma_start3A_74 : memref<640x144xf32, #tpu.memory_space<hbm>>) target_semaphore(%run_scoped3A : memref<!tpu.dma_semaphore, #tpu.memory_space<semaphore_mem>>)
        %dma_wait3A_77 = arith.constant 0 : i32
        %dma_wait3A_78 = tpu.memref_slice %arg6[%add3A_19, %mul3A_71, %dma_wait3A_77] : memref<16x10240x144xf32, #tpu.memory_space<hbm>> -> memref<1x640x144xf32, #tpu.memory_space<hbm>>
        %dma_wait3A_79 = tpu.memref_squeeze %dma_wait3A_78 : memref<1x640x144xf32, #tpu.memory_space<hbm>> -> memref<640x144xf32, #tpu.memory_space<hbm>>
        %dma_wait3A_80 = arith.constant 0 : i32
        %dma_wait3A_81 = tpu.memref_slice %arg20[%mul3A_69, %dma_wait3A_80] : memref<10240x144xf32, #tpu.memory_space<vmem_shared>> -> memref<640x144xf32, #tpu.memory_space<vmem_shared>>
        tpu.wait_dma2 semaphore(%run_scoped3A : memref<!tpu.dma_semaphore, #tpu.memory_space<semaphore_mem>>) src(%dma_wait3A_81 : memref<640x144xf32, #tpu.memory_space<vmem_shared>>) dst(%dma_wait3A_79 : memref<640x144xf32, #tpu.memory_space<hbm>>)
        tpu.yield
      }) : () -> ()
    }
    %scan3A_12 = arith.constant 8 : i32
    return
  }
}

module attributes {stable_mosaic.version = 14 : i64} {
  func.func @_prep_body(%arg0: i32, %arg1: i32, %arg2: memref<1x1x512x8xf32, #tpu.memory_space<vmem>>, %arg3: memref<1x512x120xf32, #tpu.memory_space<vmem>>, %arg4: memref<8x128xf32, #tpu.memory_space<vmem>>, %arg5: memref<120x128xf32, #tpu.memory_space<vmem>>, %arg6: memref<128x4xf32, #tpu.memory_space<vmem>>, %arg7: memref<128x4xf32, #tpu.memory_space<vmem>>, %arg8: memref<1x512x144xf32, #tpu.memory_space<vmem>>, %arg9: memref<1x512x16xf32, #tpu.memory_space<vmem>>) attributes {dimension_semantics = [#tpu.dimension_semantics<arbitrary>, #tpu.dimension_semantics<arbitrary>], iteration_bounds = array<i64: 16, 20>, scalar_prefetch = 0 : i64, scratch_operands = 0 : i64, tpu.core_type = #tpu.core_type<tc>, window_params = [{transform_indices = @transform_0, window_bounds = array<i64: 1, 1, 512, 8>}, {transform_indices = @transform_1, window_bounds = array<i64: 1, 512, 120>}, {pipeline_mode = #tpu.pipeline_mode<synchronous>, transform_indices = @transform_2, window_bounds = array<i64: 8, 128>}, {pipeline_mode = #tpu.pipeline_mode<synchronous>, transform_indices = @transform_3, window_bounds = array<i64: 120, 128>}, {pipeline_mode = #tpu.pipeline_mode<synchronous>, transform_indices = @transform_4, window_bounds = array<i64: 128, 4>}, {pipeline_mode = #tpu.pipeline_mode<synchronous>, transform_indices = @transform_5, window_bounds = array<i64: 128, 4>}, {transform_indices = @transform_6, window_bounds = array<i64: 1, 512, 144>}, {transform_indices = @transform_7, window_bounds = array<i64: 1, 512, 16>}]} {
    %get3A = arith.constant 0 : index
    %get3A_0 = arith.constant 0 : index
    %get3A_1 = arith.constant 0 : index
    %get3A_2 = arith.constant 0 : index
    %get3A_3 = vector.load %arg2[%get3A, %get3A_0, %get3A_1, %get3A_2] : memref<1x1x512x8xf32, #tpu.memory_space<vmem>>, vector<1x1x512x8xf32>
    %get3A_4 = vector.shape_cast %get3A_3 : vector<1x1x512x8xf32> to vector<512x8xf32>
    %get3A_5 = arith.constant 0 : index
    %get3A_6 = arith.constant 0 : index
    %get3A_7 = arith.constant 0 : index
    %get3A_8 = vector.load %arg3[%get3A_5, %get3A_6, %get3A_7] : memref<1x512x120xf32, #tpu.memory_space<vmem>>, vector<1x512x120xf32>
    %get3A_9 = vector.shape_cast %get3A_8 : vector<1x512x120xf32> to vector<512x120xf32>
    %get3A_10 = arith.constant 0 : index
    %get3A_11 = arith.constant 0 : index
    %get3A_12 = vector.load %arg4[%get3A_10, %get3A_11] : memref<8x128xf32, #tpu.memory_space<vmem>>, vector<8x128xf32>
    %dot_general3A = arith.constant dense<0.000000e+00> : vector<512x128xf32>
    %dot_general3A_13 = tpu.matmul %get3A_4, %get3A_12, %dot_general3A {dimension_numbers = #tpu.dot_dimension_numbers<[1], [0], [0], [1], [0, 0, 1, 1], [], []>, transpose_lhs_hint = false} : vector<512x8xf32>, vector<8x128xf32>, vector<512x128xf32> -> vector<512x128xf32>
    %get3A_14 = arith.constant 0 : index
    %get3A_15 = arith.constant 0 : index
    %get3A_16 = vector.load %arg5[%get3A_14, %get3A_15] : memref<120x128xf32, #tpu.memory_space<vmem>>, vector<120x128xf32>
    %dot_general3A_17 = arith.constant dense<0.000000e+00> : vector<512x128xf32>
    %dot_general3A_18 = tpu.matmul %get3A_9, %get3A_16, %dot_general3A_17 {dimension_numbers = #tpu.dot_dimension_numbers<[1], [0], [0], [1], [0, 0, 1, 1], [], []>, transpose_lhs_hint = false} : vector<512x120xf32>, vector<120x128xf32>, vector<512x128xf32> -> vector<512x128xf32>
    %add3A = arith.addf %dot_general3A_13, %dot_general3A_18 : vector<512x128xf32>
    %mul3A = arith.constant 512 : i32
    %mul3A_19 = arith.muli %arg1, %mul3A : i32
    %iota3A = tpu.iota {dimensions = array<i32: 0>} : vector<512x1xi32>
    %add3A_20 = vector.broadcast %mul3A_19 : i32 to vector<512x1xi32>
    %add3A_21 = arith.addi %add3A_20, %iota3A : vector<512x1xi32>
    %lt3A = arith.constant 10000 : i32
    %lt3A_22 = vector.broadcast %lt3A : i32 to vector<512x1xi32>
    %lt3A_23 = arith.cmpi slt, %add3A_21, %lt3A_22 : vector<512x1xi32>
    %jit3A = arith.constant 0.000000e+00 : f32
    %broadcast_in_dim3A = vector.shape_cast %lt3A_23 : vector<512x1xi1> to vector<512x1xi1>
    %broadcast_in_dim3A_24 = vector.broadcast %broadcast_in_dim3A : vector<512x1xi1> to vector<512x128xi1>
    %broadcast_in_dim3A_25 = vector.broadcast %jit3A : f32 to vector<512x128xf32>
    %select_n3A = arith.select %broadcast_in_dim3A_24, %add3A, %broadcast_in_dim3A_25 : vector<512x128xi1>, vector<512x128xf32>
    %get3A_26 = arith.constant 0 : index
    %get3A_27 = arith.constant 0 : index
    %get3A_28 = vector.load %arg6[%get3A_26, %get3A_27] : memref<128x4xf32, #tpu.memory_space<vmem>>, vector<128x4xf32>
    %dot_general3A_29 = arith.constant dense<0.000000e+00> : vector<512x4xf32>
    %dot_general3A_30 = tpu.matmul %select_n3A, %get3A_28, %dot_general3A_29 {dimension_numbers = #tpu.dot_dimension_numbers<[1], [0], [0], [1], [0, 0, 1, 1], [], []>, transpose_lhs_hint = false} : vector<512x128xf32>, vector<128x4xf32>, vector<512x4xf32> -> vector<512x4xf32>
    %get3A_31 = arith.constant 0 : index
    %get3A_32 = arith.constant 0 : index
    %get3A_33 = vector.load %arg7[%get3A_31, %get3A_32] : memref<128x4xf32, #tpu.memory_space<vmem>>, vector<128x4xf32>
    %dot_general3A_34 = arith.constant dense<0.000000e+00> : vector<512x4xf32>
    %dot_general3A_35 = tpu.matmul %select_n3A, %get3A_33, %dot_general3A_34 {dimension_numbers = #tpu.dot_dimension_numbers<[1], [0], [0], [1], [0, 0, 1, 1], [], []>, transpose_lhs_hint = false} : vector<512x128xf32>, vector<128x4xf32>, vector<512x4xf32> -> vector<512x4xf32>
    %broadcast_in_dim3A_36 = arith.constant 0.000000e+00 : f32
    %broadcast_in_dim3A_37 = vector.broadcast %broadcast_in_dim3A_36 : f32 to vector<512x12xf32>
    %concatenate3A = tpu.concatenate %select_n3A, %dot_general3A_30, %broadcast_in_dim3A_37 in 1 : vector<512x128xf32>, vector<512x4xf32>, vector<512x12xf32> -> vector<512x144xf32>
    %swap3A = arith.constant 0 : index
    %swap3A_38 = arith.constant 0 : index
    %swap3A_39 = arith.constant 0 : index
    %swap3A_40 = vector.load %arg8[%swap3A, %swap3A_38, %swap3A_39] : memref<1x512x144xf32, #tpu.memory_space<vmem>>, vector<1x512x144xf32>
    %swap3A_41 = vector.shape_cast %swap3A_40 : vector<1x512x144xf32> to vector<512x144xf32>
    %swap3A_42 = vector.shape_cast %concatenate3A : vector<512x144xf32> to vector<1x512x144xf32>
    tpu.vector_store %arg8[%swap3A, %swap3A_38, %swap3A_39], %swap3A_42 {strides = array<i32>} : memref<1x512x144xf32, #tpu.memory_space<vmem>>, vector<1x512x144xf32>,
    %broadcast_in_dim3A_43 = arith.constant 0.000000e+00 : f32
    %broadcast_in_dim3A_44 = vector.broadcast %broadcast_in_dim3A_43 : f32 to vector<512x8xf32>
    %concatenate3A_45 = tpu.concatenate %dot_general3A_30, %dot_general3A_35, %broadcast_in_dim3A_44 in 1 : vector<512x4xf32>, vector<512x4xf32>, vector<512x8xf32> -> vector<512x16xf32>
    %swap3A_46 = arith.constant 0 : index
    %swap3A_47 = arith.constant 0 : index
    %swap3A_48 = arith.constant 0 : index
    %swap3A_49 = vector.load %arg9[%swap3A_46, %swap3A_47, %swap3A_48] : memref<1x512x16xf32, #tpu.memory_space<vmem>>, vector<1x512x16xf32>
    %swap3A_50 = vector.shape_cast %swap3A_49 : vector<1x512x16xf32> to vector<512x16xf32>
    %swap3A_51 = vector.shape_cast %concatenate3A_45 : vector<512x16xf32> to vector<1x512x16xf32>
    tpu.vector_store %arg9[%swap3A_46, %swap3A_47, %swap3A_48], %swap3A_51 {strides = array<i32>} : memref<1x512x16xf32, #tpu.memory_space<vmem>>, vector<1x512x16xf32>,
    return
  }
  func.func @transform_0(%arg0: i32, %arg1: i32) -> (i32, i32, i32, i32) {
    %jit3A = arith.constant 8 : i32
    %div3A = arith.divsi %arg0, %jit3A : i32
    %sign3A = arith.constant 0 : i32
    %sign3A_0 = arith.cmpi sgt, %arg0, %sign3A : i32
    %sign3A_1 = arith.extui %sign3A_0 : i1 to i32
    %sign3A_2 = arith.constant 0 : i32
    %sign3A_3 = arith.cmpi slt, %arg0, %sign3A_2 : i32
    %sign3A_4 = arith.extui %sign3A_3 : i1 to i32
    %sign3A_5 = arith.subi %sign3A_1, %sign3A_4 : i32
    %sign3A_6 = arith.constant 0 : i32
    %sign3A_7 = arith.cmpi sgt, %jit3A, %sign3A_6 : i32
    %sign3A_8 = arith.extui %sign3A_7 : i1 to i32
    %sign3A_9 = arith.constant 0 : i32
    %sign3A_10 = arith.cmpi slt, %jit3A, %sign3A_9 : i32
    %sign3A_11 = arith.extui %sign3A_10 : i1 to i32
    %sign3A_12 = arith.subi %sign3A_8, %sign3A_11 : i32
    %ne3A = arith.cmpi ne, %sign3A_5, %sign3A_12 : i32
    %rem3A = arith.remsi %arg0, %jit3A : i32
    %ne3A_13 = arith.constant 0 : i32
    %ne3A_14 = arith.cmpi ne, %rem3A, %ne3A_13 : i32
    %and3A = arith.andi %ne3A, %ne3A_14 : i1
    %sub3A = arith.constant 1 : i32
    %sub3A_15 = arith.subi %div3A, %sub3A : i32
    %select_n3A = arith.select %and3A, %sub3A_15, %div3A : i32
    %jit3A_16 = arith.constant 8 : i32
    %eq3A = arith.constant 0 : i32
    %eq3A_17 = arith.cmpi eq, %jit3A_16, %eq3A : i32
    %jit3A_18 = arith.constant 1 : i32
    %select_n3A_19 = arith.select %eq3A_17, %jit3A_18, %jit3A_16 : i32
    %rem3A_20 = arith.remsi %arg0, %select_n3A_19 : i32
    %ne3A_21 = arith.constant 0 : i32
    %ne3A_22 = arith.cmpi ne, %rem3A_20, %ne3A_21 : i32
    %lt3A = arith.constant 0 : i32
    %lt3A_23 = arith.cmpi slt, %rem3A_20, %lt3A : i32
    %lt3A_24 = arith.constant 0 : i32
    %lt3A_25 = arith.cmpi slt, %select_n3A_19, %lt3A_24 : i32
    %ne3A_26 = arith.xori %lt3A_23, %lt3A_25 : i1
    %and3A_27 = arith.andi %ne3A_26, %ne3A_22 : i1
    %add3A = arith.addi %rem3A_20, %select_n3A_19 : i32
    %select_n3A_28 = arith.select %and3A_27, %add3A, %rem3A_20 : i32
    %c0_i32 = arith.constant 0 : i32
    %c0_i32_29 = arith.constant 0 : i32
    return %select_n3A, %select_n3A_28, %arg1, %c0_i32 : i32, i32, i32, i32
  }
  func.func @transform_1(%arg0: i32, %arg1: i32) -> (i32, i32, i32) {
    %jit3A = arith.constant 8 : i32
    %div3A = arith.divsi %arg0, %jit3A : i32
    %sign3A = arith.constant 0 : i32
    %sign3A_0 = arith.cmpi sgt, %arg0, %sign3A : i32
    %sign3A_1 = arith.extui %sign3A_0 : i1 to i32
    %sign3A_2 = arith.constant 0 : i32
    %sign3A_3 = arith.cmpi slt, %arg0, %sign3A_2 : i32
    %sign3A_4 = arith.extui %sign3A_3 : i1 to i32
    %sign3A_5 = arith.subi %sign3A_1, %sign3A_4 : i32
    %sign3A_6 = arith.constant 0 : i32
    %sign3A_7 = arith.cmpi sgt, %jit3A, %sign3A_6 : i32
    %sign3A_8 = arith.extui %sign3A_7 : i1 to i32
    %sign3A_9 = arith.constant 0 : i32
    %sign3A_10 = arith.cmpi slt, %jit3A, %sign3A_9 : i32
    %sign3A_11 = arith.extui %sign3A_10 : i1 to i32
    %sign3A_12 = arith.subi %sign3A_8, %sign3A_11 : i32
    %ne3A = arith.cmpi ne, %sign3A_5, %sign3A_12 : i32
    %rem3A = arith.remsi %arg0, %jit3A : i32
    %ne3A_13 = arith.constant 0 : i32
    %ne3A_14 = arith.cmpi ne, %rem3A, %ne3A_13 : i32
    %and3A = arith.andi %ne3A, %ne3A_14 : i1
    %sub3A = arith.constant 1 : i32
    %sub3A_15 = arith.subi %div3A, %sub3A : i32
    %select_n3A = arith.select %and3A, %sub3A_15, %div3A : i32
    %c0_i32 = arith.constant 0 : i32
    %c0_i32_16 = arith.constant 0 : i32
    return %select_n3A, %arg1, %c0_i32 : i32, i32, i32
  }
  func.func @transform_2(%arg0: i32, %arg1: i32) -> (i32, i32) {
    %c0_i32 = arith.constant 0 : i32
    %c0_i32_0 = arith.constant 0 : i32
    %c0_i32_1 = arith.constant 0 : i32
    return %c0_i32, %c0_i32_0 : i32, i32
  }
  func.func @transform_3(%arg0: i32, %arg1: i32) -> (i32, i32) {
    %c0_i32 = arith.constant 0 : i32
    %c0_i32_0 = arith.constant 0 : i32
    %c0_i32_1 = arith.constant 0 : i32
    return %c0_i32, %c0_i32_0 : i32, i32
  }
  func.func @transform_4(%arg0: i32, %arg1: i32) -> (i32, i32) {
    %c0_i32 = arith.constant 0 : i32
    %c0_i32_0 = arith.constant 0 : i32
    %c0_i32_1 = arith.constant 0 : i32
    return %c0_i32, %c0_i32_0 : i32, i32
  }
  func.func @transform_5(%arg0: i32, %arg1: i32) -> (i32, i32) {
    %c0_i32 = arith.constant 0 : i32
    %c0_i32_0 = arith.constant 0 : i32
    %c0_i32_1 = arith.constant 0 : i32
    return %c0_i32, %c0_i32_0 : i32, i32
  }
  func.func @transform_6(%arg0: i32, %arg1: i32) -> (i32, i32, i32) {
    %c0_i32 = arith.constant 0 : i32
    %c0_i32_0 = arith.constant 0 : i32
    return %arg0, %arg1, %c0_i32 : i32, i32, i32
  }
  func.func @transform_7(%arg0: i32, %arg1: i32) -> (i32, i32, i32) {
    %c0_i32 = arith.constant 0 : i32
    %c0_i32_0 = arith.constant 0 : i32
    return %arg0, %arg1, %c0_i32 : i32, i32, i32
  }
}

module attributes {stable_mosaic.version = 14 : i64} {
  func.func @_rnn_body(%arg0: i32, %arg1: i32, %arg2: memref<1x8x512x144xf32, #tpu.memory_space<vmem>>, %arg3: memref<1x128xf32, #tpu.memory_space<vmem>>, %arg4: memref<4x128xf32, #tpu.memory_space<vmem>>, %arg5: memref<128x256xf32, #tpu.memory_space<vmem>>, %arg6: memref<64x256xf32, #tpu.memory_space<vmem>>, %arg7: memref<1x256xf32, #tpu.memory_space<vmem>>, %arg8: memref<1x256xf32, #tpu.memory_space<vmem>>, %arg9: memref<64x4xf32, #tpu.memory_space<vmem>>, %arg10: memref<1x4xf32, #tpu.memory_space<vmem>>, %arg11: memref<1x512x4xf32, #tpu.memory_space<vmem>>) attributes {dimension_semantics = [#tpu.dimension_semantics<arbitrary>, #tpu.dimension_semantics<arbitrary>], iteration_bounds = array<i64: 2, 20>, scalar_prefetch = 0 : i64, scratch_operands = 0 : i64, tpu.core_type = #tpu.core_type<tc>, window_params = [{transform_indices = @transform_0, window_bounds = array<i64: 1, 8, 512, 144>}, {pipeline_mode = #tpu.pipeline_mode<synchronous>, transform_indices = @transform_1, window_bounds = array<i64: 1, 128>}, {pipeline_mode = #tpu.pipeline_mode<synchronous>, transform_indices = @transform_2, window_bounds = array<i64: 4, 128>}, {pipeline_mode = #tpu.pipeline_mode<synchronous>, transform_indices = @transform_3, window_bounds = array<i64: 128, 256>}, {pipeline_mode = #tpu.pipeline_mode<synchronous>, transform_indices = @transform_4, window_bounds = array<i64: 64, 256>}, {pipeline_mode = #tpu.pipeline_mode<synchronous>, transform_indices = @transform_5, window_bounds = array<i64: 1, 256>}, {pipeline_mode = #tpu.pipeline_mode<synchronous>, transform_indices = @transform_6, window_bounds = array<i64: 1, 256>}, {pipeline_mode = #tpu.pipeline_mode<synchronous>, transform_indices = @transform_7, window_bounds = array<i64: 64, 4>}, {pipeline_mode = #tpu.pipeline_mode<synchronous>, transform_indices = @transform_8, window_bounds = array<i64: 1, 4>}, {transform_indices = @transform_9, window_bounds = array<i64: 1, 512, 4>}]} {
    %broadcast_in_dim3A = arith.constant 0.000000e+00 : f32
    %broadcast_in_dim3A_0 = vector.broadcast %broadcast_in_dim3A : f32 to vector<512x64xf32>
    %broadcast_in_dim3A_1 = arith.constant 0.000000e+00 : f32
    %broadcast_in_dim3A_2 = vector.broadcast %broadcast_in_dim3A_1 : f32 to vector<512x64xf32>
    %get3A = arith.constant 0 : index
    %get3A_3 = arith.constant 0 : index
    %get3A_4 = arith.constant 0 : index
    %get3A_5 = arith.constant 0 : index
    %get3A_6 = vector.load %arg2[%get3A, %get3A_3, %get3A_4, %get3A_5] : memref<1x8x512x144xf32, #tpu.memory_space<vmem>>, vector<1x1x512x128xf32>
    %get3A_7 = vector.shape_cast %get3A_6 : vector<1x1x512x128xf32> to vector<512x128xf32>
    %get3A_8 = arith.constant 0 : index
    %get3A_9 = arith.constant 0 : index
    %get3A_10 = arith.constant 0 : index
    %get3A_11 = arith.constant 128 : index
    %get3A_12 = vector.load %arg2[%get3A_8, %get3A_9, %get3A_10, %get3A_11] : memref<1x8x512x144xf32, #tpu.memory_space<vmem>>, vector<1x1x512x4xf32>
    %get3A_13 = vector.shape_cast %get3A_12 : vector<1x1x512x4xf32> to vector<512x4xf32>
    %eq3A = arith.constant 0.000000e+00 : f32
    %eq3A_14 = vector.broadcast %eq3A : f32 to vector<512x4xf32>
    %eq3A_15 = arith.cmpf oeq, %get3A_13, %eq3A_14 : vector<512x4xf32>
    %convert_element_type3A = arith.extui %eq3A_15 : vector<512x4xi1> to vector<512x4xi32>
    %convert_element_type3A_16 = arith.sitofp %convert_element_type3A : vector<512x4xi32> to vector<512x4xf32>
    %add3A = arith.addf %get3A_13, %convert_element_type3A_16 : vector<512x4xf32>
    %div3A = arith.constant 1.000000e+00 : f32
    %div3A_17 = vector.broadcast %div3A : f32 to vector<512x4xf32>
    %div3A_18 = arith.divf %div3A_17, %add3A : vector<512x4xf32>
    %get3A_19 = arith.constant 0 : index
    %get3A_20 = arith.constant 0 : index
    %get3A_21 = vector.load %arg4[%get3A_19, %get3A_20] : memref<4x128xf32, #tpu.memory_space<vmem>>, vector<4x128xf32>
    %dot_general3A = arith.constant dense<0.000000e+00> : vector<512x128xf32>
    %dot_general3A_22 = tpu.matmul %div3A_18, %get3A_21, %dot_general3A {dimension_numbers = #tpu.dot_dimension_numbers<[1], [0], [0], [1], [0, 0, 1, 1], [], []>, transpose_lhs_hint = false} : vector<512x4xf32>, vector<4x128xf32>, vector<512x128xf32> -> vector<512x128xf32>
    %mul3A = arith.mulf %get3A_7, %dot_general3A_22 : vector<512x128xf32>
    %get3A_23 = arith.constant 0 : index
    %get3A_24 = arith.constant 0 : index
    %get3A_25 = vector.load %arg3[%get3A_23, %get3A_24] : memref<1x128xf32, #tpu.memory_space<vmem>>, vector<1x128xf32>
    %add3A_26 = vector.broadcast %get3A_25 : vector<1x128xf32> to vector<512x128xf32>
    %add3A_27 = arith.addf %mul3A, %add3A_26 : vector<512x128xf32>
    %get3A_28 = arith.constant 0 : index
    %get3A_29 = arith.constant 0 : index
    %get3A_30 = vector.load %arg5[%get3A_28, %get3A_29] : memref<128x256xf32, #tpu.memory_space<vmem>>, vector<128x256xf32>
    %dot_general3A_31 = arith.constant dense<0.000000e+00> : vector<512x256xf32>
    %dot_general3A_32 = tpu.matmul %add3A_27, %get3A_30, %dot_general3A_31 {dimension_numbers = #tpu.dot_dimension_numbers<[1], [0], [0], [1], [0, 0, 1, 1], [], []>, transpose_lhs_hint = false} : vector<512x128xf32>, vector<128x256xf32>, vector<512x256xf32> -> vector<512x256xf32>
    %get3A_33 = arith.constant 0 : index
    %get3A_34 = arith.constant 0 : index
    %get3A_35 = vector.load %arg6[%get3A_33, %get3A_34] : memref<64x256xf32, #tpu.memory_space<vmem>>, vector<64x256xf32>
    %dot_general3A_36 = arith.constant dense<0.000000e+00> : vector<512x256xf32>
    %dot_general3A_37 = tpu.matmul %broadcast_in_dim3A_0, %get3A_35, %dot_general3A_36 {dimension_numbers = #tpu.dot_dimension_numbers<[1], [0], [0], [1], [0, 0, 1, 1], [], []>, transpose_lhs_hint = false} : vector<512x64xf32>, vector<64x256xf32>, vector<512x256xf32> -> vector<512x256xf32>
    %add3A_38 = arith.addf %dot_general3A_32, %dot_general3A_37 : vector<512x256xf32>
    %get3A_39 = arith.constant 0 : index
    %get3A_40 = arith.constant 0 : index
    %get3A_41 = vector.load %arg7[%get3A_39, %get3A_40] : memref<1x256xf32, #tpu.memory_space<vmem>>, vector<1x256xf32>
    %add3A_42 = vector.broadcast %get3A_41 : vector<1x256xf32> to vector<512x256xf32>
    %add3A_43 = arith.addf %add3A_38, %add3A_42 : vector<512x256xf32>
    %get3A_44 = arith.constant 0 : index
    %get3A_45 = arith.constant 0 : index
    %get3A_46 = vector.load %arg8[%get3A_44, %get3A_45] : memref<1x256xf32, #tpu.memory_space<vmem>>, vector<1x256xf32>
    %add3A_47 = vector.broadcast %get3A_46 : vector<1x256xf32> to vector<512x256xf32>
    %add3A_48 = arith.addf %add3A_43, %add3A_47 : vector<512x256xf32>
    %slice3A = vector.extract_strided_slice %add3A_48 {offsets = [0, 0], sizes = [512, 64], strides = [1, 1]} : vector<512x256xf32> to vector<512x64xf32>
    %logistic3A = arith.negf %slice3A : vector<512x64xf32>
    %logistic3A_49 = math.exp %logistic3A : vector<512x64xf32>
    %logistic3A_50 = arith.constant 1.000000e+00 : f32
    %logistic3A_51 = vector.broadcast %logistic3A_50 : f32 to vector<512x64xf32>
    %logistic3A_52 = arith.addf %logistic3A_51, %logistic3A_49 : vector<512x64xf32>
    %logistic3A_53 = arith.divf %logistic3A_51, %logistic3A_52 : vector<512x64xf32>
    %slice3A_54 = vector.extract_strided_slice %add3A_48 {offsets = [0, 64], sizes = [512, 64], strides = [1, 1]} : vector<512x256xf32> to vector<512x64xf32>
    %logistic3A_55 = arith.negf %slice3A_54 : vector<512x64xf32>
    %logistic3A_56 = math.exp %logistic3A_55 : vector<512x64xf32>
    %logistic3A_57 = arith.constant 1.000000e+00 : f32
    %logistic3A_58 = vector.broadcast %logistic3A_57 : f32 to vector<512x64xf32>
    %logistic3A_59 = arith.addf %logistic3A_58, %logistic3A_56 : vector<512x64xf32>
    %logistic3A_60 = arith.divf %logistic3A_58, %logistic3A_59 : vector<512x64xf32>
    %slice3A_61 = vector.extract_strided_slice %add3A_48 {offsets = [0, 128], sizes = [512, 64], strides = [1, 1]} : vector<512x256xf32> to vector<512x64xf32>
    %tanh3A = math.tanh %slice3A_61 : vector<512x64xf32>
    %slice3A_62 = vector.extract_strided_slice %add3A_48 {offsets = [0, 192], sizes = [512, 64], strides = [1, 1]} : vector<512x256xf32> to vector<512x64xf32>
    %logistic3A_63 = arith.negf %slice3A_62 : vector<512x64xf32>
    %logistic3A_64 = math.exp %logistic3A_63 : vector<512x64xf32>
    %logistic3A_65 = arith.constant 1.000000e+00 : f32
    %logistic3A_66 = vector.broadcast %logistic3A_65 : f32 to vector<512x64xf32>
    %logistic3A_67 = arith.addf %logistic3A_66, %logistic3A_64 : vector<512x64xf32>
    %logistic3A_68 = arith.divf %logistic3A_66, %logistic3A_67 : vector<512x64xf32>
    %mul3A_69 = arith.mulf %logistic3A_60, %broadcast_in_dim3A_2 : vector<512x64xf32>
    %mul3A_70 = arith.mulf %logistic3A_53, %tanh3A : vector<512x64xf32>
    %add3A_71 = arith.addf %mul3A_69, %mul3A_70 : vector<512x64xf32>
    %tanh3A_72 = math.tanh %add3A_71 : vector<512x64xf32>
    %mul3A_73 = arith.mulf %logistic3A_68, %tanh3A_72 : vector<512x64xf32>
    %get3A_74 = arith.constant 0 : index
    %get3A_75 = arith.constant 1 : index
    %get3A_76 = arith.constant 0 : index
    %get3A_77 = arith.constant 0 : index
    %get3A_78 = vector.load %arg2[%get3A_74, %get3A_75, %get3A_76, %get3A_77] : memref<1x8x512x144xf32, #tpu.memory_space<vmem>>, vector<1x1x512x128xf32>
    %get3A_79 = vector.shape_cast %get3A_78 : vector<1x1x512x128xf32> to vector<512x128xf32>
    %get3A_80 = arith.constant 0 : index
    %get3A_81 = arith.constant 1 : index
    %get3A_82 = arith.constant 0 : index
    %get3A_83 = arith.constant 128 : index
    %get3A_84 = vector.load %arg2[%get3A_80, %get3A_81, %get3A_82, %get3A_83] : memref<1x8x512x144xf32, #tpu.memory_space<vmem>>, vector<1x1x512x4xf32>
    %get3A_85 = vector.shape_cast %get3A_84 : vector<1x1x512x4xf32> to vector<512x4xf32>
    %eq3A_86 = arith.constant 0.000000e+00 : f32
    %eq3A_87 = vector.broadcast %eq3A_86 : f32 to vector<512x4xf32>
    %eq3A_88 = arith.cmpf oeq, %get3A_85, %eq3A_87 : vector<512x4xf32>
    %convert_element_type3A_89 = arith.extui %eq3A_88 : vector<512x4xi1> to vector<512x4xi32>
    %convert_element_type3A_90 = arith.sitofp %convert_element_type3A_89 : vector<512x4xi32> to vector<512x4xf32>
    %add3A_91 = arith.addf %get3A_85, %convert_element_type3A_90 : vector<512x4xf32>
    %div3A_92 = arith.constant 1.000000e+00 : f32
    %div3A_93 = vector.broadcast %div3A_92 : f32 to vector<512x4xf32>
    %div3A_94 = arith.divf %div3A_93, %add3A_91 : vector<512x4xf32>
    %get3A_95 = arith.constant 0 : index
    %get3A_96 = arith.constant 0 : index
    %get3A_97 = vector.load %arg4[%get3A_95, %get3A_96] : memref<4x128xf32, #tpu.memory_space<vmem>>, vector<4x128xf32>
    %dot_general3A_98 = arith.constant dense<0.000000e+00> : vector<512x128xf32>
    %dot_general3A_99 = tpu.matmul %div3A_94, %get3A_97, %dot_general3A_98 {dimension_numbers = #tpu.dot_dimension_numbers<[1], [0], [0], [1], [0, 0, 1, 1], [], []>, transpose_lhs_hint = false} : vector<512x4xf32>, vector<4x128xf32>, vector<512x128xf32> -> vector<512x128xf32>
    %mul3A_100 = arith.mulf %get3A_79, %dot_general3A_99 : vector<512x128xf32>
    %get3A_101 = arith.constant 0 : index
    %get3A_102 = arith.constant 0 : index
    %get3A_103 = vector.load %arg3[%get3A_101, %get3A_102] : memref<1x128xf32, #tpu.memory_space<vmem>>, vector<1x128xf32>
    %add3A_104 = vector.broadcast %get3A_103 : vector<1x128xf32> to vector<512x128xf32>
    %add3A_105 = arith.addf %mul3A_100, %add3A_104 : vector<512x128xf32>
    %get3A_106 = arith.constant 0 : index
    %get3A_107 = arith.constant 0 : index
    %get3A_108 = vector.load %arg5[%get3A_106, %get3A_107] : memref<128x256xf32, #tpu.memory_space<vmem>>, vector<128x256xf32>
    %dot_general3A_109 = arith.constant dense<0.000000e+00> : vector<512x256xf32>
    %dot_general3A_110 = tpu.matmul %add3A_105, %get3A_108, %dot_general3A_109 {dimension_numbers = #tpu.dot_dimension_numbers<[1], [0], [0], [1], [0, 0, 1, 1], [], []>, transpose_lhs_hint = false} : vector<512x128xf32>, vector<128x256xf32>, vector<512x256xf32> -> vector<512x256xf32>
    %get3A_111 = arith.constant 0 : index
    %get3A_112 = arith.constant 0 : index
    %get3A_113 = vector.load %arg6[%get3A_111, %get3A_112] : memref<64x256xf32, #tpu.memory_space<vmem>>, vector<64x256xf32>
    %dot_general3A_114 = arith.constant dense<0.000000e+00> : vector<512x256xf32>
    %dot_general3A_115 = tpu.matmul %mul3A_73, %get3A_113, %dot_general3A_114 {dimension_numbers = #tpu.dot_dimension_numbers<[1], [0], [0], [1], [0, 0, 1, 1], [], []>, transpose_lhs_hint = false} : vector<512x64xf32>, vector<64x256xf32>, vector<512x256xf32> -> vector<512x256xf32>
    %add3A_116 = arith.addf %dot_general3A_110, %dot_general3A_115 : vector<512x256xf32>
    %get3A_117 = arith.constant 0 : index
    %get3A_118 = arith.constant 0 : index
    %get3A_119 = vector.load %arg7[%get3A_117, %get3A_118] : memref<1x256xf32, #tpu.memory_space<vmem>>, vector<1x256xf32>
    %add3A_120 = vector.broadcast %get3A_119 : vector<1x256xf32> to vector<512x256xf32>
    %add3A_121 = arith.addf %add3A_116, %add3A_120 : vector<512x256xf32>
    %get3A_122 = arith.constant 0 : index
    %get3A_123 = arith.constant 0 : index
    %get3A_124 = vector.load %arg8[%get3A_122, %get3A_123] : memref<1x256xf32, #tpu.memory_space<vmem>>, vector<1x256xf32>
    %add3A_125 = vector.broadcast %get3A_124 : vector<1x256xf32> to vector<512x256xf32>
    %add3A_126 = arith.addf %add3A_121, %add3A_125 : vector<512x256xf32>
    %slice3A_127 = vector.extract_strided_slice %add3A_126 {offsets = [0, 0], sizes = [512, 64], strides = [1, 1]} : vector<512x256xf32> to vector<512x64xf32>
    %logistic3A_128 = arith.negf %slice3A_127 : vector<512x64xf32>
    %logistic3A_129 = math.exp %logistic3A_128 : vector<512x64xf32>
    %logistic3A_130 = arith.constant 1.000000e+00 : f32
    %logistic3A_131 = vector.broadcast %logistic3A_130 : f32 to vector<512x64xf32>
    %logistic3A_132 = arith.addf %logistic3A_131, %logistic3A_129 : vector<512x64xf32>
    %logistic3A_133 = arith.divf %logistic3A_131, %logistic3A_132 : vector<512x64xf32>
    %slice3A_134 = vector.extract_strided_slice %add3A_126 {offsets = [0, 64], sizes = [512, 64], strides = [1, 1]} : vector<512x256xf32> to vector<512x64xf32>
    %logistic3A_135 = arith.negf %slice3A_134 : vector<512x64xf32>
    %logistic3A_136 = math.exp %logistic3A_135 : vector<512x64xf32>
    %logistic3A_137 = arith.constant 1.000000e+00 : f32
    %logistic3A_138 = vector.broadcast %logistic3A_137 : f32 to vector<512x64xf32>
    %logistic3A_139 = arith.addf %logistic3A_138, %logistic3A_136 : vector<512x64xf32>
    %logistic3A_140 = arith.divf %logistic3A_138, %logistic3A_139 : vector<512x64xf32>
    %slice3A_141 = vector.extract_strided_slice %add3A_126 {offsets = [0, 128], sizes = [512, 64], strides = [1, 1]} : vector<512x256xf32> to vector<512x64xf32>
    %tanh3A_142 = math.tanh %slice3A_141 : vector<512x64xf32>
    %slice3A_143 = vector.extract_strided_slice %add3A_126 {offsets = [0, 192], sizes = [512, 64], strides = [1, 1]} : vector<512x256xf32> to vector<512x64xf32>
    %logistic3A_144 = arith.negf %slice3A_143 : vector<512x64xf32>
    %logistic3A_145 = math.exp %logistic3A_144 : vector<512x64xf32>
    %logistic3A_146 = arith.constant 1.000000e+00 : f32
    %logistic3A_147 = vector.broadcast %logistic3A_146 : f32 to vector<512x64xf32>
    %logistic3A_148 = arith.addf %logistic3A_147, %logistic3A_145 : vector<512x64xf32>
    %logistic3A_149 = arith.divf %logistic3A_147, %logistic3A_148 : vector<512x64xf32>
    %mul3A_150 = arith.mulf %logistic3A_140, %add3A_71 : vector<512x64xf32>
    %mul3A_151 = arith.mulf %logistic3A_133, %tanh3A_142 : vector<512x64xf32>
    %add3A_152 = arith.addf %mul3A_150, %mul3A_151 : vector<512x64xf32>
    %tanh3A_153 = math.tanh %add3A_152 : vector<512x64xf32>
    %mul3A_154 = arith.mulf %logistic3A_149, %tanh3A_153 : vector<512x64xf32>
    %get3A_155 = arith.constant 0 : index
    %get3A_156 = arith.constant 2 : index
    %get3A_157 = arith.constant 0 : index
    %get3A_158 = arith.constant 0 : index
    %get3A_159 = vector.load %arg2[%get3A_155, %get3A_156, %get3A_157, %get3A_158] : memref<1x8x512x144xf32, #tpu.memory_space<vmem>>, vector<1x1x512x128xf32>
    %get3A_160 = vector.shape_cast %get3A_159 : vector<1x1x512x128xf32> to vector<512x128xf32>
    %get3A_161 = arith.constant 0 : index
    %get3A_162 = arith.constant 2 : index
    %get3A_163 = arith.constant 0 : index
    %get3A_164 = arith.constant 128 : index
    %get3A_165 = vector.load %arg2[%get3A_161, %get3A_162, %get3A_163, %get3A_164] : memref<1x8x512x144xf32, #tpu.memory_space<vmem>>, vector<1x1x512x4xf32>
    %get3A_166 = vector.shape_cast %get3A_165 : vector<1x1x512x4xf32> to vector<512x4xf32>
    %eq3A_167 = arith.constant 0.000000e+00 : f32
    %eq3A_168 = vector.broadcast %eq3A_167 : f32 to vector<512x4xf32>
    %eq3A_169 = arith.cmpf oeq, %get3A_166, %eq3A_168 : vector<512x4xf32>
    %convert_element_type3A_170 = arith.extui %eq3A_169 : vector<512x4xi1> to vector<512x4xi32>
    %convert_element_type3A_171 = arith.sitofp %convert_element_type3A_170 : vector<512x4xi32> to vector<512x4xf32>
    %add3A_172 = arith.addf %get3A_166, %convert_element_type3A_171 : vector<512x4xf32>
    %div3A_173 = arith.constant 1.000000e+00 : f32
    %div3A_174 = vector.broadcast %div3A_173 : f32 to vector<512x4xf32>
    %div3A_175 = arith.divf %div3A_174, %add3A_172 : vector<512x4xf32>
    %get3A_176 = arith.constant 0 : index
    %get3A_177 = arith.constant 0 : index
    %get3A_178 = vector.load %arg4[%get3A_176, %get3A_177] : memref<4x128xf32, #tpu.memory_space<vmem>>, vector<4x128xf32>
    %dot_general3A_179 = arith.constant dense<0.000000e+00> : vector<512x128xf32>
    %dot_general3A_180 = tpu.matmul %div3A_175, %get3A_178, %dot_general3A_179 {dimension_numbers = #tpu.dot_dimension_numbers<[1], [0], [0], [1], [0, 0, 1, 1], [], []>, transpose_lhs_hint = false} : vector<512x4xf32>, vector<4x128xf32>, vector<512x128xf32> -> vector<512x128xf32>
    %mul3A_181 = arith.mulf %get3A_160, %dot_general3A_180 : vector<512x128xf32>
    %get3A_182 = arith.constant 0 : index
    %get3A_183 = arith.constant 0 : index
    %get3A_184 = vector.load %arg3[%get3A_182, %get3A_183] : memref<1x128xf32, #tpu.memory_space<vmem>>, vector<1x128xf32>
    %add3A_185 = vector.broadcast %get3A_184 : vector<1x128xf32> to vector<512x128xf32>
    %add3A_186 = arith.addf %mul3A_181, %add3A_185 : vector<512x128xf32>
    %get3A_187 = arith.constant 0 : index
    %get3A_188 = arith.constant 0 : index
    %get3A_189 = vector.load %arg5[%get3A_187, %get3A_188] : memref<128x256xf32, #tpu.memory_space<vmem>>, vector<128x256xf32>
    %dot_general3A_190 = arith.constant dense<0.000000e+00> : vector<512x256xf32>
    %dot_general3A_191 = tpu.matmul %add3A_186, %get3A_189, %dot_general3A_190 {dimension_numbers = #tpu.dot_dimension_numbers<[1], [0], [0], [1], [0, 0, 1, 1], [], []>, transpose_lhs_hint = false} : vector<512x128xf32>, vector<128x256xf32>, vector<512x256xf32> -> vector<512x256xf32>
    %get3A_192 = arith.constant 0 : index
    %get3A_193 = arith.constant 0 : index
    %get3A_194 = vector.load %arg6[%get3A_192, %get3A_193] : memref<64x256xf32, #tpu.memory_space<vmem>>, vector<64x256xf32>
    %dot_general3A_195 = arith.constant dense<0.000000e+00> : vector<512x256xf32>
    %dot_general3A_196 = tpu.matmul %mul3A_154, %get3A_194, %dot_general3A_195 {dimension_numbers = #tpu.dot_dimension_numbers<[1], [0], [0], [1], [0, 0, 1, 1], [], []>, transpose_lhs_hint = false} : vector<512x64xf32>, vector<64x256xf32>, vector<512x256xf32> -> vector<512x256xf32>
    %add3A_197 = arith.addf %dot_general3A_191, %dot_general3A_196 : vector<512x256xf32>
    %get3A_198 = arith.constant 0 : index
    %get3A_199 = arith.constant 0 : index
    %get3A_200 = vector.load %arg7[%get3A_198, %get3A_199] : memref<1x256xf32, #tpu.memory_space<vmem>>, vector<1x256xf32>
    %add3A_201 = vector.broadcast %get3A_200 : vector<1x256xf32> to vector<512x256xf32>
    %add3A_202 = arith.addf %add3A_197, %add3A_201 : vector<512x256xf32>
    %get3A_203 = arith.constant 0 : index
    %get3A_204 = arith.constant 0 : index
    %get3A_205 = vector.load %arg8[%get3A_203, %get3A_204] : memref<1x256xf32, #tpu.memory_space<vmem>>, vector<1x256xf32>
    %add3A_206 = vector.broadcast %get3A_205 : vector<1x256xf32> to vector<512x256xf32>
    %add3A_207 = arith.addf %add3A_202, %add3A_206 : vector<512x256xf32>
    %slice3A_208 = vector.extract_strided_slice %add3A_207 {offsets = [0, 0], sizes = [512, 64], strides = [1, 1]} : vector<512x256xf32> to vector<512x64xf32>
    %logistic3A_209 = arith.negf %slice3A_208 : vector<512x64xf32>
    %logistic3A_210 = math.exp %logistic3A_209 : vector<512x64xf32>
    %logistic3A_211 = arith.constant 1.000000e+00 : f32
    %logistic3A_212 = vector.broadcast %logistic3A_211 : f32 to vector<512x64xf32>
    %logistic3A_213 = arith.addf %logistic3A_212, %logistic3A_210 : vector<512x64xf32>
    %logistic3A_214 = arith.divf %logistic3A_212, %logistic3A_213 : vector<512x64xf32>
    %slice3A_215 = vector.extract_strided_slice %add3A_207 {offsets = [0, 64], sizes = [512, 64], strides = [1, 1]} : vector<512x256xf32> to vector<512x64xf32>
    %logistic3A_216 = arith.negf %slice3A_215 : vector<512x64xf32>
    %logistic3A_217 = math.exp %logistic3A_216 : vector<512x64xf32>
    %logistic3A_218 = arith.constant 1.000000e+00 : f32
    %logistic3A_219 = vector.broadcast %logistic3A_218 : f32 to vector<512x64xf32>
    %logistic3A_220 = arith.addf %logistic3A_219, %logistic3A_217 : vector<512x64xf32>
    %logistic3A_221 = arith.divf %logistic3A_219, %logistic3A_220 : vector<512x64xf32>
    %slice3A_222 = vector.extract_strided_slice %add3A_207 {offsets = [0, 128], sizes = [512, 64], strides = [1, 1]} : vector<512x256xf32> to vector<512x64xf32>
    %tanh3A_223 = math.tanh %slice3A_222 : vector<512x64xf32>
    %slice3A_224 = vector.extract_strided_slice %add3A_207 {offsets = [0, 192], sizes = [512, 64], strides = [1, 1]} : vector<512x256xf32> to vector<512x64xf32>
    %logistic3A_225 = arith.negf %slice3A_224 : vector<512x64xf32>
    %logistic3A_226 = math.exp %logistic3A_225 : vector<512x64xf32>
    %logistic3A_227 = arith.constant 1.000000e+00 : f32
    %logistic3A_228 = vector.broadcast %logistic3A_227 : f32 to vector<512x64xf32>
    %logistic3A_229 = arith.addf %logistic3A_228, %logistic3A_226 : vector<512x64xf32>
    %logistic3A_230 = arith.divf %logistic3A_228, %logistic3A_229 : vector<512x64xf32>
    %mul3A_231 = arith.mulf %logistic3A_221, %add3A_152 : vector<512x64xf32>
    %mul3A_232 = arith.mulf %logistic3A_214, %tanh3A_223 : vector<512x64xf32>
    %add3A_233 = arith.addf %mul3A_231, %mul3A_232 : vector<512x64xf32>
    %tanh3A_234 = math.tanh %add3A_233 : vector<512x64xf32>
    %mul3A_235 = arith.mulf %logistic3A_230, %tanh3A_234 : vector<512x64xf32>
    %get3A_236 = arith.constant 0 : index
    %get3A_237 = arith.constant 3 : index
    %get3A_238 = arith.constant 0 : index
    %get3A_239 = arith.constant 0 : index
    %get3A_240 = vector.load %arg2[%get3A_236, %get3A_237, %get3A_238, %get3A_239] : memref<1x8x512x144xf32, #tpu.memory_space<vmem>>, vector<1x1x512x128xf32>
    %get3A_241 = vector.shape_cast %get3A_240 : vector<1x1x512x128xf32> to vector<512x128xf32>
    %get3A_242 = arith.constant 0 : index
    %get3A_243 = arith.constant 3 : index
    %get3A_244 = arith.constant 0 : index
    %get3A_245 = arith.constant 128 : index
    %get3A_246 = vector.load %arg2[%get3A_242, %get3A_243, %get3A_244, %get3A_245] : memref<1x8x512x144xf32, #tpu.memory_space<vmem>>, vector<1x1x512x4xf32>
    %get3A_247 = vector.shape_cast %get3A_246 : vector<1x1x512x4xf32> to vector<512x4xf32>
    %eq3A_248 = arith.constant 0.000000e+00 : f32
    %eq3A_249 = vector.broadcast %eq3A_248 : f32 to vector<512x4xf32>
    %eq3A_250 = arith.cmpf oeq, %get3A_247, %eq3A_249 : vector<512x4xf32>
    %convert_element_type3A_251 = arith.extui %eq3A_250 : vector<512x4xi1> to vector<512x4xi32>
    %convert_element_type3A_252 = arith.sitofp %convert_element_type3A_251 : vector<512x4xi32> to vector<512x4xf32>
    %add3A_253 = arith.addf %get3A_247, %convert_element_type3A_252 : vector<512x4xf32>
    %div3A_254 = arith.constant 1.000000e+00 : f32
    %div3A_255 = vector.broadcast %div3A_254 : f32 to vector<512x4xf32>
    %div3A_256 = arith.divf %div3A_255, %add3A_253 : vector<512x4xf32>
    %get3A_257 = arith.constant 0 : index
    %get3A_258 = arith.constant 0 : index
    %get3A_259 = vector.load %arg4[%get3A_257, %get3A_258] : memref<4x128xf32, #tpu.memory_space<vmem>>, vector<4x128xf32>
    %dot_general3A_260 = arith.constant dense<0.000000e+00> : vector<512x128xf32>
    %dot_general3A_261 = tpu.matmul %div3A_256, %get3A_259, %dot_general3A_260 {dimension_numbers = #tpu.dot_dimension_numbers<[1], [0], [0], [1], [0, 0, 1, 1], [], []>, transpose_lhs_hint = false} : vector<512x4xf32>, vector<4x128xf32>, vector<512x128xf32> -> vector<512x128xf32>
    %mul3A_262 = arith.mulf %get3A_241, %dot_general3A_261 : vector<512x128xf32>
    %get3A_263 = arith.constant 0 : index
    %get3A_264 = arith.constant 0 : index
    %get3A_265 = vector.load %arg3[%get3A_263, %get3A_264] : memref<1x128xf32, #tpu.memory_space<vmem>>, vector<1x128xf32>
    %add3A_266 = vector.broadcast %get3A_265 : vector<1x128xf32> to vector<512x128xf32>
    %add3A_267 = arith.addf %mul3A_262, %add3A_266 : vector<512x128xf32>
    %get3A_268 = arith.constant 0 : index
    %get3A_269 = arith.constant 0 : index
    %get3A_270 = vector.load %arg5[%get3A_268, %get3A_269] : memref<128x256xf32, #tpu.memory_space<vmem>>, vector<128x256xf32>
    %dot_general3A_271 = arith.constant dense<0.000000e+00> : vector<512x256xf32>
    %dot_general3A_272 = tpu.matmul %add3A_267, %get3A_270, %dot_general3A_271 {dimension_numbers = #tpu.dot_dimension_numbers<[1], [0], [0], [1], [0, 0, 1, 1], [], []>, transpose_lhs_hint = false} : vector<512x128xf32>, vector<128x256xf32>, vector<512x256xf32> -> vector<512x256xf32>
    %get3A_273 = arith.constant 0 : index
    %get3A_274 = arith.constant 0 : index
    %get3A_275 = vector.load %arg6[%get3A_273, %get3A_274] : memref<64x256xf32, #tpu.memory_space<vmem>>, vector<64x256xf32>
    %dot_general3A_276 = arith.constant dense<0.000000e+00> : vector<512x256xf32>
    %dot_general3A_277 = tpu.matmul %mul3A_235, %get3A_275, %dot_general3A_276 {dimension_numbers = #tpu.dot_dimension_numbers<[1], [0], [0], [1], [0, 0, 1, 1], [], []>, transpose_lhs_hint = false} : vector<512x64xf32>, vector<64x256xf32>, vector<512x256xf32> -> vector<512x256xf32>
    %add3A_278 = arith.addf %dot_general3A_272, %dot_general3A_277 : vector<512x256xf32>
    %get3A_279 = arith.constant 0 : index
    %get3A_280 = arith.constant 0 : index
    %get3A_281 = vector.load %arg7[%get3A_279, %get3A_280] : memref<1x256xf32, #tpu.memory_space<vmem>>, vector<1x256xf32>
    %add3A_282 = vector.broadcast %get3A_281 : vector<1x256xf32> to vector<512x256xf32>
    %add3A_283 = arith.addf %add3A_278, %add3A_282 : vector<512x256xf32>
    %get3A_284 = arith.constant 0 : index
    %get3A_285 = arith.constant 0 : index
    %get3A_286 = vector.load %arg8[%get3A_284, %get3A_285] : memref<1x256xf32, #tpu.memory_space<vmem>>, vector<1x256xf32>
    %add3A_287 = vector.broadcast %get3A_286 : vector<1x256xf32> to vector<512x256xf32>
    %add3A_288 = arith.addf %add3A_283, %add3A_287 : vector<512x256xf32>
    %slice3A_289 = vector.extract_strided_slice %add3A_288 {offsets = [0, 0], sizes = [512, 64], strides = [1, 1]} : vector<512x256xf32> to vector<512x64xf32>
    %logistic3A_290 = arith.negf %slice3A_289 : vector<512x64xf32>
    %logistic3A_291 = math.exp %logistic3A_290 : vector<512x64xf32>
    %logistic3A_292 = arith.constant 1.000000e+00 : f32
    %logistic3A_293 = vector.broadcast %logistic3A_292 : f32 to vector<512x64xf32>
    %logistic3A_294 = arith.addf %logistic3A_293, %logistic3A_291 : vector<512x64xf32>
    %logistic3A_295 = arith.divf %logistic3A_293, %logistic3A_294 : vector<512x64xf32>
    %slice3A_296 = vector.extract_strided_slice %add3A_288 {offsets = [0, 64], sizes = [512, 64], strides = [1, 1]} : vector<512x256xf32> to vector<512x64xf32>
    %logistic3A_297 = arith.negf %slice3A_296 : vector<512x64xf32>
    %logistic3A_298 = math.exp %logistic3A_297 : vector<512x64xf32>
    %logistic3A_299 = arith.constant 1.000000e+00 : f32
    %logistic3A_300 = vector.broadcast %logistic3A_299 : f32 to vector<512x64xf32>
    %logistic3A_301 = arith.addf %logistic3A_300, %logistic3A_298 : vector<512x64xf32>
    %logistic3A_302 = arith.divf %logistic3A_300, %logistic3A_301 : vector<512x64xf32>
    %slice3A_303 = vector.extract_strided_slice %add3A_288 {offsets = [0, 128], sizes = [512, 64], strides = [1, 1]} : vector<512x256xf32> to vector<512x64xf32>
    %tanh3A_304 = math.tanh %slice3A_303 : vector<512x64xf32>
    %slice3A_305 = vector.extract_strided_slice %add3A_288 {offsets = [0, 192], sizes = [512, 64], strides = [1, 1]} : vector<512x256xf32> to vector<512x64xf32>
    %logistic3A_306 = arith.negf %slice3A_305 : vector<512x64xf32>
    %logistic3A_307 = math.exp %logistic3A_306 : vector<512x64xf32>
    %logistic3A_308 = arith.constant 1.000000e+00 : f32
    %logistic3A_309 = vector.broadcast %logistic3A_308 : f32 to vector<512x64xf32>
    %logistic3A_310 = arith.addf %logistic3A_309, %logistic3A_307 : vector<512x64xf32>
    %logistic3A_311 = arith.divf %logistic3A_309, %logistic3A_310 : vector<512x64xf32>
    %mul3A_312 = arith.mulf %logistic3A_302, %add3A_233 : vector<512x64xf32>
    %mul3A_313 = arith.mulf %logistic3A_295, %tanh3A_304 : vector<512x64xf32>
    %add3A_314 = arith.addf %mul3A_312, %mul3A_313 : vector<512x64xf32>
    %tanh3A_315 = math.tanh %add3A_314 : vector<512x64xf32>
    %mul3A_316 = arith.mulf %logistic3A_311, %tanh3A_315 : vector<512x64xf32>
    %get3A_317 = arith.constant 0 : index
    %get3A_318 = arith.constant 4 : index
    %get3A_319 = arith.constant 0 : index
    %get3A_320 = arith.constant 0 : index
    %get3A_321 = vector.load %arg2[%get3A_317, %get3A_318, %get3A_319, %get3A_320] : memref<1x8x512x144xf32, #tpu.memory_space<vmem>>, vector<1x1x512x128xf32>
    %get3A_322 = vector.shape_cast %get3A_321 : vector<1x1x512x128xf32> to vector<512x128xf32>
    %get3A_323 = arith.constant 0 : index
    %get3A_324 = arith.constant 4 : index
    %get3A_325 = arith.constant 0 : index
    %get3A_326 = arith.constant 128 : index
    %get3A_327 = vector.load %arg2[%get3A_323, %get3A_324, %get3A_325, %get3A_326] : memref<1x8x512x144xf32, #tpu.memory_space<vmem>>, vector<1x1x512x4xf32>
    %get3A_328 = vector.shape_cast %get3A_327 : vector<1x1x512x4xf32> to vector<512x4xf32>
    %eq3A_329 = arith.constant 0.000000e+00 : f32
    %eq3A_330 = vector.broadcast %eq3A_329 : f32 to vector<512x4xf32>
    %eq3A_331 = arith.cmpf oeq, %get3A_328, %eq3A_330 : vector<512x4xf32>
    %convert_element_type3A_332 = arith.extui %eq3A_331 : vector<512x4xi1> to vector<512x4xi32>
    %convert_element_type3A_333 = arith.sitofp %convert_element_type3A_332 : vector<512x4xi32> to vector<512x4xf32>
    %add3A_334 = arith.addf %get3A_328, %convert_element_type3A_333 : vector<512x4xf32>
    %div3A_335 = arith.constant 1.000000e+00 : f32
    %div3A_336 = vector.broadcast %div3A_335 : f32 to vector<512x4xf32>
    %div3A_337 = arith.divf %div3A_336, %add3A_334 : vector<512x4xf32>
    %get3A_338 = arith.constant 0 : index
    %get3A_339 = arith.constant 0 : index
    %get3A_340 = vector.load %arg4[%get3A_338, %get3A_339] : memref<4x128xf32, #tpu.memory_space<vmem>>, vector<4x128xf32>
    %dot_general3A_341 = arith.constant dense<0.000000e+00> : vector<512x128xf32>
    %dot_general3A_342 = tpu.matmul %div3A_337, %get3A_340, %dot_general3A_341 {dimension_numbers = #tpu.dot_dimension_numbers<[1], [0], [0], [1], [0, 0, 1, 1], [], []>, transpose_lhs_hint = false} : vector<512x4xf32>, vector<4x128xf32>, vector<512x128xf32> -> vector<512x128xf32>
    %mul3A_343 = arith.mulf %get3A_322, %dot_general3A_342 : vector<512x128xf32>
    %get3A_344 = arith.constant 0 : index
    %get3A_345 = arith.constant 0 : index
    %get3A_346 = vector.load %arg3[%get3A_344, %get3A_345] : memref<1x128xf32, #tpu.memory_space<vmem>>, vector<1x128xf32>
    %add3A_347 = vector.broadcast %get3A_346 : vector<1x128xf32> to vector<512x128xf32>
    %add3A_348 = arith.addf %mul3A_343, %add3A_347 : vector<512x128xf32>
    %get3A_349 = arith.constant 0 : index
    %get3A_350 = arith.constant 0 : index
    %get3A_351 = vector.load %arg5[%get3A_349, %get3A_350] : memref<128x256xf32, #tpu.memory_space<vmem>>, vector<128x256xf32>
    %dot_general3A_352 = arith.constant dense<0.000000e+00> : vector<512x256xf32>
    %dot_general3A_353 = tpu.matmul %add3A_348, %get3A_351, %dot_general3A_352 {dimension_numbers = #tpu.dot_dimension_numbers<[1], [0], [0], [1], [0, 0, 1, 1], [], []>, transpose_lhs_hint = false} : vector<512x128xf32>, vector<128x256xf32>, vector<512x256xf32> -> vector<512x256xf32>
    %get3A_354 = arith.constant 0 : index
    %get3A_355 = arith.constant 0 : index
    %get3A_356 = vector.load %arg6[%get3A_354, %get3A_355] : memref<64x256xf32, #tpu.memory_space<vmem>>, vector<64x256xf32>
    %dot_general3A_357 = arith.constant dense<0.000000e+00> : vector<512x256xf32>
    %dot_general3A_358 = tpu.matmul %mul3A_316, %get3A_356, %dot_general3A_357 {dimension_numbers = #tpu.dot_dimension_numbers<[1], [0], [0], [1], [0, 0, 1, 1], [], []>, transpose_lhs_hint = false} : vector<512x64xf32>, vector<64x256xf32>, vector<512x256xf32> -> vector<512x256xf32>
    %add3A_359 = arith.addf %dot_general3A_353, %dot_general3A_358 : vector<512x256xf32>
    %get3A_360 = arith.constant 0 : index
    %get3A_361 = arith.constant 0 : index
    %get3A_362 = vector.load %arg7[%get3A_360, %get3A_361] : memref<1x256xf32, #tpu.memory_space<vmem>>, vector<1x256xf32>
    %add3A_363 = vector.broadcast %get3A_362 : vector<1x256xf32> to vector<512x256xf32>
    %add3A_364 = arith.addf %add3A_359, %add3A_363 : vector<512x256xf32>
    %get3A_365 = arith.constant 0 : index
    %get3A_366 = arith.constant 0 : index
    %get3A_367 = vector.load %arg8[%get3A_365, %get3A_366] : memref<1x256xf32, #tpu.memory_space<vmem>>, vector<1x256xf32>
    %add3A_368 = vector.broadcast %get3A_367 : vector<1x256xf32> to vector<512x256xf32>
    %add3A_369 = arith.addf %add3A_364, %add3A_368 : vector<512x256xf32>
    %slice3A_370 = vector.extract_strided_slice %add3A_369 {offsets = [0, 0], sizes = [512, 64], strides = [1, 1]} : vector<512x256xf32> to vector<512x64xf32>
    %logistic3A_371 = arith.negf %slice3A_370 : vector<512x64xf32>
    %logistic3A_372 = math.exp %logistic3A_371 : vector<512x64xf32>
    %logistic3A_373 = arith.constant 1.000000e+00 : f32
    %logistic3A_374 = vector.broadcast %logistic3A_373 : f32 to vector<512x64xf32>
    %logistic3A_375 = arith.addf %logistic3A_374, %logistic3A_372 : vector<512x64xf32>
    %logistic3A_376 = arith.divf %logistic3A_374, %logistic3A_375 : vector<512x64xf32>
    %slice3A_377 = vector.extract_strided_slice %add3A_369 {offsets = [0, 64], sizes = [512, 64], strides = [1, 1]} : vector<512x256xf32> to vector<512x64xf32>
    %logistic3A_378 = arith.negf %slice3A_377 : vector<512x64xf32>
    %logistic3A_379 = math.exp %logistic3A_378 : vector<512x64xf32>
    %logistic3A_380 = arith.constant 1.000000e+00 : f32
    %logistic3A_381 = vector.broadcast %logistic3A_380 : f32 to vector<512x64xf32>
    %logistic3A_382 = arith.addf %logistic3A_381, %logistic3A_379 : vector<512x64xf32>
    %logistic3A_383 = arith.divf %logistic3A_381, %logistic3A_382 : vector<512x64xf32>
    %slice3A_384 = vector.extract_strided_slice %add3A_369 {offsets = [0, 128], sizes = [512, 64], strides = [1, 1]} : vector<512x256xf32> to vector<512x64xf32>
    %tanh3A_385 = math.tanh %slice3A_384 : vector<512x64xf32>
    %slice3A_386 = vector.extract_strided_slice %add3A_369 {offsets = [0, 192], sizes = [512, 64], strides = [1, 1]} : vector<512x256xf32> to vector<512x64xf32>
    %logistic3A_387 = arith.negf %slice3A_386 : vector<512x64xf32>
    %logistic3A_388 = math.exp %logistic3A_387 : vector<512x64xf32>
    %logistic3A_389 = arith.constant 1.000000e+00 : f32
    %logistic3A_390 = vector.broadcast %logistic3A_389 : f32 to vector<512x64xf32>
    %logistic3A_391 = arith.addf %logistic3A_390, %logistic3A_388 : vector<512x64xf32>
    %logistic3A_392 = arith.divf %logistic3A_390, %logistic3A_391 : vector<512x64xf32>
    %mul3A_393 = arith.mulf %logistic3A_383, %add3A_314 : vector<512x64xf32>
    %mul3A_394 = arith.mulf %logistic3A_376, %tanh3A_385 : vector<512x64xf32>
    %add3A_395 = arith.addf %mul3A_393, %mul3A_394 : vector<512x64xf32>
    %tanh3A_396 = math.tanh %add3A_395 : vector<512x64xf32>
    %mul3A_397 = arith.mulf %logistic3A_392, %tanh3A_396 : vector<512x64xf32>
    %get3A_398 = arith.constant 0 : index
    %get3A_399 = arith.constant 5 : index
    %get3A_400 = arith.constant 0 : index
    %get3A_401 = arith.constant 0 : index
    %get3A_402 = vector.load %arg2[%get3A_398, %get3A_399, %get3A_400, %get3A_401] : memref<1x8x512x144xf32, #tpu.memory_space<vmem>>, vector<1x1x512x128xf32>
    %get3A_403 = vector.shape_cast %get3A_402 : vector<1x1x512x128xf32> to vector<512x128xf32>
    %get3A_404 = arith.constant 0 : index
    %get3A_405 = arith.constant 5 : index
    %get3A_406 = arith.constant 0 : index
    %get3A_407 = arith.constant 128 : index
    %get3A_408 = vector.load %arg2[%get3A_404, %get3A_405, %get3A_406, %get3A_407] : memref<1x8x512x144xf32, #tpu.memory_space<vmem>>, vector<1x1x512x4xf32>
    %get3A_409 = vector.shape_cast %get3A_408 : vector<1x1x512x4xf32> to vector<512x4xf32>
    %eq3A_410 = arith.constant 0.000000e+00 : f32
    %eq3A_411 = vector.broadcast %eq3A_410 : f32 to vector<512x4xf32>
    %eq3A_412 = arith.cmpf oeq, %get3A_409, %eq3A_411 : vector<512x4xf32>
    %convert_element_type3A_413 = arith.extui %eq3A_412 : vector<512x4xi1> to vector<512x4xi32>
    %convert_element_type3A_414 = arith.sitofp %convert_element_type3A_413 : vector<512x4xi32> to vector<512x4xf32>
    %add3A_415 = arith.addf %get3A_409, %convert_element_type3A_414 : vector<512x4xf32>
    %div3A_416 = arith.constant 1.000000e+00 : f32
    %div3A_417 = vector.broadcast %div3A_416 : f32 to vector<512x4xf32>
    %div3A_418 = arith.divf %div3A_417, %add3A_415 : vector<512x4xf32>
    %get3A_419 = arith.constant 0 : index
    %get3A_420 = arith.constant 0 : index
    %get3A_421 = vector.load %arg4[%get3A_419, %get3A_420] : memref<4x128xf32, #tpu.memory_space<vmem>>, vector<4x128xf32>
    %dot_general3A_422 = arith.constant dense<0.000000e+00> : vector<512x128xf32>
    %dot_general3A_423 = tpu.matmul %div3A_418, %get3A_421, %dot_general3A_422 {dimension_numbers = #tpu.dot_dimension_numbers<[1], [0], [0], [1], [0, 0, 1, 1], [], []>, transpose_lhs_hint = false} : vector<512x4xf32>, vector<4x128xf32>, vector<512x128xf32> -> vector<512x128xf32>
    %mul3A_424 = arith.mulf %get3A_403, %dot_general3A_423 : vector<512x128xf32>
    %get3A_425 = arith.constant 0 : index
    %get3A_426 = arith.constant 0 : index
    %get3A_427 = vector.load %arg3[%get3A_425, %get3A_426] : memref<1x128xf32, #tpu.memory_space<vmem>>, vector<1x128xf32>
    %add3A_428 = vector.broadcast %get3A_427 : vector<1x128xf32> to vector<512x128xf32>
    %add3A_429 = arith.addf %mul3A_424, %add3A_428 : vector<512x128xf32>
    %get3A_430 = arith.constant 0 : index
    %get3A_431 = arith.constant 0 : index
    %get3A_432 = vector.load %arg5[%get3A_430, %get3A_431] : memref<128x256xf32, #tpu.memory_space<vmem>>, vector<128x256xf32>
    %dot_general3A_433 = arith.constant dense<0.000000e+00> : vector<512x256xf32>
    %dot_general3A_434 = tpu.matmul %add3A_429, %get3A_432, %dot_general3A_433 {dimension_numbers = #tpu.dot_dimension_numbers<[1], [0], [0], [1], [0, 0, 1, 1], [], []>, transpose_lhs_hint = false} : vector<512x128xf32>, vector<128x256xf32>, vector<512x256xf32> -> vector<512x256xf32>
    %get3A_435 = arith.constant 0 : index
    %get3A_436 = arith.constant 0 : index
    %get3A_437 = vector.load %arg6[%get3A_435, %get3A_436] : memref<64x256xf32, #tpu.memory_space<vmem>>, vector<64x256xf32>
    %dot_general3A_438 = arith.constant dense<0.000000e+00> : vector<512x256xf32>
    %dot_general3A_439 = tpu.matmul %mul3A_397, %get3A_437, %dot_general3A_438 {dimension_numbers = #tpu.dot_dimension_numbers<[1], [0], [0], [1], [0, 0, 1, 1], [], []>, transpose_lhs_hint = false} : vector<512x64xf32>, vector<64x256xf32>, vector<512x256xf32> -> vector<512x256xf32>
    %add3A_440 = arith.addf %dot_general3A_434, %dot_general3A_439 : vector<512x256xf32>
    %get3A_441 = arith.constant 0 : index
    %get3A_442 = arith.constant 0 : index
    %get3A_443 = vector.load %arg7[%get3A_441, %get3A_442] : memref<1x256xf32, #tpu.memory_space<vmem>>, vector<1x256xf32>
    %add3A_444 = vector.broadcast %get3A_443 : vector<1x256xf32> to vector<512x256xf32>
    %add3A_445 = arith.addf %add3A_440, %add3A_444 : vector<512x256xf32>
    %get3A_446 = arith.constant 0 : index
    %get3A_447 = arith.constant 0 : index
    %get3A_448 = vector.load %arg8[%get3A_446, %get3A_447] : memref<1x256xf32, #tpu.memory_space<vmem>>, vector<1x256xf32>
    %add3A_449 = vector.broadcast %get3A_448 : vector<1x256xf32> to vector<512x256xf32>
    %add3A_450 = arith.addf %add3A_445, %add3A_449 : vector<512x256xf32>
    %slice3A_451 = vector.extract_strided_slice %add3A_450 {offsets = [0, 0], sizes = [512, 64], strides = [1, 1]} : vector<512x256xf32> to vector<512x64xf32>
    %logistic3A_452 = arith.negf %slice3A_451 : vector<512x64xf32>
    %logistic3A_453 = math.exp %logistic3A_452 : vector<512x64xf32>
    %logistic3A_454 = arith.constant 1.000000e+00 : f32
    %logistic3A_455 = vector.broadcast %logistic3A_454 : f32 to vector<512x64xf32>
    %logistic3A_456 = arith.addf %logistic3A_455, %logistic3A_453 : vector<512x64xf32>
    %logistic3A_457 = arith.divf %logistic3A_455, %logistic3A_456 : vector<512x64xf32>
    %slice3A_458 = vector.extract_strided_slice %add3A_450 {offsets = [0, 64], sizes = [512, 64], strides = [1, 1]} : vector<512x256xf32> to vector<512x64xf32>
    %logistic3A_459 = arith.negf %slice3A_458 : vector<512x64xf32>
    %logistic3A_460 = math.exp %logistic3A_459 : vector<512x64xf32>
    %logistic3A_461 = arith.constant 1.000000e+00 : f32
    %logistic3A_462 = vector.broadcast %logistic3A_461 : f32 to vector<512x64xf32>
    %logistic3A_463 = arith.addf %logistic3A_462, %logistic3A_460 : vector<512x64xf32>
    %logistic3A_464 = arith.divf %logistic3A_462, %logistic3A_463 : vector<512x64xf32>
    %slice3A_465 = vector.extract_strided_slice %add3A_450 {offsets = [0, 128], sizes = [512, 64], strides = [1, 1]} : vector<512x256xf32> to vector<512x64xf32>
    %tanh3A_466 = math.tanh %slice3A_465 : vector<512x64xf32>
    %slice3A_467 = vector.extract_strided_slice %add3A_450 {offsets = [0, 192], sizes = [512, 64], strides = [1, 1]} : vector<512x256xf32> to vector<512x64xf32>
    %logistic3A_468 = arith.negf %slice3A_467 : vector<512x64xf32>
    %logistic3A_469 = math.exp %logistic3A_468 : vector<512x64xf32>
    %logistic3A_470 = arith.constant 1.000000e+00 : f32
    %logistic3A_471 = vector.broadcast %logistic3A_470 : f32 to vector<512x64xf32>
    %logistic3A_472 = arith.addf %logistic3A_471, %logistic3A_469 : vector<512x64xf32>
    %logistic3A_473 = arith.divf %logistic3A_471, %logistic3A_472 : vector<512x64xf32>
    %mul3A_474 = arith.mulf %logistic3A_464, %add3A_395 : vector<512x64xf32>
    %mul3A_475 = arith.mulf %logistic3A_457, %tanh3A_466 : vector<512x64xf32>
    %add3A_476 = arith.addf %mul3A_474, %mul3A_475 : vector<512x64xf32>
    %tanh3A_477 = math.tanh %add3A_476 : vector<512x64xf32>
    %mul3A_478 = arith.mulf %logistic3A_473, %tanh3A_477 : vector<512x64xf32>
    %get3A_479 = arith.constant 0 : index
    %get3A_480 = arith.constant 6 : index
    %get3A_481 = arith.constant 0 : index
    %get3A_482 = arith.constant 0 : index
    %get3A_483 = vector.load %arg2[%get3A_479, %get3A_480, %get3A_481, %get3A_482] : memref<1x8x512x144xf32, #tpu.memory_space<vmem>>, vector<1x1x512x128xf32>
    %get3A_484 = vector.shape_cast %get3A_483 : vector<1x1x512x128xf32> to vector<512x128xf32>
    %get3A_485 = arith.constant 0 : index
    %get3A_486 = arith.constant 6 : index
    %get3A_487 = arith.constant 0 : index
    %get3A_488 = arith.constant 128 : index
    %get3A_489 = vector.load %arg2[%get3A_485, %get3A_486, %get3A_487, %get3A_488] : memref<1x8x512x144xf32, #tpu.memory_space<vmem>>, vector<1x1x512x4xf32>
    %get3A_490 = vector.shape_cast %get3A_489 : vector<1x1x512x4xf32> to vector<512x4xf32>
    %eq3A_491 = arith.constant 0.000000e+00 : f32
    %eq3A_492 = vector.broadcast %eq3A_491 : f32 to vector<512x4xf32>
    %eq3A_493 = arith.cmpf oeq, %get3A_490, %eq3A_492 : vector<512x4xf32>
    %convert_element_type3A_494 = arith.extui %eq3A_493 : vector<512x4xi1> to vector<512x4xi32>
    %convert_element_type3A_495 = arith.sitofp %convert_element_type3A_494 : vector<512x4xi32> to vector<512x4xf32>
    %add3A_496 = arith.addf %get3A_490, %convert_element_type3A_495 : vector<512x4xf32>
    %div3A_497 = arith.constant 1.000000e+00 : f32
    %div3A_498 = vector.broadcast %div3A_497 : f32 to vector<512x4xf32>
    %div3A_499 = arith.divf %div3A_498, %add3A_496 : vector<512x4xf32>
    %get3A_500 = arith.constant 0 : index
    %get3A_501 = arith.constant 0 : index
    %get3A_502 = vector.load %arg4[%get3A_500, %get3A_501] : memref<4x128xf32, #tpu.memory_space<vmem>>, vector<4x128xf32>
    %dot_general3A_503 = arith.constant dense<0.000000e+00> : vector<512x128xf32>
    %dot_general3A_504 = tpu.matmul %div3A_499, %get3A_502, %dot_general3A_503 {dimension_numbers = #tpu.dot_dimension_numbers<[1], [0], [0], [1], [0, 0, 1, 1], [], []>, transpose_lhs_hint = false} : vector<512x4xf32>, vector<4x128xf32>, vector<512x128xf32> -> vector<512x128xf32>
    %mul3A_505 = arith.mulf %get3A_484, %dot_general3A_504 : vector<512x128xf32>
    %get3A_506 = arith.constant 0 : index
    %get3A_507 = arith.constant 0 : index
    %get3A_508 = vector.load %arg3[%get3A_506, %get3A_507] : memref<1x128xf32, #tpu.memory_space<vmem>>, vector<1x128xf32>
    %add3A_509 = vector.broadcast %get3A_508 : vector<1x128xf32> to vector<512x128xf32>
    %add3A_510 = arith.addf %mul3A_505, %add3A_509 : vector<512x128xf32>
    %get3A_511 = arith.constant 0 : index
    %get3A_512 = arith.constant 0 : index
    %get3A_513 = vector.load %arg5[%get3A_511, %get3A_512] : memref<128x256xf32, #tpu.memory_space<vmem>>, vector<128x256xf32>
    %dot_general3A_514 = arith.constant dense<0.000000e+00> : vector<512x256xf32>
    %dot_general3A_515 = tpu.matmul %add3A_510, %get3A_513, %dot_general3A_514 {dimension_numbers = #tpu.dot_dimension_numbers<[1], [0], [0], [1], [0, 0, 1, 1], [], []>, transpose_lhs_hint = false} : vector<512x128xf32>, vector<128x256xf32>, vector<512x256xf32> -> vector<512x256xf32>
    %get3A_516 = arith.constant 0 : index
    %get3A_517 = arith.constant 0 : index
    %get3A_518 = vector.load %arg6[%get3A_516, %get3A_517] : memref<64x256xf32, #tpu.memory_space<vmem>>, vector<64x256xf32>
    %dot_general3A_519 = arith.constant dense<0.000000e+00> : vector<512x256xf32>
    %dot_general3A_520 = tpu.matmul %mul3A_478, %get3A_518, %dot_general3A_519 {dimension_numbers = #tpu.dot_dimension_numbers<[1], [0], [0], [1], [0, 0, 1, 1], [], []>, transpose_lhs_hint = false} : vector<512x64xf32>, vector<64x256xf32>, vector<512x256xf32> -> vector<512x256xf32>
    %add3A_521 = arith.addf %dot_general3A_515, %dot_general3A_520 : vector<512x256xf32>
    %get3A_522 = arith.constant 0 : index
    %get3A_523 = arith.constant 0 : index
    %get3A_524 = vector.load %arg7[%get3A_522, %get3A_523] : memref<1x256xf32, #tpu.memory_space<vmem>>, vector<1x256xf32>
    %add3A_525 = vector.broadcast %get3A_524 : vector<1x256xf32> to vector<512x256xf32>
    %add3A_526 = arith.addf %add3A_521, %add3A_525 : vector<512x256xf32>
    %get3A_527 = arith.constant 0 : index
    %get3A_528 = arith.constant 0 : index
    %get3A_529 = vector.load %arg8[%get3A_527, %get3A_528] : memref<1x256xf32, #tpu.memory_space<vmem>>, vector<1x256xf32>
    %add3A_530 = vector.broadcast %get3A_529 : vector<1x256xf32> to vector<512x256xf32>
    %add3A_531 = arith.addf %add3A_526, %add3A_530 : vector<512x256xf32>
    %slice3A_532 = vector.extract_strided_slice %add3A_531 {offsets = [0, 0], sizes = [512, 64], strides = [1, 1]} : vector<512x256xf32> to vector<512x64xf32>
    %logistic3A_533 = arith.negf %slice3A_532 : vector<512x64xf32>
    %logistic3A_534 = math.exp %logistic3A_533 : vector<512x64xf32>
    %logistic3A_535 = arith.constant 1.000000e+00 : f32
    %logistic3A_536 = vector.broadcast %logistic3A_535 : f32 to vector<512x64xf32>
    %logistic3A_537 = arith.addf %logistic3A_536, %logistic3A_534 : vector<512x64xf32>
    %logistic3A_538 = arith.divf %logistic3A_536, %logistic3A_537 : vector<512x64xf32>
    %slice3A_539 = vector.extract_strided_slice %add3A_531 {offsets = [0, 64], sizes = [512, 64], strides = [1, 1]} : vector<512x256xf32> to vector<512x64xf32>
    %logistic3A_540 = arith.negf %slice3A_539 : vector<512x64xf32>
    %logistic3A_541 = math.exp %logistic3A_540 : vector<512x64xf32>
    %logistic3A_542 = arith.constant 1.000000e+00 : f32
    %logistic3A_543 = vector.broadcast %logistic3A_542 : f32 to vector<512x64xf32>
    %logistic3A_544 = arith.addf %logistic3A_543, %logistic3A_541 : vector<512x64xf32>
    %logistic3A_545 = arith.divf %logistic3A_543, %logistic3A_544 : vector<512x64xf32>
    %slice3A_546 = vector.extract_strided_slice %add3A_531 {offsets = [0, 128], sizes = [512, 64], strides = [1, 1]} : vector<512x256xf32> to vector<512x64xf32>
    %tanh3A_547 = math.tanh %slice3A_546 : vector<512x64xf32>
    %slice3A_548 = vector.extract_strided_slice %add3A_531 {offsets = [0, 192], sizes = [512, 64], strides = [1, 1]} : vector<512x256xf32> to vector<512x64xf32>
    %logistic3A_549 = arith.negf %slice3A_548 : vector<512x64xf32>
    %logistic3A_550 = math.exp %logistic3A_549 : vector<512x64xf32>
    %logistic3A_551 = arith.constant 1.000000e+00 : f32
    %logistic3A_552 = vector.broadcast %logistic3A_551 : f32 to vector<512x64xf32>
    %logistic3A_553 = arith.addf %logistic3A_552, %logistic3A_550 : vector<512x64xf32>
    %logistic3A_554 = arith.divf %logistic3A_552, %logistic3A_553 : vector<512x64xf32>
    %mul3A_555 = arith.mulf %logistic3A_545, %add3A_476 : vector<512x64xf32>
    %mul3A_556 = arith.mulf %logistic3A_538, %tanh3A_547 : vector<512x64xf32>
    %add3A_557 = arith.addf %mul3A_555, %mul3A_556 : vector<512x64xf32>
    %tanh3A_558 = math.tanh %add3A_557 : vector<512x64xf32>
    %mul3A_559 = arith.mulf %logistic3A_554, %tanh3A_558 : vector<512x64xf32>
    %get3A_560 = arith.constant 0 : index
    %get3A_561 = arith.constant 7 : index
    %get3A_562 = arith.constant 0 : index
    %get3A_563 = arith.constant 0 : index
    %get3A_564 = vector.load %arg2[%get3A_560, %get3A_561, %get3A_562, %get3A_563] : memref<1x8x512x144xf32, #tpu.memory_space<vmem>>, vector<1x1x512x128xf32>
    %get3A_565 = vector.shape_cast %get3A_564 : vector<1x1x512x128xf32> to vector<512x128xf32>
    %get3A_566 = arith.constant 0 : index
    %get3A_567 = arith.constant 7 : index
    %get3A_568 = arith.constant 0 : index
    %get3A_569 = arith.constant 128 : index
    %get3A_570 = vector.load %arg2[%get3A_566, %get3A_567, %get3A_568, %get3A_569] : memref<1x8x512x144xf32, #tpu.memory_space<vmem>>, vector<1x1x512x4xf32>
    %get3A_571 = vector.shape_cast %get3A_570 : vector<1x1x512x4xf32> to vector<512x4xf32>
    %eq3A_572 = arith.constant 0.000000e+00 : f32
    %eq3A_573 = vector.broadcast %eq3A_572 : f32 to vector<512x4xf32>
    %eq3A_574 = arith.cmpf oeq, %get3A_571, %eq3A_573 : vector<512x4xf32>
    %convert_element_type3A_575 = arith.extui %eq3A_574 : vector<512x4xi1> to vector<512x4xi32>
    %convert_element_type3A_576 = arith.sitofp %convert_element_type3A_575 : vector<512x4xi32> to vector<512x4xf32>
    %add3A_577 = arith.addf %get3A_571, %convert_element_type3A_576 : vector<512x4xf32>
    %div3A_578 = arith.constant 1.000000e+00 : f32
    %div3A_579 = vector.broadcast %div3A_578 : f32 to vector<512x4xf32>
    %div3A_580 = arith.divf %div3A_579, %add3A_577 : vector<512x4xf32>
    %get3A_581 = arith.constant 0 : index
    %get3A_582 = arith.constant 0 : index
    %get3A_583 = vector.load %arg4[%get3A_581, %get3A_582] : memref<4x128xf32, #tpu.memory_space<vmem>>, vector<4x128xf32>
    %dot_general3A_584 = arith.constant dense<0.000000e+00> : vector<512x128xf32>
    %dot_general3A_585 = tpu.matmul %div3A_580, %get3A_583, %dot_general3A_584 {dimension_numbers = #tpu.dot_dimension_numbers<[1], [0], [0], [1], [0, 0, 1, 1], [], []>, transpose_lhs_hint = false} : vector<512x4xf32>, vector<4x128xf32>, vector<512x128xf32> -> vector<512x128xf32>
    %mul3A_586 = arith.mulf %get3A_565, %dot_general3A_585 : vector<512x128xf32>
    %get3A_587 = arith.constant 0 : index
    %get3A_588 = arith.constant 0 : index
    %get3A_589 = vector.load %arg3[%get3A_587, %get3A_588] : memref<1x128xf32, #tpu.memory_space<vmem>>, vector<1x128xf32>
    %add3A_590 = vector.broadcast %get3A_589 : vector<1x128xf32> to vector<512x128xf32>
    %add3A_591 = arith.addf %mul3A_586, %add3A_590 : vector<512x128xf32>
    %get3A_592 = arith.constant 0 : index
    %get3A_593 = arith.constant 0 : index
    %get3A_594 = vector.load %arg5[%get3A_592, %get3A_593] : memref<128x256xf32, #tpu.memory_space<vmem>>, vector<128x256xf32>
    %dot_general3A_595 = arith.constant dense<0.000000e+00> : vector<512x256xf32>
    %dot_general3A_596 = tpu.matmul %add3A_591, %get3A_594, %dot_general3A_595 {dimension_numbers = #tpu.dot_dimension_numbers<[1], [0], [0], [1], [0, 0, 1, 1], [], []>, transpose_lhs_hint = false} : vector<512x128xf32>, vector<128x256xf32>, vector<512x256xf32> -> vector<512x256xf32>
    %get3A_597 = arith.constant 0 : index
    %get3A_598 = arith.constant 0 : index
    %get3A_599 = vector.load %arg6[%get3A_597, %get3A_598] : memref<64x256xf32, #tpu.memory_space<vmem>>, vector<64x256xf32>
    %dot_general3A_600 = arith.constant dense<0.000000e+00> : vector<512x256xf32>
    %dot_general3A_601 = tpu.matmul %mul3A_559, %get3A_599, %dot_general3A_600 {dimension_numbers = #tpu.dot_dimension_numbers<[1], [0], [0], [1], [0, 0, 1, 1], [], []>, transpose_lhs_hint = false} : vector<512x64xf32>, vector<64x256xf32>, vector<512x256xf32> -> vector<512x256xf32>
    %add3A_602 = arith.addf %dot_general3A_596, %dot_general3A_601 : vector<512x256xf32>
    %get3A_603 = arith.constant 0 : index
    %get3A_604 = arith.constant 0 : index
    %get3A_605 = vector.load %arg7[%get3A_603, %get3A_604] : memref<1x256xf32, #tpu.memory_space<vmem>>, vector<1x256xf32>
    %add3A_606 = vector.broadcast %get3A_605 : vector<1x256xf32> to vector<512x256xf32>
    %add3A_607 = arith.addf %add3A_602, %add3A_606 : vector<512x256xf32>
    %get3A_608 = arith.constant 0 : index
    %get3A_609 = arith.constant 0 : index
    %get3A_610 = vector.load %arg8[%get3A_608, %get3A_609] : memref<1x256xf32, #tpu.memory_space<vmem>>, vector<1x256xf32>
    %add3A_611 = vector.broadcast %get3A_610 : vector<1x256xf32> to vector<512x256xf32>
    %add3A_612 = arith.addf %add3A_607, %add3A_611 : vector<512x256xf32>
    %slice3A_613 = vector.extract_strided_slice %add3A_612 {offsets = [0, 0], sizes = [512, 64], strides = [1, 1]} : vector<512x256xf32> to vector<512x64xf32>
    %logistic3A_614 = arith.negf %slice3A_613 : vector<512x64xf32>
    %logistic3A_615 = math.exp %logistic3A_614 : vector<512x64xf32>
    %logistic3A_616 = arith.constant 1.000000e+00 : f32
    %logistic3A_617 = vector.broadcast %logistic3A_616 : f32 to vector<512x64xf32>
    %logistic3A_618 = arith.addf %logistic3A_617, %logistic3A_615 : vector<512x64xf32>
    %logistic3A_619 = arith.divf %logistic3A_617, %logistic3A_618 : vector<512x64xf32>
    %slice3A_620 = vector.extract_strided_slice %add3A_612 {offsets = [0, 64], sizes = [512, 64], strides = [1, 1]} : vector<512x256xf32> to vector<512x64xf32>
    %logistic3A_621 = arith.negf %slice3A_620 : vector<512x64xf32>
    %logistic3A_622 = math.exp %logistic3A_621 : vector<512x64xf32>
    %logistic3A_623 = arith.constant 1.000000e+00 : f32
    %logistic3A_624 = vector.broadcast %logistic3A_623 : f32 to vector<512x64xf32>
    %logistic3A_625 = arith.addf %logistic3A_624, %logistic3A_622 : vector<512x64xf32>
    %logistic3A_626 = arith.divf %logistic3A_624, %logistic3A_625 : vector<512x64xf32>
    %slice3A_627 = vector.extract_strided_slice %add3A_612 {offsets = [0, 128], sizes = [512, 64], strides = [1, 1]} : vector<512x256xf32> to vector<512x64xf32>
    %tanh3A_628 = math.tanh %slice3A_627 : vector<512x64xf32>
    %slice3A_629 = vector.extract_strided_slice %add3A_612 {offsets = [0, 192], sizes = [512, 64], strides = [1, 1]} : vector<512x256xf32> to vector<512x64xf32>
    %logistic3A_630 = arith.negf %slice3A_629 : vector<512x64xf32>
    %logistic3A_631 = math.exp %logistic3A_630 : vector<512x64xf32>
    %logistic3A_632 = arith.constant 1.000000e+00 : f32
    %logistic3A_633 = vector.broadcast %logistic3A_632 : f32 to vector<512x64xf32>
    %logistic3A_634 = arith.addf %logistic3A_633, %logistic3A_631 : vector<512x64xf32>
    %logistic3A_635 = arith.divf %logistic3A_633, %logistic3A_634 : vector<512x64xf32>
    %mul3A_636 = arith.mulf %logistic3A_626, %add3A_557 : vector<512x64xf32>
    %mul3A_637 = arith.mulf %logistic3A_619, %tanh3A_628 : vector<512x64xf32>
    %add3A_638 = arith.addf %mul3A_636, %mul3A_637 : vector<512x64xf32>
    %tanh3A_639 = math.tanh %add3A_638 : vector<512x64xf32>
    %mul3A_640 = arith.mulf %logistic3A_635, %tanh3A_639 : vector<512x64xf32>
    %get3A_641 = arith.constant 0 : index
    %get3A_642 = arith.constant 0 : index
    %get3A_643 = vector.load %arg9[%get3A_641, %get3A_642] : memref<64x4xf32, #tpu.memory_space<vmem>>, vector<64x4xf32>
    %dot_general3A_644 = arith.constant dense<0.000000e+00> : vector<512x4xf32>
    %dot_general3A_645 = tpu.matmul %mul3A_640, %get3A_643, %dot_general3A_644 {dimension_numbers = #tpu.dot_dimension_numbers<[1], [0], [0], [1], [0, 0, 1, 1], [], []>, transpose_lhs_hint = false} : vector<512x64xf32>, vector<64x4xf32>, vector<512x4xf32> -> vector<512x4xf32>
    %get3A_646 = arith.constant 0 : index
    %get3A_647 = arith.constant 0 : index
    %get3A_648 = vector.load %arg10[%get3A_646, %get3A_647] : memref<1x4xf32, #tpu.memory_space<vmem>>, vector<1x4xf32>
    %add3A_649 = vector.broadcast %get3A_648 : vector<1x4xf32> to vector<512x4xf32>
    %add3A_650 = arith.addf %dot_general3A_645, %add3A_649 : vector<512x4xf32>
    %max3A = arith.constant 0.000000e+00 : f32
    %max3A_651 = vector.broadcast %max3A : f32 to vector<512x4xf32>
    %max3A_652 = arith.maximumf %add3A_650, %max3A_651 : vector<512x4xf32>
    %swap3A = arith.constant 0 : index
    %swap3A_653 = arith.constant 0 : index
    %swap3A_654 = arith.constant 0 : index
    %swap3A_655 = vector.load %arg11[%swap3A, %swap3A_653, %swap3A_654] : memref<1x512x4xf32, #tpu.memory_space<vmem>>, vector<1x512x4xf32>
    %swap3A_656 = vector.shape_cast %swap3A_655 : vector<1x512x4xf32> to vector<512x4xf32>
    %swap3A_657 = vector.shape_cast %max3A_652 : vector<512x4xf32> to vector<1x512x4xf32>
    tpu.vector_store %arg11[%swap3A, %swap3A_653, %swap3A_654], %swap3A_657 {strides = array<i32>} : memref<1x512x4xf32, #tpu.memory_space<vmem>>, vector<1x512x4xf32>,
    return
  }
  func.func @transform_0(%arg0: i32, %arg1: i32) -> (i32, i32, i32, i32) {
    %c0_i32 = arith.constant 0 : i32
    %c0_i32_0 = arith.constant 0 : i32
    %c0_i32_1 = arith.constant 0 : i32
    return %arg0, %c0_i32, %arg1, %c0_i32_0 : i32, i32, i32, i32
  }
  func.func @transform_1(%arg0: i32, %arg1: i32) -> (i32, i32) {
    %c0_i32 = arith.constant 0 : i32
    %c0_i32_0 = arith.constant 0 : i32
    %c0_i32_1 = arith.constant 0 : i32
    return %c0_i32, %c0_i32_0 : i32, i32
  }
  func.func @transform_2(%arg0: i32, %arg1: i32) -> (i32, i32) {
    %c0_i32 = arith.constant 0 : i32
    %c0_i32_0 = arith.constant 0 : i32
    %c0_i32_1 = arith.constant 0 : i32
    return %c0_i32, %c0_i32_0 : i32, i32
  }
  func.func @transform_3(%arg0: i32, %arg1: i32) -> (i32, i32) {
    %c0_i32 = arith.constant 0 : i32
    %c0_i32_0 = arith.constant 0 : i32
    %c0_i32_1 = arith.constant 0 : i32
    return %c0_i32, %c0_i32_0 : i32, i32
  }
  func.func @transform_4(%arg0: i32, %arg1: i32) -> (i32, i32) {
    %c0_i32 = arith.constant 0 : i32
    %c0_i32_0 = arith.constant 0 : i32
    %c0_i32_1 = arith.constant 0 : i32
    return %c0_i32, %c0_i32_0 : i32, i32
  }
  func.func @transform_5(%arg0: i32, %arg1: i32) -> (i32, i32) {
    %c0_i32 = arith.constant 0 : i32
    %c0_i32_0 = arith.constant 0 : i32
    %c0_i32_1 = arith.constant 0 : i32
    return %c0_i32, %c0_i32_0 : i32, i32
  }
  func.func @transform_6(%arg0: i32, %arg1: i32) -> (i32, i32) {
    %c0_i32 = arith.constant 0 : i32
    %c0_i32_0 = arith.constant 0 : i32
    %c0_i32_1 = arith.constant 0 : i32
    return %c0_i32, %c0_i32_0 : i32, i32
  }
  func.func @transform_7(%arg0: i32, %arg1: i32) -> (i32, i32) {
    %c0_i32 = arith.constant 0 : i32
    %c0_i32_0 = arith.constant 0 : i32
    %c0_i32_1 = arith.constant 0 : i32
    return %c0_i32, %c0_i32_0 : i32, i32
  }
  func.func @transform_8(%arg0: i32, %arg1: i32) -> (i32, i32) {
    %c0_i32 = arith.constant 0 : i32
    %c0_i32_0 = arith.constant 0 : i32
    %c0_i32_1 = arith.constant 0 : i32
    return %c0_i32, %c0_i32_0 : i32, i32
  }
  func.func @transform_9(%arg0: i32, %arg1: i32) -> (i32, i32, i32) {
    %c0_i32 = arith.constant 0 : i32
    %c0_i32_0 = arith.constant 0 : i32
    return %arg0, %arg1, %c0_i32 : i32, i32, i32
  }
}

</mosaic_0001>

<sc_bundles>
// kernel: kernel.5.cloned.1.call-start
scs
__scs_entry_jumppad:
0x0: {  	(pc) =	sbr.rel $0x88, $3  }
0x1: {  	(tag) =	ssettag $0x0;
	lr =	simm.s32 $0x1  }
0x2: {  	[smem:$0x3F94] =	sst lr;
	_ =	strace $0xD0000000  }
0x3: {  	_ = 	snop  }
0x4: {  	_ = 	snop  }
0x5: {  	_ = 	snop  }
0x6: {  	_ = 	snop  }
0x7: {  	_ = 	snop  }
__scs_overlays_trampoline_lowered:
0x8: {  	[smem:$0x3FA3] =	sst s0  }
0x9: {  	[smem:$0x3FA4] =	sst s1  }
0xa: {  	[smem:$0x3FA5] =	sst s2  }
0xb: {  	[smem:$0x3FA6] =	sst s3  }
0xc: {  	[smem:$0x3FA7] =	sst s4  }
0xd: {  	[smem:$0x3FA8] =	sst s5  }
0xe: {  	[smem:$0x3FA9] =	sst s6  }
0xf: {  	[smem:$0x3FAA] =	sst s7  }
0x10: {  	[smem:$0x3FAB] =	sst s8  }
0x11: {  	[smem:$0x3FAC] =	sst s9;
	s0 =	simm.s32 @!p0 $0x0  }
0x12: {  	s1 =	sld [smem:$0x3F92];
	s0 =	simm.s32 @p0 $0x1  }
0x13: {  	[smem:$0x3FAD] =	sst s0;
	s0 =	simm.s32 @!p1 $0x0  }
0x14: {  	s2 =	sld [smem:$0x3F91];
	s0 =	simm.s32 @p1 $0x1  }
0x15: {  	[smem:$0x3FAE] =	sst s0;
	s0 =	simm.s32 @!p2 $0x0  }
0x16: {  	s3 =	sld [smem:$0x3FDB];
	s0 =	simm.s32 @p2 $0x1  }
0x17: {  	s4 =	simm.s32 $0x1BF5;
	[smem:$0x3FB0] =	sst s0  }
0x18: {  	s0 =	sld [smem:$0x3F93];
	_ =	swait.ge [sflag:s4], $0x0  }
0x19: {  	s7 =	sld [smem:$0x3F94]  }
0x1a: {  	s8 =	sadd.s32 $0xFFFFE003, lr  }
0x1b: {  	s9 =	sadd.s32 $0xFFFFFEF7, lr;
	s5 =	simm.s32 $0xFFFFFFFF;
	p2 =	slt.u32 s8, $0xFFFFF086  }
0x1c: {  	p1 =	slt.u32 s9, $0xF7A;
	s5 =	simm.s32 @!p2 $0x0  }
0x1d: {  	s5 =	simm.s32 @p1 $0x1;
	p0 =	seq.s32 s7, s2  }
0x1e: {  	s7 =	smul.u32 @!p0 $0xF7A, s2;
	p2 =	seq.s32 @!p0 s5, $0x0  }
0x1f: {  	s9 =	smul.u32 $0xF7A, s1;
	s8 =	simm.s32 @!p0 $0x1BF5;
	p2 =	por !p2, p0  }
0x20: {  	[sflag:s8] =	ssyncset.s32 @!p0 $0xFFFFF086;
	s6 =	sadd.s32 @!p0 s3, s7;
	s7 =	simm.s32 @!p0 $0x108  }
0x21: {  	s3 =	sadd.s32 s3, s9;
	s6 =	sadd.s32 @!p0 $0x88, s6;
	s7 =	simm.s32 @p2 $0x1082  }
0x22: {  	[simem:s7], [sflag:s8] =	dma.local @!p0 [hbm:s6], $0xF7A  }
0x23: {  	s9 =	sor.u32 $0xD0000000, s2;
	s6 =	simm.s32 $0x108;
	_ =	swait.ge @!p0 [sflag:s8], $0x0  }
0x24: {  	s3 =	sadd.s32 $0x88, s3;
	s6 =	simm.s32 @!p1 $0x1082;
	[sflag:s4] =	ssyncset.s32 $0xFFFFF086  }
0x25: {  	[simem:s6], [sflag:s4] =	dma.local [hbm:s3], $0xF7A  }
0x26: {  	[smem:$0x3F94] =	sst s1;
	(tag) =	ssettag s2;
	_ =	strace s9  }
0x27: {  	s1 =	sld [smem:$0x3FA4]  }
0x28: {  	s2 =	sld [smem:$0x3FA5]  }
0x29: {  	s4 =	sld [smem:$0x3FA7]  }
0x2a: {  	p0 =	seq.s32 s5, $0x0;
	s5 =	sld [smem:$0x3FA8]  }
0x2b: {  	s6 =	sld [smem:$0x3FA9]  }
0x2c: {  	s7 =	sld [smem:$0x3FAA]  }
0x2d: {  	s3 =	simm.s32 $0x108;
	s8 =	sld [smem:$0x3FAB]  }
0x2e: {  	s3 =	simm.s32 @!p0 $0x1082;
	s9 =	sld [smem:$0x3FAC]  }
0x2f: {  	lr =	sadd.s32 s0, s3;
	s0 =	sld [smem:$0x3FA3]  }
0x30: {  	s3 =	sld [smem:$0x3FA6]  }
0x31: {  	[smem:$0x3FAF] =	sst s10  }
0x32: {  	s10 =	sld [smem:$0x3FAD];
	_ =	sdelay $0x3  }
0x33: {  	p0 =	seq.s32 s10, $0x1;
	s10 =	sld [smem:$0x3FAF];
	_ =	sdelay $0x3  }
0x34: {  	[smem:$0x3FAF] =	sst s10  }
0x35: {  	s10 =	sld [smem:$0x3FAE];
	_ =	sdelay $0x3  }
0x36: {  	p1 =	seq.s32 s10, $0x1;
	s10 =	sld [smem:$0x3FAF];
	_ =	sdelay $0x3  }
0x37: {  	[smem:$0x3FAF] =	sst s10  }
0x38: {  	s10 =	sld [smem:$0x3FB0]  }
0x39: {  	_ = 	snop;
	(pc) =	sbr.ind lr, $3  }
0x3a: {  	_ = 	snop  }
0x3b: {  	_ = 	snop  }
0x3c: {  	p2 =	seq.s32 s10, $0x1;
	s10 =	sld [smem:$0x3FAF]  }
0x3d: {  	_ =	shalt  }
0x3e: {  	_ =	shalt  }
0x3f: {  	_ =	shalt  }
0x40: {  	_ =	shalt  }
0x41: {  	_ =	shalt  }
0x42: {  	_ =	shalt  }
0x43: {  	_ =	shalt  }
0x44: {  	_ =	shalt  }
0x45: {  	_ =	shalt  }
0x46: {  	_ =	shalt  }
0x47: {  	_ =	shalt  }
0x48: {  	_ =	shalt  }
0x49: {  	_ =	shalt  }
0x4a: {  	_ =	shalt  }
0x4b: {  	_ =	shalt  }
0x4c: {  	_ =	shalt  }
0x4d: {  	_ =	shalt  }
0x4e: {  	_ =	shalt  }
0x4f: {  	_ =	shalt  }
0x50: {  	_ =	shalt  }
0x51: {  	_ =	shalt  }
0x52: {  	_ =	shalt  }
0x53: {  	_ =	shalt  }
0x54: {  	_ =	shalt  }
0x55: {  	_ =	shalt  }
0x56: {  	_ =	shalt  }
0x57: {  	_ =	shalt  }
0x58: {  	_ =	shalt  }
0x59: {  	_ =	shalt  }
0x5a: {  	_ =	shalt  }
0x5b: {  	_ =	shalt  }
0x5c: {  	_ =	shalt  }
0x5d: {  	_ =	shalt  }
0x5e: {  	_ =	shalt  }
0x5f: {  	_ =	shalt  }
0x60: {  	_ =	shalt  }
0x61: {  	_ =	shalt  }
0x62: {  	_ =	shalt  }
0x63: {  	_ =	shalt  }
0x64: {  	_ =	shalt  }
0x65: {  	_ =	shalt  }
0x66: {  	_ =	shalt  }
0x67: {  	_ =	shalt  }
0x68: {  	_ =	shalt  }
0x69: {  	_ =	shalt  }
0x6a: {  	_ =	shalt  }
0x6b: {  	_ =	shalt  }
0x6c: {  	_ =	shalt  }
0x6d: {  	_ =	shalt  }
0x6e: {  	_ =	shalt  }
0x6f: {  	_ =	shalt  }
0x70: {  	_ =	shalt  }
0x71: {  	_ =	shalt  }
0x72: {  	_ =	shalt  }
0x73: {  	_ =	shalt  }
0x74: {  	_ =	shalt  }
0x75: {  	_ =	shalt  }
0x76: {  	_ =	shalt  }
0x77: {  	_ =	shalt  }
0x78: {  	_ =	shalt  }
0x79: {  	_ =	shalt  }
0x7a: {  	_ =	shalt  }
0x7b: {  	_ =	shalt  }
0x7c: {  	_ =	shalt  }
0x7d: {  	_ =	shalt  }
0x7e: {  	_ =	shalt  }
0x7f: {  	_ =	shalt  }
0x80: {  	_ =	shalt  }
0x81: {  	_ =	shalt  }
0x82: {  	_ =	shalt  }
0x83: {  	_ =	shalt  }
0x84: {  	_ =	shalt  }
0x85: {  	_ =	shalt  }
0x86: {  	_ =	shalt  }
0x87: {  	_ =	shalt  }
.Lfunc_end0:
.L_simem_size_0:
called_computation_lowered:
.L_overlay_start_0:
0x88: {  	s2 =	sld [smem:$0x3FD9]  }
0x89: {  	s3 =	sld [smem:$0x3FFE];
	_ =	sdelay $0x1  }
0x8a: {  	s1 =	srdreg.scid  }
0x8b: {  	s0 =	sand.u32 $0x1, s1  }
0x8c: {  	s16 =	sshll.u32 s0, $0xA;
	s2 =	sadd.s32 s3, s2  }
0x8d: {  	s2 =	sadd.s32 s2, s16  }
0x8e: {  	[smem:$0x3FBB] =	sst s2  }
0x8f: {  	_ = 	snop  }
0x90: {  	(tm) =	ssettm $0x1  }
0x91: {  	s17 =	sld [smem:$0x3FFB];
	_ =	sdelay $0x3  }
0x92: {  	_ =	strace s17  }
0x93: {  	s2 =	sld [smem:$0x3FFC];
	_ =	sdelay $0x3  }
0x94: {  	_ =	strace s2  }
0x95: {  	s2 =	sld [smem:$0x3FFD];
	_ =	sdelay $0x3  }
0x96: {  	_ =	strace s2  }
0x97: {  	_ =	strace $0x8FFFFFFF  }
0x98: {  	s18 =	sld [smem:$0x3FDB];
	_ =	sdelay $0x1  }
0x99: {  	s19 =	simm.s32 $_scs_section_size  }
0x9a: {  	s4 =	simm.s32 $_size__tile_overlayer_lowered;
	s5 =	simm.s32 $_tile_overlayer_lowered  }
0x9b: {  	s22 =	simm.s32 $0x1BFF;
	s21 =	sshll.u32 s5, $0x1;
	s2 =	sadd.s32 s19, s18  }
0x9c: {  	s6 =	simm.s32 $0x0;
	s20 =	sshll.u32 s4, $0x1;
	s4 =	sadd.s32 s21, s2  }
0x9d: {  	[timem:s6], [sflag:s22] =	dma.local [hbm:s4], s20  }
0x9e: {  	_ =	swait.ge [sflag:s22], s20  }
0x9f: {  	s3 =	ssub.s32 $0x0, s20;
	[sflag:s22] =	ssyncset.done $0x0  }
0xa0: {  	[sflag:s22] =	ssyncadd.s32 s3;
	_ =	sdelay $0x1  }
0xa1: {  	s23 =	simm.s32 $0x1B8B  }
0xa2: {  	_ =	swait.ge [sflag:s23], $0x1  }
0xa3: {  	[sflag:s23] =	ssyncset.done $0x0  }
0xa4: {  	s25 =	simm.s32 $0x1B8E;
	s24 =	sld [smem:$0x3FFE];
	[sflag:s23] =	ssyncadd.s32 $0xFFFFFFFF  }
0xa5: {  	s26 =	simm.s32 $execute0_lowered;
	[smem:$0x3FD2] =	sst s25  }
0xa6: {  	s4 =	sshll.u32 s26, $0x1;
	_ =	strace $0x80000046;
	[dreg:$0x1] =	wrdreg $0xFFFFFFFF  }
0xa7: {  	s28 =	simm.s32 $_size_execute0_lowered;
	s2 =	sadd.s32 s2, s4;
	[dreg:$0x0] =	wrdreg $0x0  }
0xa8: {  	s4 =	sshll.u32 s28, $0x1;
	[dreg:$0x2] =	wrdreg s2  }
0xa9: {  	[dreg:$0x3] =	wrdreg s4  }
0xaa: {  	[dreg:$0x4] =	wrdreg $0xC0  }
0xab: {  	_ =	task [dreg:s6], $0x5FFFF  }
0xac: {  	[dreg:$0x1] =	wrdreg $0xFFFFFFFF  }
0xad: {  	[dreg:$0x0] =	wrdreg $0x60  }
0xae: {  	[dreg:$0x2] =	wrdreg s24  }
0xaf: {  	[dreg:$0x3] =	wrdreg $0x7D400  }
0xb0: {  	[dreg:$0x4] =	wrdreg $0x9  }
0xb1: {  	_ =	task.clear_ibuf [dreg:s6], $0x5FFFF;
	_ =	strace $0x90000046  }
0xb2: {  	s29 =	simm.s32 $0x9;
	_ =	strace $0x80000048  }
0xb3: {  	_ =	swait.ge [sflag:s29], $0x1  }
0xb4: {  	[sflag:s29] =	ssyncadd.s32 $0xFFFFFFFF  }
0xb5: {  	_ =	strace $0x90000048  }
0xb6: {  	_ =	sfence  }
0xb7: {  	s30 =	sld [smem:$0x0];
	_ =	sdelay $0x2  }
0xb8: {  	s31 =	sshll.u32 s1, $0xD;
	s1 =	sshrl.u32 s1, $0x2  }
0xb9: {  	s3 =	sand.u32 $0x4000, s31;
	s1 =	sadd.s32 s1, s30  }
0xba: {  	s0 =	sor.u32 s3, s0;
	s1 =	sshll.u32 s1, $0x11  }
0xbb: {  	s0 =	sor.u32 s1, s0  }
0xbc: {  	s0 =	sadd.s32 $0x8F2B, s0  }
0xbd: {  	[sflag:s0] =	ssyncadd.remote.s32 $0x1  }
0xbe: {  	_ =	sfence.sel $0xFFFF  }
0xbf: {  	[dreg:$0x0] =	wrdreg $0xFFFFFFFF;
	(pc) =	sbr.abs _section_cstart, $3  }
0xc0: {  	[dreg:$0x1] =	wrdreg $0xFFFFFFFF  }
0xc1: {  	_ =	task.clear_ibuf [dreg:s6], $0x2FFFF;
	_ =	strace $0x9FFFFFFF  }
0xc2: {  	(tm) =	ssettm $0x7FFFFFFF  }
0xc3: {  	_ =	shalt  }
tec
execute0_lowered:
.L_overlay_start_1:
0x0: {  	(tag) =	ssettag $0x1  }
0x1: {  	s0 =	rddreg [dreg:$0x0]  }
0x2: {  	s1 =	rddreg [dreg:$0x1];
	s10 =	simm.s32 $0x0  }
0x3: {  	s9 =	stileid.u32;
	s2 =	srdreg.scid;
	s12 =	simm.s32 $0x7  }
0x4: {  	s19 =	simm.s32 $0x60;
	s20 =	simm.s32 $0x2A00;
	s23 =	simm.s32 $0x3C0  }
0x5: {  	s28 =	simm.s32 $0x6;
	s29 =	simm.s32 $0x1E0;
	s30 =	simm.s32 $0x39C0  }
0x6: {  	s31 =	simm.s32 $0x2A0;
	s16 =	simm.s32 $0x7BC0;
	s22 =	simm.s32 $0x2  }
0x7: {  	[smem:$0x7FF] =	sst s10;
	s4 =	sadd.s32 $0x1A00, s0;
	s11 =	smul.u32 $0x16800, s9  }
0x8: {  	s6 =	sadd.s32 $0x2D1A00, s0;
	s7 =	sadd.s32 $0x321A00, s0;
	s2 =	sand.u32 $0x1, s2  }
0x9: {  	s8 =	smul.u32 $0x5400, s9;
	s9 =	sshll.u32 s9, $0x6;
	_ =	strace $0x80000047  }
0xa: {  	s5 =	ssub.s32 $0x2, s2;
	s2 =	sshll.u32 s2, $0x3;
	s9 =	sor.u32 $0x1C07, s9  }
0xb: {  	s3 =	sshrl.u32 s11, $0x3;
	s24 =	sshrl.u32 s5, $0x1;
	[dreg:$0x6] =	wrdreg s2  }
0xc: {  	s25 =	sshrl.u32 s8, $0x3;
	[dreg:$0x4] =	wrdreg s11;
	s26 =	sadd.s32 s11, s1  }
0xd: {  	s14 =	sor.u32 $0xC0, s8;
	s15 =	sor.u32 $0x120, s8;
	[dreg:$0x9] =	wrdreg s9  }
0xe: {  	s3 =	sadd.s32 s3, s0;
	s0 =	sadd.s32 $0x359200, s0;
	s2 =	sadd.s32 s7, s25  }
0xf: {  	s11 =	sshrl.u32 s26, $0x3;
	s25 =	simm.s32 $0x6FC0;
	[dreg:$0x5] =	wrdreg s0  }
.Ltmp0:
0x10: {  	s26 =	simm.s32 $0xC0;
	[dreg:$0x7] =	wrdreg s2;
	(pc) =	sbr.rel .LBB2_1-.Ltmp0, $4  }
0x11: {  	s0 =	ssub.s32 s5, s24;
	s3 =	sadd.s32 $0x32C200, s3;
	[dreg:$0xc] =	wrdreg s11  }
0x12: {  	v1 =	vlaneseq.u32;
	v4 =	vimm.s32 $0x0;
	vm0 =	vcmask $0x300;
	s2 =	sadd.s32 $0xC, s2;
	s24 =	simm.s32 $0x360;
	[dreg:$0x8] =	wrdreg s3  }
0x13: {  	v0 =	vshrl.u32 v1, $0x2;
	v1 =	vand.u32 $0x3, v1;
	v4 =	vsel vm0, $0x3, v4;
	[dreg:$0xa] =	wrdreg s2;
	s0 =	smax.u32 s0, $0x1;
	s2 =	simm.s32 $0x1  }
0x14: {  	vm0 =	vmmov $0xf;
	v2 =	vor.u32 $0x80, v1;
	v3 =	vor.u32 $0x4, v1;
	s3 =	simm.s32 $0x300;
	[dreg:$0xb] =	wrdreg s0;
	s0 =	simm.s32 $0x75C0  }
.LBB2_14:
0x15: {  	s10 =	rddreg [dreg:$0x3]  }
0x16: {  	s5 =	rddreg [dreg:$0xb];
	s10 =	sadd.s32 $0x1, s10  }
0x17: {  	p0 =	sne.s32 s10, s5  }
.Ltmp1:
0x18: {  	_ = 	snop;
	(pc) =	sbr.rel @!p0 .LBB2_15-.Ltmp1, $1  }
0x19: {  	_ =	sdelay $0x3  }
.LBB2_1:
.Ltmp2:
0x1a: {  	(pc) =	sbr.rel .LBB2_2-.Ltmp2, $2  }
0x1b: {  	_ =	sdelay $0x2  }
0x1c: {  	[dreg:$0x3] =	wrdreg s10;
	s8 =	simm.s32 $0x0  }
.LBB2_13:
0x1d: {  	s10 =	simm.s32 $0x4  }
0x1e: {  	_ =	swait.ge [sflag:s10], $0x3600  }
0x1f: {  	[sflag:s10] =	ssyncset.done $0x0  }
0x20: {  	s5 =	smul.u32 $0x168000, s11;
	[sflag:s10] =	ssyncadd.s32 $0xFFFFCA00  }
0x21: {  	s12 =	simm.s32 $0x7;
	s9 =	rddreg [dreg:$0x4];
	[bflag:$0x0] =	sbarrier.arrive $0xFFFF  }
0x22: {  	s8 =	sadd.s32 $0x1, s8;
	s5 =	sadd.s32 s9, s5;
	s21 =	rddreg [dreg:$0x5]  }
0x23: {  	p0 =	sne.s32 s8, $0x8;
	s5 =	sshrl.u32 s5, $0x3;
	s9 =	rddreg [dreg:$0x9]  }
.Ltmp3:
0x24: {  	s11 =	rddreg [dreg:$0xc];
	s5 =	sadd.s32 s21, s5;
	(pc) =	sbr.rel @!p0 .LBB2_14-.Ltmp3, $4  }
0x25: {  	[hbm:s5], [sflag:s9] =	dma.local [spmem:s11], $0x2D00  }
0x26: {  	_ =	swait.ge [sflag:s12], $0x2D00  }
0x27: {  	[sflag:s12] =	ssyncset.done $0x0  }
0x28: {  	[sflag:s12] =	ssyncadd.s32 $0xFFFFD300  }
.LBB2_2:
0x29: {  	s5 =	rddreg [dreg:$0x8]  }
0x2a: {  	[spmem:s11], [sflag:s9] =	dma.local [hbm:s5], $0x2D00  }
0x2b: {  	_ =	swait.ge [sflag:s12], $0x2D00  }
0x2c: {  	[sflag:s12] =	ssyncset.done $0x0  }
0x2d: {  	[sflag:s12] =	ssyncadd.s32 $0xFFFFD300  }
0x2e: {  	[bflag:$0x0] =	sbarrier.arrive $0xFFFF  }
0x2f: {  	s13 =	simm.s32 $0x5;
	s9 =	simm.s32 $0x0;
	s12 =	rddreg [dreg:$0x7]  }
0x30: {  	[tilespmem:s9], [sflag:$0x5] =	stream.strided.gather [hbm4b:s12+s19], $0xC0, s20, s19, $0x38;
	[tilespmem:$0x1E540] =	vst v63  }
0x31: {  	_ =	swait.ge [sflag:s13], $0xC0  }
0x32: {  	[sflag:s13] =	ssyncset.done $0x0  }
0x33: {  	[sflag:s13] =	ssyncadd.s32 $0xFFFFFF40  }
0x34: {  	v5 =	vld [tilespmem:$0x0]  }
0x35: {  	s17 =	rddreg [dreg:$0x6];
	v6 =	vld [tilespmem:$0x60]  }
0x36: {  	s11 =	sadd.s32 s17, s8;
	v7 =	vld [tilespmem:$0x10]  }
0x37: {  	s5 =	smul.u32 $0x2800, s11;
	v8 =	vld [tilespmem:$0x70]  }
0x38: {  	v9 =	vld [tilespmem:$0x20]  }
0x39: {  	v10 =	vld [tilespmem:$0x80];
	v5 =	vadd.s32 s5, v5  }
0x3a: {  	[tilespmem:$0x180] =	vst v5;
	v5 =	vadd.s32 s5, v6;
	v6 =	vld [tilespmem:$0x30]  }
0x3b: {  	[tilespmem:$0x240] =	vst v5;
	v5 =	vadd.s32 s5, v7;
	v7 =	vld [tilespmem:$0x90]  }
0x3c: {  	v61 =	vld [tilespmem:$0x40];
	[tilespmem:$0x190] =	vst v5;
	v5 =	vadd.s32 s5, v8  }
0x3d: {  	v62 =	vld [tilespmem:$0xA0];
	[tilespmem:$0x250] =	vst v5;
	v5 =	vadd.s32 s5, v9  }
0x3e: {  	v63 =	vld [tilespmem:$0x50];
	[tilespmem:$0x1A0] =	vst v5;
	v5 =	vadd.s32 s5, v10  }
0x3f: {  	[tilespmem:$0x260] =	vst v5;
	v5 =	vadd.s32 s5, v6;
	v6 =	vld [tilespmem:$0xB0]  }
0x40: {  	[tilespmem:$0x1B0] =	vst v5;
	v5 =	vadd.s32 s5, v7  }
0x41: {  	[tilespmem:$0x270] =	vst v5;
	v5 =	vadd.s32 s5, v61  }
0x42: {  	[tilespmem:$0x1C0] =	vst v5;
	v5 =	vadd.s32 s5, v62  }
0x43: {  	[tilespmem:$0x280] =	vst v5;
	v5 =	vadd.s32 s5, v63  }
0x44: {  	[tilespmem:$0x1D0] =	vst v5;
	v5 =	vadd.s32 s5, v6  }
0x45: {  	s10 =	simm.s32 $0x180;
	[tilespmem:$0x290] =	vst v5  }
0x46: {  	[tilespmem:s23], [sflag:$0x1] =	stream.indirect.gather [hbm4b:s4+s19], $0x90, s10, s19, $0xb8;
	[tilespmem:$0x1E540] =	vst v63  }
0x47: {  	s18 =	simm.s32 $0x240  }
0x48: {  	[tilespmem:s25], [sflag:$0x1] =	stream.indirect.gather [hbm4b:s6+s19], $0x10, s18, s19, $0xb8;
	[tilespmem:$0x1E540] =	vst v63  }
0x49: {  	s21 =	rddreg [dreg:$0xa];
	s10 =	simm.s32 $0x0  }
0x4a: {  	v5 =	vmov s5;
	[tilespmem:s26], [sflag:$0x6] =	stream.strided.gather [hbm4b:s21+s19], $0xC0, s20, s19, $0x38;
	[tilespmem:$0x1E540] =	vst v63  }
.LBB2_3:
0x4b: {  	p0 =	seq.s32 s10, $0x0  }
0x4c: {  	s5 =	simm.s32 @!p0 $0x4  }
0x4d: {  	_ =	swait.ge @!p0 [sflag:s5], $0x3600  }
0x4e: {  	[sflag:s5] =	ssyncset.done @!p0 $0x0  }
0x4f: {  	[sflag:s5] =	ssyncadd.s32 @!p0 $0xFFFFCA00  }
0x50: {  	_ =	swait.ge [sflag:s28], $0xC0  }
0x51: {  	[sflag:s28] =	ssyncset.done $0x0  }
0x52: {  	[sflag:s28] =	ssyncadd.s32 $0xFFFFFF40  }
0x53: {  	v6 =	vld [tilespmem:$0xC0]  }
0x54: {  	v7 =	vld [tilespmem:$0x120]  }
0x55: {  	v8 =	vld [tilespmem:$0xD0]  }
0x56: {  	v9 =	vld [tilespmem:$0x130]  }
0x57: {  	v10 =	vld [tilespmem:$0xE0]  }
0x58: {  	v11 =	vld [tilespmem:$0x140];
	v6 =	vadd.s32 v5, v6  }
0x59: {  	[tilespmem:$0x1E0] =	vst v6;
	v6 =	vadd.s32 v5, v7;
	v7 =	vld [tilespmem:$0xF0]  }
0x5a: {  	[tilespmem:$0x2A0] =	vst v6;
	v6 =	vadd.s32 v5, v8;
	v8 =	vld [tilespmem:$0x150]  }
0x5b: {  	v61 =	vld [tilespmem:$0x100];
	[tilespmem:$0x1F0] =	vst v6;
	v6 =	vadd.s32 v5, v9  }
0x5c: {  	v62 =	vld [tilespmem:$0x160];
	[tilespmem:$0x2B0] =	vst v6;
	v6 =	vadd.s32 v5, v10  }
0x5d: {  	v63 =	vld [tilespmem:$0x110];
	[tilespmem:$0x200] =	vst v6;
	v6 =	vadd.s32 v5, v11  }
0x5e: {  	[tilespmem:$0x2C0] =	vst v6;
	v6 =	vadd.s32 v5, v7;
	v7 =	vld [tilespmem:$0x170]  }
0x5f: {  	[tilespmem:$0x210] =	vst v6;
	v6 =	vadd.s32 v5, v8  }
0x60: {  	[tilespmem:$0x2D0] =	vst v6;
	v6 =	vadd.s32 v5, v61  }
0x61: {  	[tilespmem:$0x220] =	vst v6;
	v6 =	vadd.s32 v5, v62  }
0x62: {  	[tilespmem:$0x2E0] =	vst v6;
	v6 =	vadd.s32 v5, v63  }
0x63: {  	[tilespmem:$0x230] =	vst v6;
	v6 =	vadd.s32 v5, v7  }
0x64: {  	[tilespmem:$0x2F0] =	vst v6  }
0x65: {  	[tilespmem:s30], [sflag:$0x2] =	stream.indirect.gather [hbm4b:s4+s19], $0x90, s29, s19, $0xb8;
	[tilespmem:$0x1E540] =	vst v63  }
0x66: {  	_ = 	snop  }
0x67: {  	v6 =	vor.u32 s9, v0;
	[tilespmem:s0], [sflag:$0x2] =	stream.indirect.gather [hbm4b:s6+s19], $0x10, s31, s19, $0xb8;
	[tilespmem:$0x1E540] =	vst v63  }
0x68: {  	v7 =	vmul.u32 $0x90, v6;
	v6 =	vshll.u32 v6, $0x4;
	_ =	swait.ge [sflag:s2], $0x3600  }
0x69: {  	v6 =	vor.u32 v3, v6;
	[sflag:s2] =	ssyncset.done $0x0  }
0x6a: {  	v7 =	vadd.s32 v2, v7;
	[sflag:s2] =	ssyncadd.s32 $0xFFFFCA00  }
0x6b: {  	_ =	swait.ge [sflag:s2], $0x600  }
0x6c: {  	[sflag:s2] =	ssyncset.done $0x0  }
0x6d: {  	[sflag:s2] =	ssyncadd.s32 $0xFFFFFA00  }
0x6e: {  	v6 =	vld.idx.msk [tilespmem:v6+s25+$0x0], $0xffff  }
0x6f: {  	v7 =	vld.idx.msk [tilespmem:v7+s23+$0x0], $0xffff;
	_ =	sdelay $0x4  }
0x70: {  	v6 =	vadd.f32 v6, v7;
	_ =	sdelay $0x1  }
0x71: {  	v7 =	vmul.f32 $2.000000030e-01, v6  }
0x72: {  	vm1 =	vge.f32 v6, $0.0e+00  }
0x73: {  	v6 =	vsel vm1, v6, v7  }
0x74: {  	v6 =	vmul.f32 $1.442695020e+00, v6;
	_ =	sdelay $0x1  }
0x75: {  	(erf) = vpow2.f32 v6;
	_ =	sdelay $0x2  }
0x76: {  	s18 =	simm.s32 $0x4  }
0x77: {  	v6 =	vor.u32 s18, v0  }
0x78: {  	v7 =	vmul.u32 $0x90, v6;
	v6 =	vshll.u32 v6, $0x4  }
0x79: {  	v6 =	vor.u32 v3, v6  }
0x7a: {  	v7 =	vadd.s32 v2, v7;
	_ =	sdelay $0x1  }
0x7b: {  	s13 =	simm.s32 $0x7BC0;
	v8 =	vpop (erf)  }
0x7c: {  	[tilespmem:s13+$0x0] =	vst v8  }
0x7d: {  	v6 =	vld.idx.msk [tilespmem:v6+s25+$0x0], $0xffff  }
0x7e: {  	v7 =	vld.idx.msk [tilespmem:v7+s23+$0x0], $0xffff;
	_ =	sdelay $0x4  }
0x7f: {  	v6 =	vadd.f32 v6, v7;
	_ =	sdelay $0x1  }
0x80: {  	v7 =	vmul.f32 $2.000000030e-01, v6  }
0x81: {  	vm1 =	vge.f32 v6, $0.0e+00  }
0x82: {  	v6 =	vsel vm1, v6, v7  }
0x83: {  	v6 =	vmul.f32 $1.442695020e+00, v6;
	_ =	sdelay $0x1  }
0x84: {  	(erf) = vpow2.f32 v6;
	_ =	sdelay $0x2  }
0x85: {  	s21 =	simm.s32 $0x8  }
0x86: {  	s12 =	simm.s32 $0xC;
	s5 =	simm.s32 $0x7BC0;
	v6 =	vor.u32 s21, v0  }
.LBB2_4:
0x87: {  	p0 =	sne.s32 s12, $0x5C;
	v7 =	vmul.u32 $0x90, v6;
	v6 =	vshll.u32 v6, $0x4  }
0x88: {  	v6 =	vor.u32 v3, v6  }
0x89: {  	v7 =	vadd.s32 v2, v7;
	_ =	sdelay $0x1  }
0x8a: {  	s5 =	sadd.s32 $0x10, s5;
	v8 =	vpop (erf)  }
0x8b: {  	[tilespmem:s5+$0x0] =	vst v8  }
0x8c: {  	v6 =	vld.idx.msk [tilespmem:v6+s25+$0x0], $0xffff  }
0x8d: {  	v7 =	vld.idx.msk [tilespmem:v7+s23+$0x0], $0xffff;
	_ =	sdelay $0x5  }
0x8e: {  	v6 =	vadd.f32 v6, v7;
	_ =	sdelay $0x1  }
0x8f: {  	v7 =	vmul.f32 $2.000000030e-01, v6  }
0x90: {  	vm1 =	vge.f32 v6, $0.0e+00  }
0x91: {  	v6 =	vsel vm1, v6, v7  }
0x92: {  	v6 =	vmul.f32 $1.442695020e+00, v6;
	_ =	sdelay $0x1  }
.Ltmp4:
0x93: {  	(erf) = vpow2.f32 v6;
	(pc) =	sbr.rel @p0 .LBB2_4-.Ltmp4, $2  }
0x94: {  	_ =	sdelay $0x2  }
0x95: {  	v6 =	vor.u32 s12, v0;
	s12 =	sadd.s32 $0x4, s12  }
0x96: {  	v7 =	vmul.u32 $0x90, v6;
	v6 =	vshll.u32 v6, $0x4  }
0x97: {  	v6 =	vor.u32 v3, v6  }
0x98: {  	v7 =	vadd.s32 v2, v7;
	_ =	sdelay $0x1  }
0x99: {  	s5 =	sadd.s32 $0x10, s5;
	v8 =	vpop (erf)  }
0x9a: {  	[tilespmem:s5+$0x0] =	vst v8  }
0x9b: {  	v6 =	vld.idx.msk [tilespmem:v6+s25+$0x0], $0xffff  }
0x9c: {  	v7 =	vld.idx.msk [tilespmem:v7+s23+$0x0], $0xffff;
	_ =	sdelay $0x4  }
0x9d: {  	v6 =	vadd.f32 v6, v7;
	_ =	sdelay $0x1  }
0x9e: {  	v7 =	vmul.f32 $2.000000030e-01, v6  }
0x9f: {  	vm1 =	vge.f32 v6, $0.0e+00  }
0xa0: {  	v6 =	vsel vm1, v6, v7  }
0xa1: {  	v6 =	vmul.f32 $1.442695020e+00, v6;
	_ =	sdelay $0x1  }
0xa2: {  	(erf) = vpow2.f32 v6;
	_ =	sdelay $0x8  }
0xa3: {  	s5 =	sadd.s32 $0x10, s5;
	v6 =	vpop (erf)  }
0xa4: {  	[tilespmem:s5+$0x0] =	vst v6  }
0xa5: {  	v6 =	vld [tilespmem:s13+$0x0]  }
0xa6: {  	s21 =	simm.s32 $0x4E0  }
0xa7: {  	v8 =	vld [tilespmem:s21+$0xFFFFFF40]  }
0xa8: {  	v9 =	vld [tilespmem:s21+$0xFFFFFF50]  }
0xa9: {  	v10 =	vld [tilespmem:s21+$0xFFFFFEE0]  }
0xaa: {  	v11 =	vld [tilespmem:s21+$0xFFFFFF00];
	v12 =	vbroadcast v6, $0x3  }
0xab: {  	s12 =	simm.s32 $0x0;
	v7 =	vld [tilespmem:s21+$0xFFFFFF10]  }
0xac: {  	v14 =	vmov s12;
	v13 =	vld [tilespmem:s21+$0xFFFFFF30];
	v15 =	vbroadcast v6, $0x0;
	v8 =	vmul.f32 v8, v12  }
0xad: {  	v14 =	vshrl.u32 v14, $0x3;
	v16 =	vld [tilespmem:s21+$0xFFFFFEF0];
	v18 =	vbroadcast v6, $0x1;
	v9 =	vmul.f32 v9, v12  }
0xae: {  	v17 =	vld [tilespmem:s21+$0xFFFFFF20];
	v12 =	vshll.u32 v14, v4;
	v14 =	vbroadcast v6, $0x2;
	v10 =	vmul.f32 v15, v10;
	[tilespmem:s21+$0xFFFFFF40] =	vst v8  }
0xaf: {  	v11 =	vmul.f32 v11, v18;
	v8 =	vbroadcast v12, $0x0;
	v12 =	vld [tilespmem:s21+$0xFFFFFFC0];
	[tilespmem:s21+$0xFFFFFF50] =	vst v9  }
0xb0: {  	v7 =	vmul.f32 v7, v18;
	[tilespmem:s21+$0xFFFFFEE0] =	vst v10;
	v10 =	vld [tilespmem:s21+$0xFFFFFF70]  }
0xb1: {  	v9 =	vmul.f32 v13, v14;
	[tilespmem:s21+$0xFFFFFF00] =	vst v11;
	v11 =	vld [tilespmem:s21+$0xFFFFFFE0];
	v13 =	vor.u32 v1, v8  }
0xb2: {  	v15 =	vmul.f32 v16, v15;
	[tilespmem:s21+$0xFFFFFF10] =	vst v7;
	v7 =	vld [tilespmem:s21+$0xFFFFFFA0]  }
0xb3: {  	v53 =	vbroadcast v6, $0x4;
	v14 =	vmul.f32 v17, v14;
	[tilespmem:s21+$0xFFFFFF30] =	vst v9;
	v9 =	vld [tilespmem:s21+$0xFFFFFF80]  }
0xb4: {  	v54 =	vbroadcast v6, $0x7;
	[tilespmem:s21+$0xFFFFFEF0] =	vst v15;
	v15 =	vld [tilespmem:s21+$0xFFFFFF90]  }
0xb5: {  	v55 =	vbroadcast v6, $0x5;
	[tilespmem:s21+$0xFFFFFF20] =	vst v14;
	v14 =	vld [tilespmem:s21+$0xFFFFFFB0];
	v10 =	vmul.f32 v10, v53  }
0xb6: {  	v11 =	vmul.f32 v11, v54;
	v13 =	vld.idx.msk [tilespmem:v13+s16+$0x0], $0xffff  }
0xb7: {  	v56 =	vbroadcast v6, $0x6;
	v7 =	vmul.f32 v7, v55;
	[tilespmem:s21+$0xFFFFFF70] =	vst v10;
	v10 =	vld [tilespmem:s21+$0xFFFFFFD0]  }
0xb8: {  	v9 =	vmul.f32 v9, v53;
	[tilespmem:s21+$0xFFFFFFE0] =	vst v11;
	v11 =	vld [tilespmem:s21+$0x50]  }
0xb9: {  	[tilespmem:s21+$0xFFFFFFA0] =	vst v7;
	v7 =	vmul.f32 v12, v56;
	v12 =	vld [tilespmem:s21+$0x40]  }
0xba: {  	[tilespmem:s21+$0xFFFFFF80] =	vst v9;
	v9 =	vmul.f32 v14, v56  }
0xbb: {  	v8 =	vor.u32 v3, v8;
	v15 =	vmul.f32 v15, v55;
	v14 =	vbroadcast v6, $0xA;
	[tilespmem:s21+$0xFFFFFFC0] =	vst v7;
	v7 =	vld [tilespmem:s21+$0x70]  }
0xbc: {  	[tilespmem:s21+$0xFFFFFFB0] =	vst v9;
	v9 =	vld [tilespmem:s21+$0x30]  }
0xbd: {  	[tilespmem:s21+$0xFFFFFF90] =	vst v15;
	v10 =	vmul.f32 v10, v54;
	v13 =	vnsel vm0, $0x0, v13;
	v11 =	vmul.f32 v11, v14  }
0xbe: {  	v15 =	vld [tilespmem:s21+$0x20];
	v12 =	vmul.f32 v12, v14;
	v14 =	vbroadcast v6, $0xB;
	[tilespmem:s21+$0xFFFFFF60] =	vst v13  }
0xbf: {  	s17 =	simm.s32 $0x8;
	v13 =	vbroadcast v6, $0x9;
	[tilespmem:s21+$0xFFFFFFD0] =	vst v10;
	v10 =	vld [tilespmem:s21+$0x0]  }
0xc0: {  	v57 =	vmov s17;
	v7 =	vmul.f32 v7, v14;
	v8 =	vld.idx.msk [tilespmem:v8+s16+$0x0], $0xffff;
	[tilespmem:s21+$0x50] =	vst v11  }
0xc1: {  	v58 =	vld [tilespmem:s21+$0x10];
	v11 =	vshrl.u32 v57, $0x3;
	[tilespmem:s21+$0x40] =	vst v12;
	v9 =	vmul.f32 v9, v13  }
0xc2: {  	v59 =	vld [tilespmem:s21+$0x60];
	v12 =	vbroadcast v6, $0x8;
	v11 =	vshll.u32 v11, v4;
	[tilespmem:s21+$0x70] =	vst v7  }
0xc3: {  	v13 =	vmul.f32 v15, v13;
	v7 =	vld [tilespmem:s21+$0xE0];
	[tilespmem:s21+$0x30] =	vst v9;
	v9 =	vbroadcast v11, $0x0  }
0xc4: {  	v11 =	vld [tilespmem:s21+$0xD0];
	v10 =	vmul.f32 v10, v12  }
0xc5: {  	v60 =	vld [tilespmem:s21+$0x90];
	[tilespmem:s21+$0x20] =	vst v13;
	v9 =	vor.u32 v1, v9  }
0xc6: {  	v13 =	vld [tilespmem:s21+$0xC0];
	v8 =	vnsel vm0, $0x0, v8;
	[tilespmem:s21+$0x0] =	vst v10;
	v10 =	vmul.f32 v58, v12  }
0xc7: {  	v12 =	vbroadcast v6, $0xE;
	[tilespmem:s21+$0xFFFFFFF0] =	vst v8;
	v8 =	vmul.f32 v59, v14;
	v14 =	vld [tilespmem:s21+$0xB0]  }
0xc8: {  	s18 =	simm.s32 $0xC;
	v61 =	vbroadcast v6, $0xD;
	v15 =	vld [tilespmem:s21+$0x100];
	[tilespmem:s21+$0x10] =	vst v10  }
0xc9: {  	v62 =	vmov s18;
	[tilespmem:s21+$0x60] =	vst v8;
	v8 =	vmul.f32 v7, v12;
	v19 =	vmul.f32 v11, v12;
	v11 =	vld [tilespmem:s21+$0xF0]  }
0xca: {  	v7 =	vbroadcast v6, $0xC;
	v12 =	vshrl.u32 v62, $0x3;
	v10 =	vld.idx.msk [tilespmem:v9+s16+$0x0], $0xffff  }
0xcb: {  	v6 =	vbroadcast v6, $0xF;
	v63 =	vmul.f32 v13, v61;
	v13 =	vshll.u32 v12, v4;
	v9 =	vld [tilespmem:s21+$0xA0];
	[tilespmem:s21+$0xE0] =	vst v8  }
0xcc: {  	[tilespmem:s21+$0xD0] =	vst v19;
	v13 =	vbroadcast v13, $0x0;
	v12 =	vmul.f32 v14, v61  }
0xcd: {  	s12 =	simm.s32 $0x4E0;
	s5 =	simm.s32 $0x1C;
	v8 =	vmul.f32 v60, v7;
	[tilespmem:s21+$0xC0] =	vst v63;
	v14 =	vmul.f32 v15, v6  }
.LBB2_6:
0xce: {  	p0 =	sne.s32 s5, $0x17C;
	[tilespmem:s21+$0xB0] =	vst v12;
	v12 =	vor.u32 v3, v13;
	s13 =	sadd.s32 $0x10, s13;
	s12 =	sadd.s32 $0x240, s12  }
0xcf: {  	s17 =	smov.u32 s5;
	s5 =	sadd.s32 $0x10, s5;
	[tilespmem:s21+$0x100] =	vst v14  }
0xd0: {  	v7 =	vmul.f32 v9, v7;
	v10 =	vnsel vm0, $0x0, v10;
	[tilespmem:s21+$0x90] =	vst v8;
	v6 =	vmul.f32 v11, v6  }
0xd1: {  	[tilespmem:s21+$0x80] =	vst v10  }
0xd2: {  	[tilespmem:s21+$0xA0] =	vst v7  }
0xd3: {  	[tilespmem:s21+$0xF0] =	vst v6  }
0xd4: {  	v6 =	vld.idx.msk [tilespmem:v12+s16+$0x0], $0xffff;
	_ =	sdelay $0x4  }
0xd5: {  	v7 =	vld [tilespmem:s12+$0xFFFFFF10]  }
0xd6: {  	v6 =	vnsel vm0, $0x0, v6;
	v8 =	vld [tilespmem:s12+$0xFFFFFF30]  }
0xd7: {  	s18 =	sadd.s32 $0xFFFFFFF4, s17;
	v9 =	vld [tilespmem:s12+$0xFFFFFF50];
	[tilespmem:s21+$0x110] =	vst v6;
	s21 =	smov.u32 s12  }
0xd8: {  	v6 =	vmov s18;
	v10 =	vld [tilespmem:s13+$0x0]  }
0xd9: {  	v6 =	vshrl.u32 v6, $0x3;
	v11 =	vld [tilespmem:s12+$0xFFFFFF40]  }
0xda: {  	v6 =	vshll.u32 v6, v4;
	v12 =	vld [tilespmem:s12+$0xFFFFFEE0]  }
0xdb: {  	v14 =	vbroadcast v6, $0x0;
	v13 =	vld [tilespmem:s12+$0xFFFFFF00]  }
0xdc: {  	v6 =	vld [tilespmem:s12+$0xFFFFFF20]  }
0xdd: {  	v18 =	vor.u32 v1, v14;
	v15 =	vbroadcast v10, $0x0;
	v16 =	vld [tilespmem:s12+$0xFFFFFEF0];
	v17 =	vbroadcast v10, $0x3  }
0xde: {  	v19 =	vbroadcast v10, $0x1;
	v20 =	vbroadcast v10, $0x2  }
0xdf: {  	v12 =	vmul.f32 v15, v12;
	v11 =	vmul.f32 v11, v17  }
0xe0: {  	v9 =	vmul.f32 v9, v17;
	v13 =	vmul.f32 v13, v19  }
0xe1: {  	v8 =	vmul.f32 v8, v20;
	[tilespmem:s12+$0xFFFFFEE0] =	vst v12;
	v6 =	vmul.f32 v6, v20;
	v12 =	vld [tilespmem:s12+$0x90]  }
0xe2: {  	v7 =	vmul.f32 v7, v19;
	v15 =	vmul.f32 v16, v15;
	[tilespmem:s12+$0xFFFFFF40] =	vst v11;
	v11 =	vld [tilespmem:s12+$0xFFFFFFC0]  }
0xe3: {  	v17 =	vbroadcast v10, $0x7;
	v16 =	vbroadcast v10, $0x4;
	[tilespmem:s12+$0xFFFFFF50] =	vst v9;
	v9 =	vld [tilespmem:s12+$0xFFFFFF70]  }
0xe4: {  	v19 =	vbroadcast v10, $0x6;
	[tilespmem:s12+$0xFFFFFF00] =	vst v13;
	v13 =	vbroadcast v10, $0x5;
	v20 =	vld [tilespmem:s12+$0xFFFFFFE0]  }
0xe5: {  	v21 =	vbroadcast v10, $0x9;
	v22 =	vbroadcast v10, $0xA;
	[tilespmem:s12+$0xFFFFFF30] =	vst v8;
	v8 =	vld [tilespmem:s12+$0xFFFFFF80]  }
0xe6: {  	v23 =	vbroadcast v10, $0x8;
	v24 =	vbroadcast v10, $0xB;
	[tilespmem:s12+$0xFFFFFEF0] =	vst v15;
	v15 =	vld [tilespmem:s12+$0xFFFFFF90]  }
0xe7: {  	v26 =	vbroadcast v10, $0xD;
	v27 =	vbroadcast v10, $0xE;
	[tilespmem:s12+$0xFFFFFF10] =	vst v7;
	v25 =	vld [tilespmem:s12+$0xFFFFFFA0]  }
0xe8: {  	[tilespmem:s12+$0xFFFFFF20] =	vst v6;
	v9 =	vmul.f32 v9, v16;
	v28 =	vld [tilespmem:s12+$0xFFFFFFB0];
	v6 =	vbroadcast v10, $0xF  }
0xe9: {  	v7 =	vbroadcast v10, $0xC;
	v18 =	vld.idx.msk [tilespmem:v18+s16+$0x0], $0xffff;
	v20 =	vmul.f32 v20, v17  }
0xea: {  	[tilespmem:s12+$0xFFFFFF70] =	vst v9;
	v9 =	vmul.f32 v8, v16  }
0xeb: {  	v8 =	vmul.f32 v12, v7;
	v10 =	vmul.f32 v15, v13;
	v15 =	vld [tilespmem:s12+$0xFFFFFFD0];
	[tilespmem:s12+$0xFFFFFFE0] =	vst v20  }
0xec: {  	[tilespmem:s12+$0xFFFFFF80] =	vst v9;
	v9 =	vmul.f32 v25, v13  }
0xed: {  	[tilespmem:s12+$0xFFFFFF90] =	vst v10;
	v10 =	vmul.f32 v28, v19;
	v12 =	vld [tilespmem:s12+$0x50]  }
0xee: {  	[tilespmem:s12+$0xFFFFFFA0] =	vst v9;
	v9 =	vmul.f32 v11, v19;
	v11 =	vor.u32 v3, v14;
	v13 =	vld [tilespmem:s12+$0x40]  }
0xef: {  	v14 =	vnsel vm0, $0x0, v18;
	[tilespmem:s12+$0xFFFFFFB0] =	vst v10;
	v10 =	vld [tilespmem:s12+$0x30]  }
0xf0: {  	[tilespmem:s12+$0xFFFFFFC0] =	vst v9;
	v9 =	vmul.f32 v15, v17;
	v15 =	vld [tilespmem:s12+$0x70]  }
0xf1: {  	[tilespmem:s12+$0xFFFFFF60] =	vst v14;
	v14 =	vld [tilespmem:s12+$0x20]  }
0xf2: {  	s18 =	sadd.s32 $0xFFFFFFFC, s17;
	[tilespmem:s12+$0xFFFFFFD0] =	vst v9;
	v9 =	vld [tilespmem:s12+$0x0];
	v12 =	vmul.f32 v12, v22  }
0xf3: {  	v16 =	vmov s18;
	v11 =	vld.idx.msk [tilespmem:v11+s16+$0x0], $0xffff;
	v13 =	vmul.f32 v13, v22  }
0xf4: {  	v17 =	vld [tilespmem:s12+$0x10];
	v10 =	vmul.f32 v10, v21;
	[tilespmem:s12+$0x50] =	vst v12;
	v12 =	vshrl.u32 v16, $0x3  }
0xf5: {  	[tilespmem:s12+$0x40] =	vst v13;
	v13 =	vld [tilespmem:s12+$0x60];
	v15 =	vmul.f32 v15, v24;
	v12 =	vshll.u32 v12, v4  }
0xf6: {  	v14 =	vmul.f32 v14, v21;
	[tilespmem:s12+$0x30] =	vst v10;
	v10 =	vbroadcast v12, $0x0  }
0xf7: {  	v9 =	vmul.f32 v9, v23;
	[tilespmem:s12+$0x70] =	vst v15;
	v12 =	vld [tilespmem:s12+$0xE0]  }
0xf8: {  	[tilespmem:s12+$0x20] =	vst v14;
	v10 =	vor.u32 v1, v10;
	v14 =	vld [tilespmem:s12+$0xD0]  }
0xf9: {  	v11 =	vnsel vm0, $0x0, v11;
	[tilespmem:s12+$0x0] =	vst v9;
	v9 =	vmul.f32 v17, v23;
	v15 =	vld [tilespmem:s12+$0xC0]  }
0xfa: {  	[tilespmem:s12+$0xFFFFFFF0] =	vst v11;
	v11 =	vmul.f32 v13, v24;
	v13 =	vld [tilespmem:s12+$0xB0]  }
0xfb: {  	[tilespmem:s12+$0x10] =	vst v9;
	v16 =	vld [tilespmem:s12+$0x100]  }
.Ltmp5:
0xfc: {  	[tilespmem:s12+$0x60] =	vst v11;
	v9 =	vld [tilespmem:s12+$0xA0];
	v11 =	vmul.f32 v12, v27;
	v12 =	vmov s17;
	(pc) =	sbr.rel @p0 .LBB2_6-.Ltmp5, $4  }
0xfd: {  	v10 =	vld.idx.msk [tilespmem:v10+s16+$0x0], $0xffff;
	v14 =	vmul.f32 v14, v27;
	v12 =	vshrl.u32 v12, $0x3  }
0xfe: {  	v15 =	vmul.f32 v15, v26;
	[tilespmem:s12+$0xE0] =	vst v11;
	v11 =	vld [tilespmem:s12+$0xF0];
	v17 =	vshll.u32 v12, v4  }
0xff: {  	v12 =	vmul.f32 v13, v26;
	[tilespmem:s12+$0xD0] =	vst v14;
	v13 =	vbroadcast v17, $0x0  }
0x100: {  	[tilespmem:s12+$0xC0] =	vst v15;
	v14 =	vmul.f32 v16, v6  }
0x101: {  	[tilespmem:s21+$0xB0] =	vst v12  }
0x102: {  	v62 =	vor.u32 v3, v13;
	[tilespmem:s21+$0x90] =	vst v8  }
0x103: {  	v7 =	vmul.f32 v9, v7;
	[tilespmem:s21+$0x100] =	vst v14;
	v10 =	vnsel vm0, $0x0, v10  }
0x104: {  	v6 =	vmul.f32 v11, v6;
	[tilespmem:s21+$0x80] =	vst v10  }
0x105: {  	[tilespmem:s21+$0xA0] =	vst v7  }
0x106: {  	[tilespmem:s21+$0xF0] =	vst v6  }
0x107: {  	v6 =	vld.idx.msk [tilespmem:v62+s16+$0x0], $0xffff;
	_ =	sdelay $0x4  }
0x108: {  	v6 =	vnsel vm0, $0x0, v6  }
0x109: {  	[tilespmem:s21+$0x110] =	vst v6  }
0x10a: {  	v6 =	vld [tilespmem:$0x60]  }
0x10b: {  	v7 =	vld [tilespmem:$0x70]  }
0x10c: {  	v8 =	vld [tilespmem:$0x80]  }
0x10d: {  	v63 =	vld [tilespmem:$0x90]  }
0x10e: {  	v10 =	vld [tilespmem:$0xA0]  }
0x10f: {  	[tilespmem:$0x300] =	vst v6;
	v6 =	vld [tilespmem:$0xB0]  }
0x110: {  	[tilespmem:$0x310] =	vst v7  }
0x111: {  	[tilespmem:$0x320] =	vst v8  }
0x112: {  	[tilespmem:$0x330] =	vst v63  }
0x113: {  	p0 =	seq.s32 s10, $0x37;
	[tilespmem:$0x340] =	vst v10  }
0x114: {  	s5 =	smul.u32 @!p0 $0xC0, s10;
	s12 =	simm.s32 @p0 $0x3;
	[tilespmem:$0x350] =	vst v6  }
0x115: {  	[spmem:s1] =	stream.indirect.scatter.add.f32 [tilespmem:s23], [sflag:$0x3], $0x90, s3, s19, $0xb8;
	[tilespmem:$0x1E540] =	vst v63  }
0x116: {  	s13 =	simm.s32 @!p0 $0x2A00;
	s5 =	sadd.s32 @!p0 s5, s14;
	_ =	swait.ge @p0 [sflag:s12], $0x3600  }
0x117: {  	s17 =	simm.s32 @!p0 $0x0;
	s5 =	sshrl.u32 @!p0 s5, $0x3;
	[sflag:s12] =	ssyncset.done @p0 $0x0  }
0x118: {  	s5 =	sadd.s32 @!p0 s7, s5;
	[sflag:s12] =	ssyncadd.s32 @p0 $0xFFFFCA00;
	s12 =	simm.s32 @!p0 $0x60  }
0x119: {  	[tilespmem:s17], [sflag:$0x5] =	stream.strided.gather @!p0 [hbm4b:s5+s12], $0xC0, s13, s12, $0x38;
	[tilespmem:$0x1E540] =	vst v63  }
0x11a: {  	s5 =	simm.s32 @!p0 $0x3  }
0x11b: {  	_ =	swait.ge @!p0 [sflag:s5], $0x3600  }
0x11c: {  	[sflag:s5] =	ssyncset.done @!p0 $0x0  }
0x11d: {  	[sflag:s5] =	ssyncadd.s32 @!p0 $0xFFFFCA00;
	s5 =	simm.s32 @!p0 $0x5  }
0x11e: {  	_ =	swait.ge @!p0 [sflag:s5], $0xC0  }
0x11f: {  	[sflag:s5] =	ssyncset.done @!p0 $0x0  }
0x120: {  	[sflag:s5] =	ssyncadd.s32 @!p0 $0xFFFFFF40  }
0x121: {  	v6 =	vld @!p0 [tilespmem:$0x0]  }
0x122: {  	v7 =	vld @!p0 [tilespmem:$0x60]  }
0x123: {  	v8 =	vld @!p0 [tilespmem:$0x10]  }
0x124: {  	v9 =	vld @!p0 [tilespmem:$0x70]  }
0x125: {  	v10 =	vld @!p0 [tilespmem:$0x20]  }
0x126: {  	v11 =	vld @!p0 [tilespmem:$0x80];
	v6 =	vadd.s32 @!p0 v5, v6  }
0x127: {  	[tilespmem:$0x180] =	vst @!p0 v6;
	v6 =	vadd.s32 @!p0 v5, v7;
	v7 =	vld @!p0 [tilespmem:$0x30]  }
0x128: {  	[tilespmem:$0x240] =	vst @!p0 v6;
	v6 =	vadd.s32 @!p0 v5, v8;
	v8 =	vld @!p0 [tilespmem:$0x90]  }
0x129: {  	[tilespmem:$0x190] =	vst @!p0 v6;
	v6 =	vadd.s32 @!p0 v5, v9;
	v9 =	vld @!p0 [tilespmem:$0x40]  }
0x12a: {  	[tilespmem:$0x250] =	vst @!p0 v6;
	v6 =	vadd.s32 @!p0 v5, v10;
	v10 =	vld @!p0 [tilespmem:$0xA0]  }
0x12b: {  	[tilespmem:$0x1A0] =	vst @!p0 v6;
	v6 =	vadd.s32 @!p0 v5, v11;
	v11 =	vld @!p0 [tilespmem:$0x50]  }
0x12c: {  	[tilespmem:$0x260] =	vst @!p0 v6;
	v6 =	vadd.s32 @!p0 v5, v7;
	v7 =	vld @!p0 [tilespmem:$0xB0]  }
0x12d: {  	[tilespmem:$0x1B0] =	vst @!p0 v6;
	v6 =	vadd.s32 @!p0 v5, v8  }
0x12e: {  	[tilespmem:$0x270] =	vst @!p0 v6;
	v6 =	vadd.s32 @!p0 v5, v9  }
0x12f: {  	[tilespmem:$0x1C0] =	vst @!p0 v6;
	v6 =	vadd.s32 @!p0 v5, v10  }
0x130: {  	[tilespmem:$0x280] =	vst @!p0 v6;
	v6 =	vadd.s32 @!p0 v5, v11  }
0x131: {  	[tilespmem:$0x1D0] =	vst @!p0 v6;
	v6 =	vadd.s32 @!p0 v5, v7  }
0x132: {  	s13 =	simm.s32 @!p0 $0x3C0;
	s5 =	simm.s32 @!p0 $0x180;
	[tilespmem:$0x290] =	vst @!p0 v6  }
0x133: {  	[tilespmem:s13], [sflag:$0x1] =	stream.indirect.gather @!p0 [hbm4b:s4+s12], $0x90, s5, s12, $0xb8;
	[tilespmem:$0x1E540] =	vst v63  }
0x134: {  	s21 =	simm.s32 $0x0;
	s5 =	simm.s32 @!p0 $0x240;
	s13 =	simm.s32 @!p0 $0x6FC0  }
0x135: {  	v6 =	vor.u32 s21, v0;
	[tilespmem:s13], [sflag:$0x1] =	stream.indirect.gather @!p0 [hbm4b:s6+s12], $0x10, s5, s12, $0xb8;
	[tilespmem:$0x1E540] =	vst v63  }
0x136: {  	v7 =	vmul.u32 $0x90, v6;
	v6 =	vshll.u32 v6, $0x4;
	_ =	swait.ge [sflag:s22], $0x3600  }
0x137: {  	v6 =	vor.u32 v3, v6;
	[sflag:s22] =	ssyncset.done $0x0  }
0x138: {  	v7 =	vadd.s32 v2, v7;
	[sflag:s22] =	ssyncadd.s32 $0xFFFFCA00  }
0x139: {  	_ =	swait.ge [sflag:s22], $0x600  }
0x13a: {  	[sflag:s22] =	ssyncset.done $0x0  }
0x13b: {  	[sflag:s22] =	ssyncadd.s32 $0xFFFFFA00  }
0x13c: {  	v6 =	vld.idx.msk [tilespmem:v6+s0+$0x0], $0xffff  }
0x13d: {  	v7 =	vld.idx.msk [tilespmem:v7+s30+$0x0], $0xffff;
	_ =	sdelay $0x4  }
0x13e: {  	v6 =	vadd.f32 v6, v7;
	_ =	sdelay $0x1  }
0x13f: {  	v7 =	vmul.f32 $2.000000030e-01, v6  }
0x140: {  	vm1 =	vge.f32 v6, $0.0e+00  }
0x141: {  	v6 =	vsel vm1, v6, v7  }
0x142: {  	v6 =	vmul.f32 $1.442695020e+00, v6;
	_ =	sdelay $0x1  }
0x143: {  	(erf) = vpow2.f32 v6;
	_ =	sdelay $0x2  }
0x144: {  	s18 =	simm.s32 $0x4  }
0x145: {  	v6 =	vor.u32 s18, v0  }
0x146: {  	v7 =	vmul.u32 $0x90, v6;
	v6 =	vshll.u32 v6, $0x4  }
0x147: {  	v6 =	vor.u32 v3, v6  }
0x148: {  	v7 =	vadd.s32 v2, v7;
	_ =	sdelay $0x1  }
0x149: {  	s13 =	simm.s32 $0x7BC0;
	v8 =	vpop (erf)  }
0x14a: {  	[tilespmem:s13+$0x0] =	vst v8  }
0x14b: {  	v6 =	vld.idx.msk [tilespmem:v6+s0+$0x0], $0xffff  }
0x14c: {  	v7 =	vld.idx.msk [tilespmem:v7+s30+$0x0], $0xffff;
	_ =	sdelay $0x4  }
0x14d: {  	v6 =	vadd.f32 v6, v7;
	_ =	sdelay $0x1  }
0x14e: {  	v7 =	vmul.f32 $2.000000030e-01, v6  }
0x14f: {  	vm1 =	vge.f32 v6, $0.0e+00  }
0x150: {  	v6 =	vsel vm1, v6, v7  }
0x151: {  	v6 =	vmul.f32 $1.442695020e+00, v6;
	_ =	sdelay $0x1  }
0x152: {  	(erf) = vpow2.f32 v6;
	_ =	sdelay $0x2  }
0x153: {  	s21 =	simm.s32 $0x8  }
0x154: {  	s12 =	simm.s32 $0xC;
	s5 =	simm.s32 $0x7BC0;
	v6 =	vor.u32 s21, v0  }
.LBB2_8:
0x155: {  	p1 =	sne.s32 s12, $0x5C;
	v7 =	vmul.u32 $0x90, v6;
	v6 =	vshll.u32 v6, $0x4  }
0x156: {  	v6 =	vor.u32 v3, v6  }
0x157: {  	v7 =	vadd.s32 v2, v7;
	_ =	sdelay $0x1  }
0x158: {  	s5 =	sadd.s32 $0x10, s5;
	v8 =	vpop (erf)  }
0x159: {  	[tilespmem:s5+$0x0] =	vst v8  }
0x15a: {  	v6 =	vld.idx.msk [tilespmem:v6+s0+$0x0], $0xffff  }
0x15b: {  	v7 =	vld.idx.msk [tilespmem:v7+s30+$0x0], $0xffff;
	_ =	sdelay $0x5  }
0x15c: {  	v6 =	vadd.f32 v6, v7;
	_ =	sdelay $0x1  }
0x15d: {  	v7 =	vmul.f32 $2.000000030e-01, v6  }
0x15e: {  	vm1 =	vge.f32 v6, $0.0e+00  }
0x15f: {  	v6 =	vsel vm1, v6, v7  }
0x160: {  	v6 =	vmul.f32 $1.442695020e+00, v6;
	_ =	sdelay $0x1  }
.Ltmp6:
0x161: {  	(erf) = vpow2.f32 v6;
	(pc) =	sbr.rel @p1 .LBB2_8-.Ltmp6, $2  }
0x162: {  	_ =	sdelay $0x2  }
0x163: {  	v6 =	vor.u32 s12, v0;
	s12 =	sadd.s32 $0x4, s12  }
0x164: {  	v7 =	vmul.u32 $0x90, v6;
	v6 =	vshll.u32 v6, $0x4  }
0x165: {  	v6 =	vor.u32 v3, v6  }
0x166: {  	v7 =	vadd.s32 v2, v7;
	_ =	sdelay $0x1  }
0x167: {  	s5 =	sadd.s32 $0x10, s5;
	v8 =	vpop (erf)  }
0x168: {  	[tilespmem:s5+$0x0] =	vst v8  }
0x169: {  	v6 =	vld.idx.msk [tilespmem:v6+s0+$0x0], $0xffff  }
0x16a: {  	v7 =	vld.idx.msk [tilespmem:v7+s30+$0x0], $0xffff;
	_ =	sdelay $0x4  }
0x16b: {  	v6 =	vadd.f32 v6, v7;
	_ =	sdelay $0x1  }
0x16c: {  	v7 =	vmul.f32 $2.000000030e-01, v6  }
0x16d: {  	vm1 =	vge.f32 v6, $0.0e+00  }
0x16e: {  	v6 =	vsel vm1, v6, v7  }
0x16f: {  	v6 =	vmul.f32 $1.442695020e+00, v6;
	_ =	sdelay $0x1  }
0x170: {  	(erf) = vpow2.f32 v6;
	_ =	sdelay $0x8  }
0x171: {  	s5 =	sadd.s32 $0x10, s5;
	v6 =	vpop (erf)  }
0x172: {  	[tilespmem:s5+$0x0] =	vst v6  }
0x173: {  	v6 =	vld [tilespmem:s13+$0x0]  }
0x174: {  	s21 =	simm.s32 $0x3AE0  }
0x175: {  	v8 =	vld [tilespmem:s21+$0xFFFFFF40]  }
0x176: {  	v9 =	vld [tilespmem:s21+$0xFFFFFF50]  }
0x177: {  	v10 =	vld [tilespmem:s21+$0xFFFFFEE0]  }
0x178: {  	v11 =	vld [tilespmem:s21+$0xFFFFFF00];
	v12 =	vbroadcast v6, $0x3  }
0x179: {  	s12 =	simm.s32 $0x0;
	v7 =	vld [tilespmem:s21+$0xFFFFFF10]  }
0x17a: {  	v14 =	vmov s12;
	v13 =	vld [tilespmem:s21+$0xFFFFFF30];
	v15 =	vbroadcast v6, $0x0;
	v8 =	vmul.f32 v8, v12  }
0x17b: {  	v14 =	vshrl.u32 v14, $0x3;
	v16 =	vld [tilespmem:s21+$0xFFFFFEF0];
	v18 =	vbroadcast v6, $0x1;
	v9 =	vmul.f32 v9, v12  }
0x17c: {  	v17 =	vld [tilespmem:s21+$0xFFFFFF20];
	v12 =	vshll.u32 v14, v4;
	v14 =	vbroadcast v6, $0x2;
	v10 =	vmul.f32 v15, v10;
	[tilespmem:s21+$0xFFFFFF40] =	vst v8  }
0x17d: {  	v11 =	vmul.f32 v11, v18;
	v8 =	vbroadcast v12, $0x0;
	v12 =	vld [tilespmem:s21+$0xFFFFFFC0];
	[tilespmem:s21+$0xFFFFFF50] =	vst v9  }
0x17e: {  	v7 =	vmul.f32 v7, v18;
	[tilespmem:s21+$0xFFFFFEE0] =	vst v10;
	v10 =	vld [tilespmem:s21+$0xFFFFFF70]  }
0x17f: {  	v9 =	vmul.f32 v13, v14;
	[tilespmem:s21+$0xFFFFFF00] =	vst v11;
	v11 =	vld [tilespmem:s21+$0xFFFFFFE0];
	v13 =	vor.u32 v1, v8  }
0x180: {  	v15 =	vmul.f32 v16, v15;
	[tilespmem:s21+$0xFFFFFF10] =	vst v7;
	v7 =	vld [tilespmem:s21+$0xFFFFFFA0]  }
0x181: {  	v53 =	vbroadcast v6, $0x4;
	v14 =	vmul.f32 v17, v14;
	[tilespmem:s21+$0xFFFFFF30] =	vst v9;
	v9 =	vld [tilespmem:s21+$0xFFFFFF80]  }
0x182: {  	v54 =	vbroadcast v6, $0x7;
	[tilespmem:s21+$0xFFFFFEF0] =	vst v15;
	v15 =	vld [tilespmem:s21+$0xFFFFFF90]  }
0x183: {  	v55 =	vbroadcast v6, $0x5;
	[tilespmem:s21+$0xFFFFFF20] =	vst v14;
	v14 =	vld [tilespmem:s21+$0xFFFFFFB0];
	v10 =	vmul.f32 v10, v53  }
0x184: {  	v11 =	vmul.f32 v11, v54;
	v13 =	vld.idx.msk [tilespmem:v13+s16+$0x0], $0xffff  }
0x185: {  	v56 =	vbroadcast v6, $0x6;
	v7 =	vmul.f32 v7, v55;
	[tilespmem:s21+$0xFFFFFF70] =	vst v10;
	v10 =	vld [tilespmem:s21+$0xFFFFFFD0]  }
0x186: {  	v9 =	vmul.f32 v9, v53;
	[tilespmem:s21+$0xFFFFFFE0] =	vst v11;
	v11 =	vld [tilespmem:s21+$0x50]  }
0x187: {  	[tilespmem:s21+$0xFFFFFFA0] =	vst v7;
	v7 =	vmul.f32 v12, v56;
	v12 =	vld [tilespmem:s21+$0x40]  }
0x188: {  	[tilespmem:s21+$0xFFFFFF80] =	vst v9;
	v9 =	vmul.f32 v14, v56  }
0x189: {  	v8 =	vor.u32 v3, v8;
	v15 =	vmul.f32 v15, v55;
	v14 =	vbroadcast v6, $0xA;
	[tilespmem:s21+$0xFFFFFFC0] =	vst v7;
	v7 =	vld [tilespmem:s21+$0x70]  }
0x18a: {  	[tilespmem:s21+$0xFFFFFFB0] =	vst v9;
	v9 =	vld [tilespmem:s21+$0x30]  }
0x18b: {  	[tilespmem:s21+$0xFFFFFF90] =	vst v15;
	v10 =	vmul.f32 v10, v54;
	v13 =	vnsel vm0, $0x0, v13;
	v11 =	vmul.f32 v11, v14  }
0x18c: {  	v15 =	vld [tilespmem:s21+$0x20];
	v12 =	vmul.f32 v12, v14;
	v14 =	vbroadcast v6, $0xB;
	[tilespmem:s21+$0xFFFFFF60] =	vst v13  }
0x18d: {  	s17 =	simm.s32 $0x8;
	v13 =	vbroadcast v6, $0x9;
	[tilespmem:s21+$0xFFFFFFD0] =	vst v10;
	v10 =	vld [tilespmem:s21+$0x0]  }
0x18e: {  	v57 =	vmov s17;
	v7 =	vmul.f32 v7, v14;
	v8 =	vld.idx.msk [tilespmem:v8+s16+$0x0], $0xffff;
	[tilespmem:s21+$0x50] =	vst v11  }
0x18f: {  	v58 =	vld [tilespmem:s21+$0x10];
	v11 =	vshrl.u32 v57, $0x3;
	[tilespmem:s21+$0x40] =	vst v12;
	v9 =	vmul.f32 v9, v13  }
0x190: {  	v59 =	vld [tilespmem:s21+$0x60];
	v12 =	vbroadcast v6, $0x8;
	v11 =	vshll.u32 v11, v4;
	[tilespmem:s21+$0x70] =	vst v7  }
0x191: {  	v13 =	vmul.f32 v15, v13;
	v7 =	vld [tilespmem:s21+$0xE0];
	[tilespmem:s21+$0x30] =	vst v9;
	v9 =	vbroadcast v11, $0x0  }
0x192: {  	v11 =	vld [tilespmem:s21+$0xD0];
	v10 =	vmul.f32 v10, v12  }
0x193: {  	v60 =	vld [tilespmem:s21+$0x90];
	[tilespmem:s21+$0x20] =	vst v13;
	v9 =	vor.u32 v1, v9  }
0x194: {  	v13 =	vld [tilespmem:s21+$0xC0];
	v8 =	vnsel vm0, $0x0, v8;
	[tilespmem:s21+$0x0] =	vst v10;
	v10 =	vmul.f32 v58, v12  }
0x195: {  	v12 =	vbroadcast v6, $0xE;
	[tilespmem:s21+$0xFFFFFFF0] =	vst v8;
	v8 =	vmul.f32 v59, v14;
	v14 =	vld [tilespmem:s21+$0xB0]  }
0x196: {  	s18 =	simm.s32 $0xC;
	v61 =	vbroadcast v6, $0xD;
	v15 =	vld [tilespmem:s21+$0x100];
	[tilespmem:s21+$0x10] =	vst v10  }
0x197: {  	v62 =	vmov s18;
	[tilespmem:s21+$0x60] =	vst v8;
	v8 =	vmul.f32 v7, v12;
	v19 =	vmul.f32 v11, v12;
	v11 =	vld [tilespmem:s21+$0xF0]  }
0x198: {  	v7 =	vbroadcast v6, $0xC;
	v12 =	vshrl.u32 v62, $0x3;
	v10 =	vld.idx.msk [tilespmem:v9+s16+$0x0], $0xffff  }
0x199: {  	v6 =	vbroadcast v6, $0xF;
	v63 =	vmul.f32 v13, v61;
	v13 =	vshll.u32 v12, v4;
	v9 =	vld [tilespmem:s21+$0xA0];
	[tilespmem:s21+$0xE0] =	vst v8  }
0x19a: {  	[tilespmem:s21+$0xD0] =	vst v19;
	v13 =	vbroadcast v13, $0x0;
	v12 =	vmul.f32 v14, v61  }
0x19b: {  	s12 =	simm.s32 $0x3AE0;
	s5 =	simm.s32 $0x1C;
	v8 =	vmul.f32 v60, v7;
	[tilespmem:s21+$0xC0] =	vst v63;
	v14 =	vmul.f32 v15, v6  }
.LBB2_10:
0x19c: {  	p1 =	sne.s32 s5, $0x17C;
	[tilespmem:s21+$0xB0] =	vst v12;
	v12 =	vor.u32 v3, v13;
	s13 =	sadd.s32 $0x10, s13;
	s12 =	sadd.s32 $0x240, s12  }
0x19d: {  	s17 =	smov.u32 s5;
	s5 =	sadd.s32 $0x10, s5;
	[tilespmem:s21+$0x100] =	vst v14  }
0x19e: {  	v7 =	vmul.f32 v9, v7;
	v10 =	vnsel vm0, $0x0, v10;
	[tilespmem:s21+$0x90] =	vst v8;
	v6 =	vmul.f32 v11, v6  }
0x19f: {  	[tilespmem:s21+$0x80] =	vst v10  }
0x1a0: {  	[tilespmem:s21+$0xA0] =	vst v7  }
0x1a1: {  	[tilespmem:s21+$0xF0] =	vst v6  }
0x1a2: {  	v6 =	vld.idx.msk [tilespmem:v12+s16+$0x0], $0xffff;
	_ =	sdelay $0x4  }
0x1a3: {  	v7 =	vld [tilespmem:s12+$0xFFFFFF10]  }
0x1a4: {  	v6 =	vnsel vm0, $0x0, v6;
	v8 =	vld [tilespmem:s12+$0xFFFFFF30]  }
0x1a5: {  	s18 =	sadd.s32 $0xFFFFFFF4, s17;
	v9 =	vld [tilespmem:s12+$0xFFFFFF50];
	[tilespmem:s21+$0x110] =	vst v6;
	s21 =	smov.u32 s12  }
0x1a6: {  	v6 =	vmov s18;
	v10 =	vld [tilespmem:s13+$0x0]  }
0x1a7: {  	v6 =	vshrl.u32 v6, $0x3;
	v11 =	vld [tilespmem:s12+$0xFFFFFF40]  }
0x1a8: {  	v6 =	vshll.u32 v6, v4;
	v12 =	vld [tilespmem:s12+$0xFFFFFEE0]  }
0x1a9: {  	v14 =	vbroadcast v6, $0x0;
	v13 =	vld [tilespmem:s12+$0xFFFFFF00]  }
0x1aa: {  	v6 =	vld [tilespmem:s12+$0xFFFFFF20]  }
0x1ab: {  	v18 =	vor.u32 v1, v14;
	v15 =	vbroadcast v10, $0x0;
	v16 =	vld [tilespmem:s12+$0xFFFFFEF0];
	v17 =	vbroadcast v10, $0x3  }
0x1ac: {  	v19 =	vbroadcast v10, $0x1;
	v20 =	vbroadcast v10, $0x2  }
0x1ad: {  	v12 =	vmul.f32 v15, v12;
	v11 =	vmul.f32 v11, v17  }
0x1ae: {  	v9 =	vmul.f32 v9, v17;
	v13 =	vmul.f32 v13, v19  }
0x1af: {  	v8 =	vmul.f32 v8, v20;
	[tilespmem:s12+$0xFFFFFEE0] =	vst v12;
	v6 =	vmul.f32 v6, v20;
	v12 =	vld [tilespmem:s12+$0x90]  }
0x1b0: {  	v7 =	vmul.f32 v7, v19;
	v15 =	vmul.f32 v16, v15;
	[tilespmem:s12+$0xFFFFFF40] =	vst v11;
	v11 =	vld [tilespmem:s12+$0xFFFFFFC0]  }
0x1b1: {  	v17 =	vbroadcast v10, $0x7;
	v16 =	vbroadcast v10, $0x4;
	[tilespmem:s12+$0xFFFFFF50] =	vst v9;
	v9 =	vld [tilespmem:s12+$0xFFFFFF70]  }
0x1b2: {  	v19 =	vbroadcast v10, $0x6;
	[tilespmem:s12+$0xFFFFFF00] =	vst v13;
	v13 =	vbroadcast v10, $0x5;
	v20 =	vld [tilespmem:s12+$0xFFFFFFE0]  }
0x1b3: {  	v21 =	vbroadcast v10, $0x9;
	v22 =	vbroadcast v10, $0xA;
	[tilespmem:s12+$0xFFFFFF30] =	vst v8;
	v8 =	vld [tilespmem:s12+$0xFFFFFF80]  }
0x1b4: {  	v23 =	vbroadcast v10, $0x8;
	v24 =	vbroadcast v10, $0xB;
	[tilespmem:s12+$0xFFFFFEF0] =	vst v15;
	v15 =	vld [tilespmem:s12+$0xFFFFFF90]  }
0x1b5: {  	v26 =	vbroadcast v10, $0xD;
	v27 =	vbroadcast v10, $0xE;
	[tilespmem:s12+$0xFFFFFF10] =	vst v7;
	v25 =	vld [tilespmem:s12+$0xFFFFFFA0]  }
0x1b6: {  	[tilespmem:s12+$0xFFFFFF20] =	vst v6;
	v9 =	vmul.f32 v9, v16;
	v28 =	vld [tilespmem:s12+$0xFFFFFFB0];
	v6 =	vbroadcast v10, $0xF  }
0x1b7: {  	v7 =	vbroadcast v10, $0xC;
	v18 =	vld.idx.msk [tilespmem:v18+s16+$0x0], $0xffff;
	v20 =	vmul.f32 v20, v17  }
0x1b8: {  	[tilespmem:s12+$0xFFFFFF70] =	vst v9;
	v9 =	vmul.f32 v8, v16  }
0x1b9: {  	v8 =	vmul.f32 v12, v7;
	v10 =	vmul.f32 v15, v13;
	v15 =	vld [tilespmem:s12+$0xFFFFFFD0];
	[tilespmem:s12+$0xFFFFFFE0] =	vst v20  }
0x1ba: {  	[tilespmem:s12+$0xFFFFFF80] =	vst v9;
	v9 =	vmul.f32 v25, v13  }
0x1bb: {  	[tilespmem:s12+$0xFFFFFF90] =	vst v10;
	v10 =	vmul.f32 v28, v19;
	v12 =	vld [tilespmem:s12+$0x50]  }
0x1bc: {  	[tilespmem:s12+$0xFFFFFFA0] =	vst v9;
	v9 =	vmul.f32 v11, v19;
	v11 =	vor.u32 v3, v14;
	v13 =	vld [tilespmem:s12+$0x40]  }
0x1bd: {  	v14 =	vnsel vm0, $0x0, v18;
	[tilespmem:s12+$0xFFFFFFB0] =	vst v10;
	v10 =	vld [tilespmem:s12+$0x30]  }
0x1be: {  	[tilespmem:s12+$0xFFFFFFC0] =	vst v9;
	v9 =	vmul.f32 v15, v17;
	v15 =	vld [tilespmem:s12+$0x70]  }
0x1bf: {  	[tilespmem:s12+$0xFFFFFF60] =	vst v14;
	v14 =	vld [tilespmem:s12+$0x20]  }
0x1c0: {  	s18 =	sadd.s32 $0xFFFFFFFC, s17;
	[tilespmem:s12+$0xFFFFFFD0] =	vst v9;
	v9 =	vld [tilespmem:s12+$0x0];
	v12 =	vmul.f32 v12, v22  }
0x1c1: {  	v16 =	vmov s18;
	v11 =	vld.idx.msk [tilespmem:v11+s16+$0x0], $0xffff;
	v13 =	vmul.f32 v13, v22  }
0x1c2: {  	v17 =	vld [tilespmem:s12+$0x10];
	v10 =	vmul.f32 v10, v21;
	[tilespmem:s12+$0x50] =	vst v12;
	v12 =	vshrl.u32 v16, $0x3  }
0x1c3: {  	[tilespmem:s12+$0x40] =	vst v13;
	v13 =	vld [tilespmem:s12+$0x60];
	v15 =	vmul.f32 v15, v24;
	v12 =	vshll.u32 v12, v4  }
0x1c4: {  	v14 =	vmul.f32 v14, v21;
	[tilespmem:s12+$0x30] =	vst v10;
	v10 =	vbroadcast v12, $0x0  }
0x1c5: {  	v9 =	vmul.f32 v9, v23;
	[tilespmem:s12+$0x70] =	vst v15;
	v12 =	vld [tilespmem:s12+$0xE0]  }
0x1c6: {  	[tilespmem:s12+$0x20] =	vst v14;
	v10 =	vor.u32 v1, v10;
	v14 =	vld [tilespmem:s12+$0xD0]  }
0x1c7: {  	v11 =	vnsel vm0, $0x0, v11;
	[tilespmem:s12+$0x0] =	vst v9;
	v9 =	vmul.f32 v17, v23;
	v15 =	vld [tilespmem:s12+$0xC0]  }
0x1c8: {  	[tilespmem:s12+$0xFFFFFFF0] =	vst v11;
	v11 =	vmul.f32 v13, v24;
	v13 =	vld [tilespmem:s12+$0xB0]  }
0x1c9: {  	[tilespmem:s12+$0x10] =	vst v9;
	v16 =	vld [tilespmem:s12+$0x100]  }
.Ltmp7:
0x1ca: {  	[tilespmem:s12+$0x60] =	vst v11;
	v9 =	vld [tilespmem:s12+$0xA0];
	v11 =	vmul.f32 v12, v27;
	v12 =	vmov s17;
	(pc) =	sbr.rel @p1 .LBB2_10-.Ltmp7, $4  }
0x1cb: {  	v10 =	vld.idx.msk [tilespmem:v10+s16+$0x0], $0xffff;
	v14 =	vmul.f32 v14, v27;
	v12 =	vshrl.u32 v12, $0x3  }
0x1cc: {  	v15 =	vmul.f32 v15, v26;
	[tilespmem:s12+$0xE0] =	vst v11;
	v11 =	vld [tilespmem:s12+$0xF0];
	v17 =	vshll.u32 v12, v4  }
0x1cd: {  	v12 =	vmul.f32 v13, v26;
	[tilespmem:s12+$0xD0] =	vst v14;
	v13 =	vbroadcast v17, $0x0  }
0x1ce: {  	[tilespmem:s12+$0xC0] =	vst v15;
	v14 =	vmul.f32 v16, v6  }
0x1cf: {  	[tilespmem:s21+$0xB0] =	vst v12  }
0x1d0: {  	v62 =	vor.u32 v3, v13;
	[tilespmem:s21+$0x90] =	vst v8  }
0x1d1: {  	v7 =	vmul.f32 v9, v7;
	[tilespmem:s21+$0x100] =	vst v14;
	v10 =	vnsel vm0, $0x0, v10  }
0x1d2: {  	v6 =	vmul.f32 v11, v6;
	[tilespmem:s21+$0x80] =	vst v10  }
0x1d3: {  	[tilespmem:s21+$0xA0] =	vst v7  }
0x1d4: {  	[tilespmem:s21+$0xF0] =	vst v6  }
0x1d5: {  	v6 =	vld.idx.msk [tilespmem:v62+s16+$0x0], $0xffff;
	_ =	sdelay $0x4  }
0x1d6: {  	v6 =	vnsel vm0, $0x0, v6  }
0x1d7: {  	[tilespmem:s21+$0x110] =	vst v6  }
0x1d8: {  	v6 =	vld [tilespmem:$0x120]  }
0x1d9: {  	v7 =	vld [tilespmem:$0x130]  }
0x1da: {  	v8 =	vld [tilespmem:$0x140]  }
0x1db: {  	v63 =	vld [tilespmem:$0x150]  }
0x1dc: {  	v10 =	vld [tilespmem:$0x160]  }
0x1dd: {  	[tilespmem:$0x360] =	vst v6;
	v6 =	vld [tilespmem:$0x170]  }
0x1de: {  	[tilespmem:$0x370] =	vst v7  }
.Ltmp8:
0x1df: {  	[tilespmem:$0x380] =	vst v8;
	(pc) =	sbr.rel @p0 .LBB2_13-.Ltmp8, $4  }
0x1e0: {  	[tilespmem:$0x390] =	vst v63  }
0x1e1: {  	[tilespmem:$0x3A0] =	vst v10  }
0x1e2: {  	[tilespmem:$0x3B0] =	vst v6  }
0x1e3: {  	[spmem:s1] =	stream.indirect.scatter.add.f32 [tilespmem:s30], [sflag:$0x4], $0x90, s24, s19, $0xb8;
	[tilespmem:$0x1E540] =	vst v63  }
0x1e4: {  	s5 =	smul.u32 $0xC0, s10  }
.Ltmp9:
0x1e5: {  	_ = 	snop;
	(pc) =	sbr.rel .LBB2_3-.Ltmp9, $4  }
0x1e6: {  	s5 =	sadd.s32 s5, s15  }
0x1e7: {  	s5 =	sshrl.u32 s5, $0x3  }
0x1e8: {  	s10 =	sadd.s32 $0x1, s10;
	s5 =	sadd.s32 s7, s5  }
0x1e9: {  	[tilespmem:s26], [sflag:$0x6] =	stream.strided.gather [hbm4b:s5+s19], $0xC0, s20, s19, $0x38;
	[tilespmem:$0x1E540] =	vst v63  }
.LBB2_15:
0x1ea: {  	_ =	sfence.sel $0x180000  }
0x1eb: {  	[bflag:$0x0] =	sbarrier.arrive $0xFFFF  }
0x1ec: {  	_ =	strace $0x90000047  }
0x1ed: {  	s0 =	stileid.u32;
	[bflag:$0x2] =	sbarrier.arrive $0xFFFF  }
0x1ee: {  	p0 =	sne.s32 s0, $0x0;
	s0 =	rddreg [dreg:$0x2]  }
0x1ef: {  	s0 =	sadd.s32 @!p0 $0x100000, s0  }
0x1f0: {  	[sflag:s0] =	ssyncadd.tile.s32 @!p0 $0x1;
	_ =	shalt  }
.Lfunc_end2:
_tile_overlayer_lowered:
.L_overlay_start_2:
0x1f1: {  	(tag) =	ssettag $0x2  }
0x1f2: {  	s0 =	rddreg [dreg:$0x0];
	s2 =	stileid.u32  }
0x1f3: {  	s1 =	rddreg [dreg:$0x1];
	p0 =	sne.s32 s2, $0x0  }
0x1f4: {  	s3 =	rddreg [dreg:$0x2];
	[bflag:$0x3] =	sbarrier.arrive $0xFFFF;
	s2 =	simm.s32 @!p0 $0x1C07  }
0x1f5: {  	[timem:s3], [sflag:s2] =	dma.local @!p0 [hbm:s0], s1  }
0x1f6: {  	s0 =	simm.s32 @!p0 $0x7  }
0x1f7: {  	_ =	swait.ge @!p0 [sflag:s0], s1  }
0x1f8: {  	s1 =	ssub.s32 @!p0 $0x0, s1;
	[sflag:s0] =	ssyncset.done @!p0 $0x0  }
0x1f9: {  	[sflag:s0] =	ssyncadd.s32 @!p0 s1  }
0x1fa: {  	[bflag:$0x3] =	sbarrier.arrive $0xFFFF  }
0x1fb: {  	_ =	shalt  }

</sc_bundles>
